<compile_context>
chip_gen: v7x
topology: tpu7x:2x2x1
jax: 0.10.2.dev20260603
libtpu: 0.0.44.dev20260713+nightly
codegen_flags: <defaults>
</compile_context>

<pallas_src>
import functools

import jax
import jax.numpy as jnp
from jax import lax
from jax.experimental import pallas as pl
from jax.experimental.pallas import tpu as pltpu
from jax.experimental.pallas import tpu_sc as plsc

N = 10000
E = 320000
D = 128
H1 = 16
H2 = 32
NUM_GRAPHS = 16
NUM_CLASSES = 10

NCORE = 2
NSUB = 16
NTILE = NCORE * NSUB
CH = 128
TPW = 80
NB = 8
EPAD = NTILE * TPW * CH
ER = E // 128
EPR = EPAD // 128
NPAD = 10240
SLICE = NPAD // NSUB

_mesh = plsc.VectorSubcoreMesh(core_axis_name="c", subcore_axis_name="s")
_sc_params = pltpu.CompilerParams(use_tc_tiling_on_sc=False)


@functools.partial(
    pl.kernel,
    out_type=jax.ShapeDtypeStruct((NCORE, NPAD), jnp.float32),
    mesh=_mesh,
    scratch_types=[
        pltpu.VMEM((TPW, CH), jnp.int32),
        pltpu.VMEM((128,), jnp.float32),
        pltpu.VMEM((SLICE,), jnp.float32),
        pltpu.VMEM_SHARED((NPAD,), jnp.float32),
        pltpu.SemaphoreType.DMA,
    ],
    compiler_params=_sc_params,
)
def _deg_sc(dst_hbm, out_hbm, idx_v, ones_v, stage_v, deg_sh, sem):
    c = lax.axis_index("c")
    s = lax.axis_index("s")
    w = c * NSUB + s

    idx_dma = pltpu.async_copy(dst_hbm.at[w], idx_v, sem)

    @pl.loop(0, 128 // 16)
    def _(i):
        ones_v[pl.ds(i * 16, 16)] = jnp.ones((16,), jnp.float32)

    @pl.loop(0, SLICE // 16)
    def _(i):
        stage_v[pl.ds(i * 16, 16)] = jnp.zeros((16,), jnp.float32)

    pltpu.sync_copy(stage_v, deg_sh.at[pl.ds(s * SLICE, SLICE)])
    plsc.subcore_barrier()
    idx_dma.wait()

    @pl.loop(0, TPW, step=NB)
    def _(j0):
        descs = [pltpu.async_copy(ones_v.at[pl.ds(0, CH)],
                                  deg_sh.at[idx_v.at[j0 + b]], sem,
                                  add=True)
                 for b in range(NB)]
        for d in descs:
            d.wait()

    plsc.subcore_barrier()
    pltpu.sync_copy(deg_sh.at[pl.ds(s * SLICE, SLICE)], stage_v)
    pltpu.sync_copy(stage_v, out_hbm.at[c, pl.ds(s * SLICE, SLICE)])


def _make_prop(W):
    @functools.partial(
        pl.kernel,
        out_type=jax.ShapeDtypeStruct((NCORE, NPAD, W), jnp.float32),
        mesh=_mesh,
        scratch_types=[
            pltpu.VMEM((TPW, CH), jnp.int32),
            pltpu.VMEM((TPW, CH), jnp.int32),
            pltpu.VMEM((NB, CH, W), jnp.float32),
            pltpu.VMEM((SLICE, W), jnp.float32),
            pltpu.VMEM_SHARED((NPAD, W), jnp.float32),
        ] + [pltpu.SemaphoreType.DMA] * (2 * NB),
        compiler_params=_sc_params,
    )
    def _prop(tab_hbm, src_hbm, dst_hbm, out_hbm, si_v, di_v, rows_v,
              stage_v, acc_sh, *sems):
        gsems = sems[:NB]
        ssems = sems[NB:]
        c = lax.axis_index("c")
        s = lax.axis_index("s")
        w = c * NSUB + s

        si_dma = pltpu.async_copy(src_hbm.at[w], si_v, gsems[0])
        di_dma = pltpu.async_copy(dst_hbm.at[w], di_v, ssems[0])

        @pl.loop(0, SLICE)
        def _(i):
            for k in range(W // 16):
                stage_v[i, pl.ds(k * 16, 16)] = jnp.zeros((16,), jnp.float32)

        pltpu.sync_copy(stage_v, acc_sh.at[pl.ds(s * SLICE, SLICE)])
        plsc.subcore_barrier()
        si_dma.wait()
        di_dma.wait()

        @pl.loop(0, TPW, step=NB)
        def _(j0):
            gds = [pltpu.async_copy(tab_hbm.at[si_v.at[j0 + b]],
                                    rows_v.at[b], gsems[b])
                   for b in range(NB)]
            sds = []
            for b in range(NB):
                gds[b].wait()
                sds.append(pltpu.async_copy(rows_v.at[b],
                                            acc_sh.at[di_v.at[j0 + b]],
                                            ssems[b], add=True))
            for d in sds:
                d.wait()

        plsc.subcore_barrier()
        pltpu.sync_copy(acc_sh.at[pl.ds(s * SLICE, SLICE)], stage_v)
        pltpu.sync_copy(stage_v, out_hbm.at[c, pl.ds(s * SLICE, SLICE)])

    return _prop


_prop16 = _make_prop(H1)
_prop32 = _make_prop(H2)



R16 = N * H1 // 128
R32 = N * H2 // 128


def _expand_dinv(dinv_l, rep, rows):
    width = 128 * rep
    l_i = lax.broadcasted_iota(jnp.int32, (128, width), 0)
    c_i = lax.broadcasted_iota(jnp.int32, (128, width), 1)
    m = (l_i == c_i // rep).astype(jnp.float32)
    e = jnp.dot(dinv_l, m, preferred_element_type=jnp.float32)
    return jnp.reshape(e, (NPAD * rep // 128, 128))[:rows]


def _edges_body(ei_ref, s_ref, d_ref):
    s_ref[:ER] = jnp.reshape(ei_ref[0:1, :], (ER, 128))
    d_ref[:ER] = jnp.reshape(ei_ref[1:2, :], (ER, 128))
    pi = lax.broadcasted_iota(jnp.int32, (EPR - ER, 128), 0) * 128
    pad = N + (pi + lax.broadcasted_iota(jnp.int32, (EPR - ER, 128), 1)) % (
        NPAD - N)
    s_ref[ER:] = pad
    d_ref[ER:] = pad


def _pre_body(deg_ref, x_ref, w1_ref, hs1_ref, de16_ref, de32_ref):
    deg = deg_ref[0] + deg_ref[1] + 1.0
    dinv_l = lax.rsqrt(deg)
    e16 = _expand_dinv(dinv_l, H1, R16)
    e32 = _expand_dinv(dinv_l, H2, R32)
    de16_ref[...] = e16
    de32_ref[...] = e32
    x8 = jnp.reshape(x_ref[...], (R16, 8 * D))
    w1r = jnp.reshape(jnp.broadcast_to(w1_ref[...][:, None, :],
                                       (D, 8, H1)), (D, 128))
    w1big = jnp.concatenate([w1r] * 8, axis=0)
    r_i = lax.broadcasted_iota(jnp.int32, (8 * D, 128), 0)
    c_i = lax.broadcasted_iota(jnp.int32, (8 * D, 128), 1)
    w1big = jnp.where(r_i // D == c_i // H1, w1big, 0.0)
    h_p = jnp.dot(x8, w1big, preferred_element_type=jnp.float32)
    hs1_ref[:R16] = h_p * e16
    hs1_ref[R16:] = jnp.zeros((NPAD * H1 // 128 - R16, 128), jnp.float32)


def _layer_body(a_ref, hs1_ref, de16_ref, de32_ref, w2_ref, b1_ref, o_ref):
    accp = a_ref[0, :R16] + a_ref[1, :R16] + hs1_ref[:R16]
    b1t = jnp.reshape(jnp.broadcast_to(b1_ref[...][:, None, :],
                                       (1, 128 // H1, H1)), (1, 128))
    z1p = jnp.maximum(accp * de16_ref[...] + b1t, 0.0)
    w2r = jnp.reshape(jnp.broadcast_to(w2_ref[...][:, None, :],
                                       (H1, 256 // H2, H2)), (H1, 256))
    w2big = jnp.concatenate([w2r] * (128 // H1), axis=0)
    r_i = lax.broadcasted_iota(jnp.int32, (128, 256), 0)
    c_i = lax.broadcasted_iota(jnp.int32, (128, 256), 1)
    w2big = jnp.where(r_i // H1 == c_i // H2, w2big, 0.0)
    h2 = jnp.dot(z1p, w2big, preferred_element_type=jnp.float32)
    h2p = jnp.reshape(h2, (R32, 128))
    o_ref[:R32] = h2p * de32_ref[...]
    o_ref[R32:] = jnp.zeros((NPAD * H2 // 128 - R32, 128), jnp.float32)


def _final_body(a_ref, hs2_ref, de32_ref, b2_ref, batch_ref, wo_ref,
                bo_ref, o_ref):
    accp = a_ref[0, :R32] + a_ref[1, :R32] + hs2_ref[:R32]
    b2t = jnp.reshape(jnp.broadcast_to(b2_ref[...][:, None, :],
                                       (1, 128 // H2, H2)), (1, 128))
    z2p = jnp.maximum(accp * de32_ref[...] + b2t, 0.0)
    gid = lax.broadcasted_iota(jnp.int32, (NUM_GRAPHS, R32), 0)
    sums = jnp.zeros((NUM_GRAPHS, H2), jnp.float32)
    cnts = jnp.zeros((NUM_GRAPHS, 1), jnp.float32)
    for b in range(4):
        pb = (batch_ref[b:b + 1, :] == gid).astype(jnp.float32)
        sb = jnp.dot(pb, z2p, preferred_element_type=jnp.float32)
        sums = sums + sb[:, b * H2:(b + 1) * H2]
        cnts = cnts + jnp.sum(pb, axis=1, keepdims=True)
    g = sums / jnp.maximum(cnts, 1.0)
    o_ref[...] = jnp.dot(g, wo_ref[...],
                         preferred_element_type=jnp.float32) + bo_ref[...]


def _tc(body, out_shape, *args):
    return pl.pallas_call(body, out_shape=out_shape)(*args)


def kernel(x, edge_index, batch, W1, b1, W2, b2, W_out, b_out):
    f32 = jnp.float32
    sd = jax.ShapeDtypeStruct
    srcl, dstl = _tc(
        _edges_body,
        (sd((EPR, 128), jnp.int32), sd((EPR, 128), jnp.int32)),
        edge_index)
    src_p = srcl.reshape(NTILE, TPW, CH)
    dst_p = dstl.reshape(NTILE, TPW, CH)
    batch_s = jnp.transpose(batch.reshape(R32, 4))

    deg2 = _deg_sc(dst_p)
    hs1_lin, de16, de32 = _tc(
        _pre_body,
        (sd((NPAD * H1 // 128, 128), f32), sd((R16, 128), f32),
         sd((R32, 128), f32)),
        deg2.reshape(NCORE, NPAD // 128, 128), x, W1)
    acc1 = _prop16(hs1_lin.reshape(NPAD, H1), src_p, dst_p)
    hs2_lin = _tc(
        _layer_body, sd((NPAD * H2 // 128, 128), f32),
        acc1.reshape(NCORE, NPAD * H1 // 128, 128), hs1_lin, de16, de32,
        W2, b1.reshape(1, H1))
    acc2 = _prop32(hs2_lin.reshape(NPAD, H2), src_p, dst_p)
    out = _tc(
        _final_body, sd((NUM_GRAPHS, NUM_CLASSES), f32),
        acc2.reshape(NCORE, NPAD * H2 // 128, 128), hs2_lin, de32,
        b2.reshape(1, H2), batch_s, W_out,
        b_out.reshape(1, NUM_CLASSES))
    return out

# --- scband reference (transcript-rebuilt; emitter-appended) ---
"""Pipeline reference for scband-net-13640816132931 (READ-ONLY COPY).

The authoritative reference and input builder live on the scoring server;
editing this copy changes nothing except your own understanding.
"""

import jax, jax.numpy as jnp
import numpy as np

N = 10000
E = 320000
D = 128
H1 = 16
H2 = 32
NUM_GRAPHS = 16
NUM_CLASSES = 10


def gcn_conv(x, edge_index, W, b, num_nodes):
    # GCNConv: symmetric normalization with self-loops
    src = edge_index[0]
    dst = edge_index[1]
    loop = jnp.arange(num_nodes, dtype=src.dtype)
    src = jnp.concatenate([src, loop])
    dst = jnp.concatenate([dst, loop])
    deg = jnp.zeros((num_nodes,), dtype=x.dtype).at[dst].add(1.0)
    dinv = jnp.where(deg > 0, 1.0 / jnp.sqrt(deg), 0.0)
    norm = dinv[src] * dinv[dst]
    h = x @ W
    msg = h[src] * norm[:, None]
    out = jax.ops.segment_sum(msg, dst, num_segments=num_nodes)
    return out + b


def global_mean_pool(x, batch, num_graphs):
    sums = jax.ops.segment_sum(x, batch, num_segments=num_graphs)
    cnts = jax.ops.segment_sum(jnp.ones((x.shape[0],), dtype=x.dtype), batch, num_segments=num_graphs)
    return sums / jnp.clip(cnts, 1.0)[:, None]


def setup_inputs(seed: int = 0) -> dict:
    key = jax.random.key(seed)
    ks = jax.random.split(key, 10)
    x = jax.random.normal(ks[0], (N, D), dtype=jnp.float32)
    edge_index = jax.random.randint(ks[1], (2, E), 0, N, dtype=jnp.int32)
    batch = jnp.sort(jax.random.randint(ks[2], (N,), 0, NUM_GRAPHS, dtype=jnp.int32))
    W1 = jax.random.normal(ks[3], (D, H1), dtype=jnp.float32) * (1.0 / np.sqrt(D))
    b1 = jnp.zeros((H1,), dtype=jnp.float32)
    W2 = jax.random.normal(ks[4], (H1, H2), dtype=jnp.float32) * (1.0 / np.sqrt(H1))
    b2 = jnp.zeros((H2,), dtype=jnp.float32)
    W_out = jax.random.normal(ks[5], (H2, NUM_CLASSES), dtype=jnp.float32) * (1.0 / np.sqrt(H2))
    b_out = jnp.zeros((NUM_CLASSES,), dtype=jnp.float32)
    return {"x": x, "edge_index": edge_index, "batch": batch,
            "W1": W1, "b1": b1, "W2": W2, "b2": b2,
            "W_out": W_out, "b_out": b_out}


def reference(x, edge_index, batch, W1, b1, W2, b2, W_out, b_out):
    h = jax.nn.relu(gcn_conv(x, edge_index, W1, b1, N))
    h = jax.nn.relu(gcn_conv(h, edge_index, W2, b2, N))
    g = global_mean_pool(h, batch, NUM_GRAPHS)
    return g @ W_out + b_out

if __name__ == "__main__":
    import jax
    _d = setup_inputs()
    print(jax.jit(kernel)(*tuple(_d.values())))

</pallas_src>

<mosaic_0001>
#map = affine_map<(d0, d1) -> (0, 0)>
#map1 = affine_map<(d0, d1) -> (0, 0, 0)>
module attributes {stable_mosaic.version = 14 : i64} {
  func.func @_prop(%arg0: i32, %arg1: i32, %arg2: memref<10240x16xf32, #tpu.memory_space<hbm>>, %arg3: memref<32x80x128xi32, #tpu.memory_space<hbm>>, %arg4: memref<32x80x128xi32, #tpu.memory_space<hbm>>, %arg5: memref<2x10240x16xf32, #tpu.memory_space<hbm>>, %arg6: memref<80x128xi32, #tpu.memory_space<vmem>>, %arg7: memref<80x128xi32, #tpu.memory_space<vmem>>, %arg8: memref<8x128x16xf32, #tpu.memory_space<vmem>>, %arg9: memref<640x16xf32, #tpu.memory_space<vmem>>, %arg10: memref<10240x16xf32, #tpu.memory_space<vmem_shared>>, %arg11: memref<!tpu.dma_semaphore, #tpu.memory_space<semaphore_mem>>, %arg12: memref<!tpu.dma_semaphore, #tpu.memory_space<semaphore_mem>>, %arg13: memref<!tpu.dma_semaphore, #tpu.memory_space<semaphore_mem>>, %arg14: memref<!tpu.dma_semaphore, #tpu.memory_space<semaphore_mem>>, %arg15: memref<!tpu.dma_semaphore, #tpu.memory_space<semaphore_mem>>, %arg16: memref<!tpu.dma_semaphore, #tpu.memory_space<semaphore_mem>>, %arg17: memref<!tpu.dma_semaphore, #tpu.memory_space<semaphore_mem>>, %arg18: memref<!tpu.dma_semaphore, #tpu.memory_space<semaphore_mem>>, %arg19: memref<!tpu.dma_semaphore, #tpu.memory_space<semaphore_mem>>, %arg20: memref<!tpu.dma_semaphore, #tpu.memory_space<semaphore_mem>>, %arg21: memref<!tpu.dma_semaphore, #tpu.memory_space<semaphore_mem>>, %arg22: memref<!tpu.dma_semaphore, #tpu.memory_space<semaphore_mem>>, %arg23: memref<!tpu.dma_semaphore, #tpu.memory_space<semaphore_mem>>, %arg24: memref<!tpu.dma_semaphore, #tpu.memory_space<semaphore_mem>>, %arg25: memref<!tpu.dma_semaphore, #tpu.memory_space<semaphore_mem>>, %arg26: memref<!tpu.dma_semaphore, #tpu.memory_space<semaphore_mem>>) attributes {dimension_semantics = [#tpu.dimension_semantics<core_parallel>, #tpu.dimension_semantics<subcore_parallel>], iteration_bounds = array<i64: 2, 16>, scalar_prefetch = 0 : i64, scratch_operands = 21 : i64, tpu.core_type = #tpu.core_type<sc_vector_subcore>, window_params = [{transform_indices = #map}, {transform_indices = #map1}, {transform_indices = #map1}, {transform_indices = #map1}]} {
    %mul3A = arith.constant 16 : i32
    %mul3A_0 = arith.muli %arg0, %mul3A : i32
    %add3A = arith.addi %mul3A_0, %arg1 : i32
    %dma_start3A = arith.constant 0 : i32
    %dma_start3A_1 = arith.constant 0 : i32
    %dma_start3A_2 = tpu.memref_slice %arg3[%add3A, %dma_start3A, %dma_start3A_1] : memref<32x80x128xi32, #tpu.memory_space<hbm>> -> memref<1x80x128xi32, #tpu.memory_space<hbm>>
    %dma_start3A_3 = tpu.memref_squeeze %dma_start3A_2 : memref<1x80x128xi32, #tpu.memory_space<hbm>> -> memref<80x128xi32, #tpu.memory_space<hbm>>
    %dma_start3A_4 = arith.constant 0 : i32
    %dma_start3A_5 = arith.constant 0 : i32
    %dma_start3A_6 = tpu.memref_slice %arg3[%add3A, %dma_start3A_4, %dma_start3A_5] : memref<32x80x128xi32, #tpu.memory_space<hbm>> -> memref<1x80x128xi32, #tpu.memory_space<hbm>>
    %dma_start3A_7 = tpu.memref_squeeze %dma_start3A_6 : memref<1x80x128xi32, #tpu.memory_space<hbm>> -> memref<80x128xi32, #tpu.memory_space<hbm>>
    tpu.enqueue_dma source(%dma_start3A_7 : memref<80x128xi32, #tpu.memory_space<hbm>>) target(%arg6 : memref<80x128xi32, #tpu.memory_space<vmem>>) target_semaphore(%arg11 : memref<!tpu.dma_semaphore, #tpu.memory_space<semaphore_mem>>)
    %dma_start3A_8 = arith.constant 0 : i32
    %dma_start3A_9 = arith.constant 0 : i32
    %dma_start3A_10 = tpu.memref_slice %arg4[%add3A, %dma_start3A_8, %dma_start3A_9] : memref<32x80x128xi32, #tpu.memory_space<hbm>> -> memref<1x80x128xi32, #tpu.memory_space<hbm>>
    %dma_start3A_11 = tpu.memref_squeeze %dma_start3A_10 : memref<1x80x128xi32, #tpu.memory_space<hbm>> -> memref<80x128xi32, #tpu.memory_space<hbm>>
    %dma_start3A_12 = arith.constant 0 : i32
    %dma_start3A_13 = arith.constant 0 : i32
    %dma_start3A_14 = tpu.memref_slice %arg4[%add3A, %dma_start3A_12, %dma_start3A_13] : memref<32x80x128xi32, #tpu.memory_space<hbm>> -> memref<1x80x128xi32, #tpu.memory_space<hbm>>
    %dma_start3A_15 = tpu.memref_squeeze %dma_start3A_14 : memref<1x80x128xi32, #tpu.memory_space<hbm>> -> memref<80x128xi32, #tpu.memory_space<hbm>>
    tpu.enqueue_dma source(%dma_start3A_15 : memref<80x128xi32, #tpu.memory_space<hbm>>) target(%arg7 : memref<80x128xi32, #tpu.memory_space<vmem>>) target_semaphore(%arg19 : memref<!tpu.dma_semaphore, #tpu.memory_space<semaphore_mem>>)
    %scan3A = arith.constant 0 : i32
    %scan3A_16 = arith.constant 640 : i32
    %scan3A_17 = arith.addi %scan3A, %scan3A_16 : i32
    %scan3A_18 = arith.constant 1 : i32
    scf.for %scan3A_47 = %scan3A to %scan3A_17 step %scan3A_18  : i32 {
      %mul3A_48 = arith.constant 1 : i32
      %mul3A_49 = arith.muli %scan3A_47, %mul3A_48 : i32
      %add3A_50 = arith.constant 0 : i32
      %add3A_51 = arith.addi %add3A_50, %mul3A_49 : i32
      %broadcast_in_dim3A = arith.constant 0.000000e+00 : f32
      %broadcast_in_dim3A_52 = vector.broadcast %broadcast_in_dim3A : f32 to vector<16xf32>
      %swap3A = arith.index_cast %add3A_51 : i32 to index
      %swap3A_53 = arith.constant 0 : index
      %swap3A_54 = tpu.vector_load %arg9[%swap3A, %swap3A_53] {strides = array<i32>} : memref<640x16xf32, #tpu.memory_space<vmem>>, vector<1x16xf32>,
      %swap3A_55 = vector.shape_cast %swap3A_54 : vector<1x16xf32> to vector<16xf32>
      %swap3A_56 = vector.shape_cast %broadcast_in_dim3A_52 : vector<16xf32> to vector<1x16xf32>
      tpu.vector_store %arg9[%swap3A, %swap3A_53], %swap3A_56 {strides = array<i32>} : memref<640x16xf32, #tpu.memory_space<vmem>>, vector<1x16xf32>,
    }
    %scan3A_19 = arith.constant 640 : i32
    %mul3A_20 = arith.constant 640 : i32
    %mul3A_21 = arith.muli %arg1, %mul3A_20 : i32
    "tpu.region"() ({
      %run_scoped3A = tpu.sem_alloc : memref<!tpu.dma_semaphore, #tpu.memory_space<semaphore_mem>>
      %dma_start3A_47 = arith.constant 0 : i32
      %dma_start3A_48 = tpu.memref_slice %arg10[%mul3A_21, %dma_start3A_47] : memref<10240x16xf32, #tpu.memory_space<vmem_shared>> -> memref<640x16xf32, #tpu.memory_space<vmem_shared>>
      %dma_start3A_49 = arith.constant 0 : i32
      %dma_start3A_50 = tpu.memref_slice %arg10[%mul3A_21, %dma_start3A_49] : memref<10240x16xf32, #tpu.memory_space<vmem_shared>> -> memref<640x16xf32, #tpu.memory_space<vmem_shared>>
      tpu.enqueue_dma source(%arg9 : memref<640x16xf32, #tpu.memory_space<vmem>>) target(%dma_start3A_50 : memref<640x16xf32, #tpu.memory_space<vmem_shared>>) target_semaphore(%run_scoped3A : memref<!tpu.dma_semaphore, #tpu.memory_space<semaphore_mem>>)
      %dma_wait3A_51 = arith.constant 0 : i32
      %dma_wait3A_52 = tpu.memref_slice %arg10[%mul3A_21, %dma_wait3A_51] : memref<10240x16xf32, #tpu.memory_space<vmem_shared>> -> memref<640x16xf32, #tpu.memory_space<vmem_shared>>
      %dma_wait3A_53 = arith.constant 0 : i32
      %dma_wait3A_54 = tpu.memref_slice %arg10[%mul3A_21, %dma_wait3A_53] : memref<10240x16xf32, #tpu.memory_space<vmem_shared>> -> memref<640x16xf32, #tpu.memory_space<vmem_shared>>
      tpu.wait_dma2 semaphore(%run_scoped3A : memref<!tpu.dma_semaphore, #tpu.memory_space<semaphore_mem>>) src(%arg9 : memref<640x16xf32, #tpu.memory_space<vmem>>) dst(%dma_wait3A_54 : memref<640x16xf32, #tpu.memory_space<vmem_shared>>)
      tpu.yield
    }) : () -> ()
    %barrier3A = arith.constant 0 : index
    tpu.barrier barrier_id(%barrier3A)
    %dma_wait3A = arith.constant 0 : i32
    %dma_wait3A_22 = arith.constant 0 : i32
    %dma_wait3A_23 = tpu.memref_slice %arg3[%add3A, %dma_wait3A, %dma_wait3A_22] : memref<32x80x128xi32, #tpu.memory_space<hbm>> -> memref<1x80x128xi32, #tpu.memory_space<hbm>>
    %dma_wait3A_24 = tpu.memref_squeeze %dma_wait3A_23 : memref<1x80x128xi32, #tpu.memory_space<hbm>> -> memref<80x128xi32, #tpu.memory_space<hbm>>
    %dma_wait3A_25 = arith.constant 0 : i32
    %dma_wait3A_26 = arith.constant 0 : i32
    %dma_wait3A_27 = tpu.memref_slice %arg3[%add3A, %dma_wait3A_25, %dma_wait3A_26] : memref<32x80x128xi32, #tpu.memory_space<hbm>> -> memref<1x80x128xi32, #tpu.memory_space<hbm>>
    %dma_wait3A_28 = tpu.memref_squeeze %dma_wait3A_27 : memref<1x80x128xi32, #tpu.memory_space<hbm>> -> memref<80x128xi32, #tpu.memory_space<hbm>>
    tpu.wait_dma2 semaphore(%arg11 : memref<!tpu.dma_semaphore, #tpu.memory_space<semaphore_mem>>) src(%dma_wait3A_28 : memref<80x128xi32, #tpu.memory_space<hbm>>) dst(%arg6 : memref<80x128xi32, #tpu.memory_space<vmem>>)
    %dma_wait3A_29 = arith.constant 0 : i32
    %dma_wait3A_30 = arith.constant 0 : i32
    %dma_wait3A_31 = tpu.memref_slice %arg4[%add3A, %dma_wait3A_29, %dma_wait3A_30] : memref<32x80x128xi32, #tpu.memory_space<hbm>> -> memref<1x80x128xi32, #tpu.memory_space<hbm>>
    %dma_wait3A_32 = tpu.memref_squeeze %dma_wait3A_31 : memref<1x80x128xi32, #tpu.memory_space<hbm>> -> memref<80x128xi32, #tpu.memory_space<hbm>>
    %dma_wait3A_33 = arith.constant 0 : i32
    %dma_wait3A_34 = arith.constant 0 : i32
    %dma_wait3A_35 = tpu.memref_slice %arg4[%add3A, %dma_wait3A_33, %dma_wait3A_34] : memref<32x80x128xi32, #tpu.memory_space<hbm>> -> memref<1x80x128xi32, #tpu.memory_space<hbm>>
    %dma_wait3A_36 = tpu.memref_squeeze %dma_wait3A_35 : memref<1x80x128xi32, #tpu.memory_space<hbm>> -> memref<80x128xi32, #tpu.memory_space<hbm>>
    tpu.wait_dma2 semaphore(%arg19 : memref<!tpu.dma_semaphore, #tpu.memory_space<semaphore_mem>>) src(%dma_wait3A_36 : memref<80x128xi32, #tpu.memory_space<hbm>>) dst(%arg7 : memref<80x128xi32, #tpu.memory_space<vmem>>)
    %scan3A_37 = arith.constant 0 : i32
    %scan3A_38 = arith.constant 10 : i32
    %scan3A_39 = arith.addi %scan3A_37, %scan3A_38 : i32
    %scan3A_40 = arith.constant 1 : i32
    scf.for %scan3A_47 = %scan3A_37 to %scan3A_39 step %scan3A_40  : i32 {
      %mul3A_48 = arith.constant 8 : i32
      %mul3A_49 = arith.muli %scan3A_47, %mul3A_48 : i32
      %add3A_50 = arith.constant 0 : i32
      %add3A_51 = arith.addi %add3A_50, %mul3A_49 : i32
      %add3A_52 = arith.constant 0 : i32
      %add3A_53 = arith.addi %add3A_51, %add3A_52 : i32
      %dma_start3A_54 = arith.constant 0 : i32
      %dma_start3A_55 = arith.constant 0 : i32
      %dma_start3A_56 = arith.constant 0 : i32
      %dma_start3A_57 = tpu.memref_slice %arg8[%dma_start3A_54, %dma_start3A_55, %dma_start3A_56] : memref<8x128x16xf32, #tpu.memory_space<vmem>> -> memref<1x128x16xf32, #tpu.memory_space<vmem>>
      %dma_start3A_58 = tpu.memref_squeeze %dma_start3A_57 : memref<1x128x16xf32, #tpu.memory_space<vmem>> -> memref<128x16xf32, #tpu.memory_space<vmem>>
      %dma_start3A_59 = arith.constant 0 : i32
      %dma_start3A_60 = tpu.memref_slice %arg6[%add3A_53, %dma_start3A_59] : memref<80x128xi32, #tpu.memory_space<vmem>> -> memref<1x128xi32, #tpu.memory_space<vmem>>
      %dma_start3A_61 = tpu.memref_squeeze %dma_start3A_60 : memref<1x128xi32, #tpu.memory_space<vmem>> -> memref<128xi32, #tpu.memory_space<vmem>>
      %dma_start3A_62 = arith.constant 0 : i32
      %dma_start3A_63 = arith.constant 0 : i32
      %dma_start3A_64 = tpu.memref_slice %arg2[%dma_start3A_62, %dma_start3A_63] : memref<10240x16xf32, #tpu.memory_space<hbm>> -> memref<10240x16xf32, #tpu.memory_space<hbm>>
      tpu.enqueue_indirect_dma source(%dma_start3A_64 : memref<10240x16xf32, #tpu.memory_space<hbm>>) target(%dma_start3A_58 : memref<128x16xf32, #tpu.memory_space<vmem>>) offsets(%dma_start3A_61 : memref<128xi32, #tpu.memory_space<vmem>>) semaphore(%arg11 : memref<!tpu.dma_semaphore, #tpu.memory_space<semaphore_mem>>)
      %add3A_65 = arith.constant 1 : i32
      %add3A_66 = arith.addi %add3A_51, %add3A_65 : i32
      %dma_start3A_67 = arith.constant 1 : i32
      %dma_start3A_68 = arith.constant 0 : i32
      %dma_start3A_69 = arith.constant 0 : i32
      %dma_start3A_70 = tpu.memref_slice %arg8[%dma_start3A_67, %dma_start3A_68, %dma_start3A_69] : memref<8x128x16xf32, #tpu.memory_space<vmem>> -> memref<1x128x16xf32, #tpu.memory_space<vmem>>
      %dma_start3A_71 = tpu.memref_squeeze %dma_start3A_70 : memref<1x128x16xf32, #tpu.memory_space<vmem>> -> memref<128x16xf32, #tpu.memory_space<vmem>>
      %dma_start3A_72 = arith.constant 0 : i32
      %dma_start3A_73 = tpu.memref_slice %arg6[%add3A_66, %dma_start3A_72] : memref<80x128xi32, #tpu.memory_space<vmem>> -> memref<1x128xi32, #tpu.memory_space<vmem>>
      %dma_start3A_74 = tpu.memref_squeeze %dma_start3A_73 : memref<1x128xi32, #tpu.memory_space<vmem>> -> memref<128xi32, #tpu.memory_space<vmem>>
      %dma_start3A_75 = arith.constant 0 : i32
      %dma_start3A_76 = arith.constant 0 : i32
      %dma_start3A_77 = tpu.memref_slice %arg2[%dma_start3A_75, %dma_start3A_76] : memref<10240x16xf32, #tpu.memory_space<hbm>> -> memref<10240x16xf32, #tpu.memory_space<hbm>>
      tpu.enqueue_indirect_dma source(%dma_start3A_77 : memref<10240x16xf32, #tpu.memory_space<hbm>>) target(%dma_start3A_71 : memref<128x16xf32, #tpu.memory_space<vmem>>) offsets(%dma_start3A_74 : memref<128xi32, #tpu.memory_space<vmem>>) semaphore(%arg12 : memref<!tpu.dma_semaphore, #tpu.memory_space<semaphore_mem>>)
      %add3A_78 = arith.constant 2 : i32
      %add3A_79 = arith.addi %add3A_51, %add3A_78 : i32
      %dma_start3A_80 = arith.constant 2 : i32
      %dma_start3A_81 = arith.constant 0 : i32
      %dma_start3A_82 = arith.constant 0 : i32
      %dma_start3A_83 = tpu.memref_slice %arg8[%dma_start3A_80, %dma_start3A_81, %dma_start3A_82] : memref<8x128x16xf32, #tpu.memory_space<vmem>> -> memref<1x128x16xf32, #tpu.memory_space<vmem>>
      %dma_start3A_84 = tpu.memref_squeeze %dma_start3A_83 : memref<1x128x16xf32, #tpu.memory_space<vmem>> -> memref<128x16xf32, #tpu.memory_space<vmem>>
      %dma_start3A_85 = arith.constant 0 : i32
      %dma_start3A_86 = tpu.memref_slice %arg6[%add3A_79, %dma_start3A_85] : memref<80x128xi32, #tpu.memory_space<vmem>> -> memref<1x128xi32, #tpu.memory_space<vmem>>
      %dma_start3A_87 = tpu.memref_squeeze %dma_start3A_86 : memref<1x128xi32, #tpu.memory_space<vmem>> -> memref<128xi32, #tpu.memory_space<vmem>>
      %dma_start3A_88 = arith.constant 0 : i32
      %dma_start3A_89 = arith.constant 0 : i32
      %dma_start3A_90 = tpu.memref_slice %arg2[%dma_start3A_88, %dma_start3A_89] : memref<10240x16xf32, #tpu.memory_space<hbm>> -> memref<10240x16xf32, #tpu.memory_space<hbm>>
      tpu.enqueue_indirect_dma source(%dma_start3A_90 : memref<10240x16xf32, #tpu.memory_space<hbm>>) target(%dma_start3A_84 : memref<128x16xf32, #tpu.memory_space<vmem>>) offsets(%dma_start3A_87 : memref<128xi32, #tpu.memory_space<vmem>>) semaphore(%arg13 : memref<!tpu.dma_semaphore, #tpu.memory_space<semaphore_mem>>)
      %add3A_91 = arith.constant 3 : i32
      %add3A_92 = arith.addi %add3A_51, %add3A_91 : i32
      %dma_start3A_93 = arith.constant 3 : i32
      %dma_start3A_94 = arith.constant 0 : i32
      %dma_start3A_95 = arith.constant 0 : i32
      %dma_start3A_96 = tpu.memref_slice %arg8[%dma_start3A_93, %dma_start3A_94, %dma_start3A_95] : memref<8x128x16xf32, #tpu.memory_space<vmem>> -> memref<1x128x16xf32, #tpu.memory_space<vmem>>
      %dma_start3A_97 = tpu.memref_squeeze %dma_start3A_96 : memref<1x128x16xf32, #tpu.memory_space<vmem>> -> memref<128x16xf32, #tpu.memory_space<vmem>>
      %dma_start3A_98 = arith.constant 0 : i32
      %dma_start3A_99 = tpu.memref_slice %arg6[%add3A_92, %dma_start3A_98] : memref<80x128xi32, #tpu.memory_space<vmem>> -> memref<1x128xi32, #tpu.memory_space<vmem>>
      %dma_start3A_100 = tpu.memref_squeeze %dma_start3A_99 : memref<1x128xi32, #tpu.memory_space<vmem>> -> memref<128xi32, #tpu.memory_space<vmem>>
      %dma_start3A_101 = arith.constant 0 : i32
      %dma_start3A_102 = arith.constant 0 : i32
      %dma_start3A_103 = tpu.memref_slice %arg2[%dma_start3A_101, %dma_start3A_102] : memref<10240x16xf32, #tpu.memory_space<hbm>> -> memref<10240x16xf32, #tpu.memory_space<hbm>>
      tpu.enqueue_indirect_dma source(%dma_start3A_103 : memref<10240x16xf32, #tpu.memory_space<hbm>>) target(%dma_start3A_97 : memref<128x16xf32, #tpu.memory_space<vmem>>) offsets(%dma_start3A_100 : memref<128xi32, #tpu.memory_space<vmem>>) semaphore(%arg14 : memref<!tpu.dma_semaphore, #tpu.memory_space<semaphore_mem>>)
      %add3A_104 = arith.constant 4 : i32
      %add3A_105 = arith.addi %add3A_51, %add3A_104 : i32
      %dma_start3A_106 = arith.constant 4 : i32
      %dma_start3A_107 = arith.constant 0 : i32
      %dma_start3A_108 = arith.constant 0 : i32
      %dma_start3A_109 = tpu.memref_slice %arg8[%dma_start3A_106, %dma_start3A_107, %dma_start3A_108] : memref<8x128x16xf32, #tpu.memory_space<vmem>> -> memref<1x128x16xf32, #tpu.memory_space<vmem>>
      %dma_start3A_110 = tpu.memref_squeeze %dma_start3A_109 : memref<1x128x16xf32, #tpu.memory_space<vmem>> -> memref<128x16xf32, #tpu.memory_space<vmem>>
      %dma_start3A_111 = arith.constant 0 : i32
      %dma_start3A_112 = tpu.memref_slice %arg6[%add3A_105, %dma_start3A_111] : memref<80x128xi32, #tpu.memory_space<vmem>> -> memref<1x128xi32, #tpu.memory_space<vmem>>
      %dma_start3A_113 = tpu.memref_squeeze %dma_start3A_112 : memref<1x128xi32, #tpu.memory_space<vmem>> -> memref<128xi32, #tpu.memory_space<vmem>>
      %dma_start3A_114 = arith.constant 0 : i32
      %dma_start3A_115 = arith.constant 0 : i32
      %dma_start3A_116 = tpu.memref_slice %arg2[%dma_start3A_114, %dma_start3A_115] : memref<10240x16xf32, #tpu.memory_space<hbm>> -> memref<10240x16xf32, #tpu.memory_space<hbm>>
      tpu.enqueue_indirect_dma source(%dma_start3A_116 : memref<10240x16xf32, #tpu.memory_space<hbm>>) target(%dma_start3A_110 : memref<128x16xf32, #tpu.memory_space<vmem>>) offsets(%dma_start3A_113 : memref<128xi32, #tpu.memory_space<vmem>>) semaphore(%arg15 : memref<!tpu.dma_semaphore, #tpu.memory_space<semaphore_mem>>)
      %add3A_117 = arith.constant 5 : i32
      %add3A_118 = arith.addi %add3A_51, %add3A_117 : i32
      %dma_start3A_119 = arith.constant 5 : i32
      %dma_start3A_120 = arith.constant 0 : i32
      %dma_start3A_121 = arith.constant 0 : i32
      %dma_start3A_122 = tpu.memref_slice %arg8[%dma_start3A_119, %dma_start3A_120, %dma_start3A_121] : memref<8x128x16xf32, #tpu.memory_space<vmem>> -> memref<1x128x16xf32, #tpu.memory_space<vmem>>
      %dma_start3A_123 = tpu.memref_squeeze %dma_start3A_122 : memref<1x128x16xf32, #tpu.memory_space<vmem>> -> memref<128x16xf32, #tpu.memory_space<vmem>>
      %dma_start3A_124 = arith.constant 0 : i32
      %dma_start3A_125 = tpu.memref_slice %arg6[%add3A_118, %dma_start3A_124] : memref<80x128xi32, #tpu.memory_space<vmem>> -> memref<1x128xi32, #tpu.memory_space<vmem>>
      %dma_start3A_126 = tpu.memref_squeeze %dma_start3A_125 : memref<1x128xi32, #tpu.memory_space<vmem>> -> memref<128xi32, #tpu.memory_space<vmem>>
      %dma_start3A_127 = arith.constant 0 : i32
      %dma_start3A_128 = arith.constant 0 : i32
      %dma_start3A_129 = tpu.memref_slice %arg2[%dma_start3A_127, %dma_start3A_128] : memref<10240x16xf32, #tpu.memory_space<hbm>> -> memref<10240x16xf32, #tpu.memory_space<hbm>>
      tpu.enqueue_indirect_dma source(%dma_start3A_129 : memref<10240x16xf32, #tpu.memory_space<hbm>>) target(%dma_start3A_123 : memref<128x16xf32, #tpu.memory_space<vmem>>) offsets(%dma_start3A_126 : memref<128xi32, #tpu.memory_space<vmem>>) semaphore(%arg16 : memref<!tpu.dma_semaphore, #tpu.memory_space<semaphore_mem>>)
      %add3A_130 = arith.constant 6 : i32
      %add3A_131 = arith.addi %add3A_51, %add3A_130 : i32
      %dma_start3A_132 = arith.constant 6 : i32
      %dma_start3A_133 = arith.constant 0 : i32
      %dma_start3A_134 = arith.constant 0 : i32
      %dma_start3A_135 = tpu.memref_slice %arg8[%dma_start3A_132, %dma_start3A_133, %dma_start3A_134] : memref<8x128x16xf32, #tpu.memory_space<vmem>> -> memref<1x128x16xf32, #tpu.memory_space<vmem>>
      %dma_start3A_136 = tpu.memref_squeeze %dma_start3A_135 : memref<1x128x16xf32, #tpu.memory_space<vmem>> -> memref<128x16xf32, #tpu.memory_space<vmem>>
      %dma_start3A_137 = arith.constant 0 : i32
      %dma_start3A_138 = tpu.memref_slice %arg6[%add3A_131, %dma_start3A_137] : memref<80x128xi32, #tpu.memory_space<vmem>> -> memref<1x128xi32, #tpu.memory_space<vmem>>
      %dma_start3A_139 = tpu.memref_squeeze %dma_start3A_138 : memref<1x128xi32, #tpu.memory_space<vmem>> -> memref<128xi32, #tpu.memory_space<vmem>>
      %dma_start3A_140 = arith.constant 0 : i32
      %dma_start3A_141 = arith.constant 0 : i32
      %dma_start3A_142 = tpu.memref_slice %arg2[%dma_start3A_140, %dma_start3A_141] : memref<10240x16xf32, #tpu.memory_space<hbm>> -> memref<10240x16xf32, #tpu.memory_space<hbm>>
      tpu.enqueue_indirect_dma source(%dma_start3A_142 : memref<10240x16xf32, #tpu.memory_space<hbm>>) target(%dma_start3A_136 : memref<128x16xf32, #tpu.memory_space<vmem>>) offsets(%dma_start3A_139 : memref<128xi32, #tpu.memory_space<vmem>>) semaphore(%arg17 : memref<!tpu.dma_semaphore, #tpu.memory_space<semaphore_mem>>)
      %add3A_143 = arith.constant 7 : i32
      %add3A_144 = arith.addi %add3A_51, %add3A_143 : i32
      %dma_start3A_145 = arith.constant 7 : i32
      %dma_start3A_146 = arith.constant 0 : i32
      %dma_start3A_147 = arith.constant 0 : i32
      %dma_start3A_148 = tpu.memref_slice %arg8[%dma_start3A_145, %dma_start3A_146, %dma_start3A_147] : memref<8x128x16xf32, #tpu.memory_space<vmem>> -> memref<1x128x16xf32, #tpu.memory_space<vmem>>
      %dma_start3A_149 = tpu.memref_squeeze %dma_start3A_148 : memref<1x128x16xf32, #tpu.memory_space<vmem>> -> memref<128x16xf32, #tpu.memory_space<vmem>>
      %dma_start3A_150 = arith.constant 0 : i32
      %dma_start3A_151 = tpu.memref_slice %arg6[%add3A_144, %dma_start3A_150] : memref<80x128xi32, #tpu.memory_space<vmem>> -> memref<1x128xi32, #tpu.memory_space<vmem>>
      %dma_start3A_152 = tpu.memref_squeeze %dma_start3A_151 : memref<1x128xi32, #tpu.memory_space<vmem>> -> memref<128xi32, #tpu.memory_space<vmem>>
      %dma_start3A_153 = arith.constant 0 : i32
      %dma_start3A_154 = arith.constant 0 : i32
      %dma_start3A_155 = tpu.memref_slice %arg2[%dma_start3A_153, %dma_start3A_154] : memref<10240x16xf32, #tpu.memory_space<hbm>> -> memref<10240x16xf32, #tpu.memory_space<hbm>>
      tpu.enqueue_indirect_dma source(%dma_start3A_155 : memref<10240x16xf32, #tpu.memory_space<hbm>>) target(%dma_start3A_149 : memref<128x16xf32, #tpu.memory_space<vmem>>) offsets(%dma_start3A_152 : memref<128xi32, #tpu.memory_space<vmem>>) semaphore(%arg18 : memref<!tpu.dma_semaphore, #tpu.memory_space<semaphore_mem>>)
      %dma_wait3A_156 = arith.constant 0 : i32
      %dma_wait3A_157 = arith.constant 0 : i32
      %dma_wait3A_158 = arith.constant 0 : i32
      %dma_wait3A_159 = tpu.memref_slice %arg8[%dma_wait3A_156, %dma_wait3A_157, %dma_wait3A_158] : memref<8x128x16xf32, #tpu.memory_space<vmem>> -> memref<1x128x16xf32, #tpu.memory_space<vmem>>
      %dma_wait3A_160 = tpu.memref_squeeze %dma_wait3A_159 : memref<1x128x16xf32, #tpu.memory_space<vmem>> -> memref<128x16xf32, #tpu.memory_space<vmem>>
      %dma_wait3A_161 = arith.constant 0 : i32
      %dma_wait3A_162 = tpu.memref_slice %arg6[%add3A_53, %dma_wait3A_161] : memref<80x128xi32, #tpu.memory_space<vmem>> -> memref<1x128xi32, #tpu.memory_space<vmem>>
      %dma_wait3A_163 = tpu.memref_squeeze %dma_wait3A_162 : memref<1x128xi32, #tpu.memory_space<vmem>> -> memref<128xi32, #tpu.memory_space<vmem>>
      %dma_wait3A_164 = arith.constant 0 : i32
      %dma_wait3A_165 = arith.constant 0 : i32
      %dma_wait3A_166 = tpu.memref_slice %arg2[%dma_wait3A_164, %dma_wait3A_165] : memref<10240x16xf32, #tpu.memory_space<hbm>> -> memref<10240x16xf32, #tpu.memory_space<hbm>>
      tpu.wait_indirect_dma semaphore(%arg11 : memref<!tpu.dma_semaphore, #tpu.memory_space<semaphore_mem>>) src(%dma_wait3A_166 : memref<10240x16xf32, #tpu.memory_space<hbm>>) dst(%dma_wait3A_160 : memref<128x16xf32, #tpu.memory_space<vmem>>)
      %add3A_167 = arith.constant 0 : i32
      %add3A_168 = arith.addi %add3A_51, %add3A_167 : i32
      %dma_start3A_169 = arith.constant 0 : i32
      %dma_start3A_170 = arith.constant 0 : i32
      %dma_start3A_171 = arith.constant 0 : i32
      %dma_start3A_172 = tpu.memref_slice %arg8[%dma_start3A_169, %dma_start3A_170, %dma_start3A_171] : memref<8x128x16xf32, #tpu.memory_space<vmem>> -> memref<1x128x16xf32, #tpu.memory_space<vmem>>
      %dma_start3A_173 = tpu.memref_squeeze %dma_start3A_172 : memref<1x128x16xf32, #tpu.memory_space<vmem>> -> memref<128x16xf32, #tpu.memory_space<vmem>>
      %dma_start3A_174 = arith.constant 0 : i32
      %dma_start3A_175 = tpu.memref_slice %arg7[%add3A_168, %dma_start3A_174] : memref<80x128xi32, #tpu.memory_space<vmem>> -> memref<1x128xi32, #tpu.memory_space<vmem>>
      %dma_start3A_176 = tpu.memref_squeeze %dma_start3A_175 : memref<1x128xi32, #tpu.memory_space<vmem>> -> memref<128xi32, #tpu.memory_space<vmem>>
      %dma_start3A_177 = arith.constant 0 : i32
      %dma_start3A_178 = arith.constant 0 : i32
      %dma_start3A_179 = tpu.memref_slice %arg10[%dma_start3A_177, %dma_start3A_178] : memref<10240x16xf32, #tpu.memory_space<vmem_shared>> -> memref<10240x16xf32, #tpu.memory_space<vmem_shared>>
      tpu.enqueue_indirect_dma source(%dma_start3A_173 : memref<128x16xf32, #tpu.memory_space<vmem>>) target(%dma_start3A_179 : memref<10240x16xf32, #tpu.memory_space<vmem_shared>>) offsets(%dma_start3A_176 : memref<128xi32, #tpu.memory_space<vmem>>) semaphore(%arg19 : memref<!tpu.dma_semaphore, #tpu.memory_space<semaphore_mem>>) {add = true}
      %dma_wait3A_180 = arith.constant 1 : i32
      %dma_wait3A_181 = arith.constant 0 : i32
      %dma_wait3A_182 = arith.constant 0 : i32
      %dma_wait3A_183 = tpu.memref_slice %arg8[%dma_wait3A_180, %dma_wait3A_181, %dma_wait3A_182] : memref<8x128x16xf32, #tpu.memory_space<vmem>> -> memref<1x128x16xf32, #tpu.memory_space<vmem>>
      %dma_wait3A_184 = tpu.memref_squeeze %dma_wait3A_183 : memref<1x128x16xf32, #tpu.memory_space<vmem>> -> memref<128x16xf32, #tpu.memory_space<vmem>>
      %dma_wait3A_185 = arith.constant 0 : i32
      %dma_wait3A_186 = tpu.memref_slice %arg6[%add3A_66, %dma_wait3A_185] : memref<80x128xi32, #tpu.memory_space<vmem>> -> memref<1x128xi32, #tpu.memory_space<vmem>>
      %dma_wait3A_187 = tpu.memref_squeeze %dma_wait3A_186 : memref<1x128xi32, #tpu.memory_space<vmem>> -> memref<128xi32, #tpu.memory_space<vmem>>
      %dma_wait3A_188 = arith.constant 0 : i32
      %dma_wait3A_189 = arith.constant 0 : i32
      %dma_wait3A_190 = tpu.memref_slice %arg2[%dma_wait3A_188, %dma_wait3A_189] : memref<10240x16xf32, #tpu.memory_space<hbm>> -> memref<10240x16xf32, #tpu.memory_space<hbm>>
      tpu.wait_indirect_dma semaphore(%arg12 : memref<!tpu.dma_semaphore, #tpu.memory_space<semaphore_mem>>) src(%dma_wait3A_190 : memref<10240x16xf32, #tpu.memory_space<hbm>>) dst(%dma_wait3A_184 : memref<128x16xf32, #tpu.memory_space<vmem>>)
      %add3A_191 = arith.constant 1 : i32
      %add3A_192 = arith.addi %add3A_51, %add3A_191 : i32
      %dma_start3A_193 = arith.constant 1 : i32
      %dma_start3A_194 = arith.constant 0 : i32
      %dma_start3A_195 = arith.constant 0 : i32
      %dma_start3A_196 = tpu.memref_slice %arg8[%dma_start3A_193, %dma_start3A_194, %dma_start3A_195] : memref<8x128x16xf32, #tpu.memory_space<vmem>> -> memref<1x128x16xf32, #tpu.memory_space<vmem>>
      %dma_start3A_197 = tpu.memref_squeeze %dma_start3A_196 : memref<1x128x16xf32, #tpu.memory_space<vmem>> -> memref<128x16xf32, #tpu.memory_space<vmem>>
      %dma_start3A_198 = arith.constant 0 : i32
      %dma_start3A_199 = tpu.memref_slice %arg7[%add3A_192, %dma_start3A_198] : memref<80x128xi32, #tpu.memory_space<vmem>> -> memref<1x128xi32, #tpu.memory_space<vmem>>
      %dma_start3A_200 = tpu.memref_squeeze %dma_start3A_199 : memref<1x128xi32, #tpu.memory_space<vmem>> -> memref<128xi32, #tpu.memory_space<vmem>>
      %dma_start3A_201 = arith.constant 0 : i32
      %dma_start3A_202 = arith.constant 0 : i32
      %dma_start3A_203 = tpu.memref_slice %arg10[%dma_start3A_201, %dma_start3A_202] : memref<10240x16xf32, #tpu.memory_space<vmem_shared>> -> memref<10240x16xf32, #tpu.memory_space<vmem_shared>>
      tpu.enqueue_indirect_dma source(%dma_start3A_197 : memref<128x16xf32, #tpu.memory_space<vmem>>) target(%dma_start3A_203 : memref<10240x16xf32, #tpu.memory_space<vmem_shared>>) offsets(%dma_start3A_200 : memref<128xi32, #tpu.memory_space<vmem>>) semaphore(%arg20 : memref<!tpu.dma_semaphore, #tpu.memory_space<semaphore_mem>>) {add = true}
      %dma_wait3A_204 = arith.constant 2 : i32
      %dma_wait3A_205 = arith.constant 0 : i32
      %dma_wait3A_206 = arith.constant 0 : i32
      %dma_wait3A_207 = tpu.memref_slice %arg8[%dma_wait3A_204, %dma_wait3A_205, %dma_wait3A_206] : memref<8x128x16xf32, #tpu.memory_space<vmem>> -> memref<1x128x16xf32, #tpu.memory_space<vmem>>
      %dma_wait3A_208 = tpu.memref_squeeze %dma_wait3A_207 : memref<1x128x16xf32, #tpu.memory_space<vmem>> -> memref<128x16xf32, #tpu.memory_space<vmem>>
      %dma_wait3A_209 = arith.constant 0 : i32
      %dma_wait3A_210 = tpu.memref_slice %arg6[%add3A_79, %dma_wait3A_209] : memref<80x128xi32, #tpu.memory_space<vmem>> -> memref<1x128xi32, #tpu.memory_space<vmem>>
      %dma_wait3A_211 = tpu.memref_squeeze %dma_wait3A_210 : memref<1x128xi32, #tpu.memory_space<vmem>> -> memref<128xi32, #tpu.memory_space<vmem>>
      %dma_wait3A_212 = arith.constant 0 : i32
      %dma_wait3A_213 = arith.constant 0 : i32
      %dma_wait3A_214 = tpu.memref_slice %arg2[%dma_wait3A_212, %dma_wait3A_213] : memref<10240x16xf32, #tpu.memory_space<hbm>> -> memref<10240x16xf32, #tpu.memory_space<hbm>>
      tpu.wait_indirect_dma semaphore(%arg13 : memref<!tpu.dma_semaphore, #tpu.memory_space<semaphore_mem>>) src(%dma_wait3A_214 : memref<10240x16xf32, #tpu.memory_space<hbm>>) dst(%dma_wait3A_208 : memref<128x16xf32, #tpu.memory_space<vmem>>)
      %add3A_215 = arith.constant 2 : i32
      %add3A_216 = arith.addi %add3A_51, %add3A_215 : i32
      %dma_start3A_217 = arith.constant 2 : i32
      %dma_start3A_218 = arith.constant 0 : i32
      %dma_start3A_219 = arith.constant 0 : i32
      %dma_start3A_220 = tpu.memref_slice %arg8[%dma_start3A_217, %dma_start3A_218, %dma_start3A_219] : memref<8x128x16xf32, #tpu.memory_space<vmem>> -> memref<1x128x16xf32, #tpu.memory_space<vmem>>
      %dma_start3A_221 = tpu.memref_squeeze %dma_start3A_220 : memref<1x128x16xf32, #tpu.memory_space<vmem>> -> memref<128x16xf32, #tpu.memory_space<vmem>>
      %dma_start3A_222 = arith.constant 0 : i32
      %dma_start3A_223 = tpu.memref_slice %arg7[%add3A_216, %dma_start3A_222] : memref<80x128xi32, #tpu.memory_space<vmem>> -> memref<1x128xi32, #tpu.memory_space<vmem>>
      %dma_start3A_224 = tpu.memref_squeeze %dma_start3A_223 : memref<1x128xi32, #tpu.memory_space<vmem>> -> memref<128xi32, #tpu.memory_space<vmem>>
      %dma_start3A_225 = arith.constant 0 : i32
      %dma_start3A_226 = arith.constant 0 : i32
      %dma_start3A_227 = tpu.memref_slice %arg10[%dma_start3A_225, %dma_start3A_226] : memref<10240x16xf32, #tpu.memory_space<vmem_shared>> -> memref<10240x16xf32, #tpu.memory_space<vmem_shared>>
      tpu.enqueue_indirect_dma source(%dma_start3A_221 : memref<128x16xf32, #tpu.memory_space<vmem>>) target(%dma_start3A_227 : memref<10240x16xf32, #tpu.memory_space<vmem_shared>>) offsets(%dma_start3A_224 : memref<128xi32, #tpu.memory_space<vmem>>) semaphore(%arg21 : memref<!tpu.dma_semaphore, #tpu.memory_space<semaphore_mem>>) {add = true}
      %dma_wait3A_228 = arith.constant 3 : i32
      %dma_wait3A_229 = arith.constant 0 : i32
      %dma_wait3A_230 = arith.constant 0 : i32
      %dma_wait3A_231 = tpu.memref_slice %arg8[%dma_wait3A_228, %dma_wait3A_229, %dma_wait3A_230] : memref<8x128x16xf32, #tpu.memory_space<vmem>> -> memref<1x128x16xf32, #tpu.memory_space<vmem>>
      %dma_wait3A_232 = tpu.memref_squeeze %dma_wait3A_231 : memref<1x128x16xf32, #tpu.memory_space<vmem>> -> memref<128x16xf32, #tpu.memory_space<vmem>>
      %dma_wait3A_233 = arith.constant 0 : i32
      %dma_wait3A_234 = tpu.memref_slice %arg6[%add3A_92, %dma_wait3A_233] : memref<80x128xi32, #tpu.memory_space<vmem>> -> memref<1x128xi32, #tpu.memory_space<vmem>>
      %dma_wait3A_235 = tpu.memref_squeeze %dma_wait3A_234 : memref<1x128xi32, #tpu.memory_space<vmem>> -> memref<128xi32, #tpu.memory_space<vmem>>
      %dma_wait3A_236 = arith.constant 0 : i32
      %dma_wait3A_237 = arith.constant 0 : i32
      %dma_wait3A_238 = tpu.memref_slice %arg2[%dma_wait3A_236, %dma_wait3A_237] : memref<10240x16xf32, #tpu.memory_space<hbm>> -> memref<10240x16xf32, #tpu.memory_space<hbm>>
      tpu.wait_indirect_dma semaphore(%arg14 : memref<!tpu.dma_semaphore, #tpu.memory_space<semaphore_mem>>) src(%dma_wait3A_238 : memref<10240x16xf32, #tpu.memory_space<hbm>>) dst(%dma_wait3A_232 : memref<128x16xf32, #tpu.memory_space<vmem>>)
      %add3A_239 = arith.constant 3 : i32
      %add3A_240 = arith.addi %add3A_51, %add3A_239 : i32
      %dma_start3A_241 = arith.constant 3 : i32
      %dma_start3A_242 = arith.constant 0 : i32
      %dma_start3A_243 = arith.constant 0 : i32
      %dma_start3A_244 = tpu.memref_slice %arg8[%dma_start3A_241, %dma_start3A_242, %dma_start3A_243] : memref<8x128x16xf32, #tpu.memory_space<vmem>> -> memref<1x128x16xf32, #tpu.memory_space<vmem>>
      %dma_start3A_245 = tpu.memref_squeeze %dma_start3A_244 : memref<1x128x16xf32, #tpu.memory_space<vmem>> -> memref<128x16xf32, #tpu.memory_space<vmem>>
      %dma_start3A_246 = arith.constant 0 : i32
      %dma_start3A_247 = tpu.memref_slice %arg7[%add3A_240, %dma_start3A_246] : memref<80x128xi32, #tpu.memory_space<vmem>> -> memref<1x128xi32, #tpu.memory_space<vmem>>
      %dma_start3A_248 = tpu.memref_squeeze %dma_start3A_247 : memref<1x128xi32, #tpu.memory_space<vmem>> -> memref<128xi32, #tpu.memory_space<vmem>>
      %dma_start3A_249 = arith.constant 0 : i32
      %dma_start3A_250 = arith.constant 0 : i32
      %dma_start3A_251 = tpu.memref_slice %arg10[%dma_start3A_249, %dma_start3A_250] : memref<10240x16xf32, #tpu.memory_space<vmem_shared>> -> memref<10240x16xf32, #tpu.memory_space<vmem_shared>>
      tpu.enqueue_indirect_dma source(%dma_start3A_245 : memref<128x16xf32, #tpu.memory_space<vmem>>) target(%dma_start3A_251 : memref<10240x16xf32, #tpu.memory_space<vmem_shared>>) offsets(%dma_start3A_248 : memref<128xi32, #tpu.memory_space<vmem>>) semaphore(%arg22 : memref<!tpu.dma_semaphore, #tpu.memory_space<semaphore_mem>>) {add = true}
      %dma_wait3A_252 = arith.constant 4 : i32
      %dma_wait3A_253 = arith.constant 0 : i32
      %dma_wait3A_254 = arith.constant 0 : i32
      %dma_wait3A_255 = tpu.memref_slice %arg8[%dma_wait3A_252, %dma_wait3A_253, %dma_wait3A_254] : memref<8x128x16xf32, #tpu.memory_space<vmem>> -> memref<1x128x16xf32, #tpu.memory_space<vmem>>
      %dma_wait3A_256 = tpu.memref_squeeze %dma_wait3A_255 : memref<1x128x16xf32, #tpu.memory_space<vmem>> -> memref<128x16xf32, #tpu.memory_space<vmem>>
      %dma_wait3A_257 = arith.constant 0 : i32
      %dma_wait3A_258 = tpu.memref_slice %arg6[%add3A_105, %dma_wait3A_257] : memref<80x128xi32, #tpu.memory_space<vmem>> -> memref<1x128xi32, #tpu.memory_space<vmem>>
      %dma_wait3A_259 = tpu.memref_squeeze %dma_wait3A_258 : memref<1x128xi32, #tpu.memory_space<vmem>> -> memref<128xi32, #tpu.memory_space<vmem>>
      %dma_wait3A_260 = arith.constant 0 : i32
      %dma_wait3A_261 = arith.constant 0 : i32
      %dma_wait3A_262 = tpu.memref_slice %arg2[%dma_wait3A_260, %dma_wait3A_261] : memref<10240x16xf32, #tpu.memory_space<hbm>> -> memref<10240x16xf32, #tpu.memory_space<hbm>>
      tpu.wait_indirect_dma semaphore(%arg15 : memref<!tpu.dma_semaphore, #tpu.memory_space<semaphore_mem>>) src(%dma_wait3A_262 : memref<10240x16xf32, #tpu.memory_space<hbm>>) dst(%dma_wait3A_256 : memref<128x16xf32, #tpu.memory_space<vmem>>)
      %add3A_263 = arith.constant 4 : i32
      %add3A_264 = arith.addi %add3A_51, %add3A_263 : i32
      %dma_start3A_265 = arith.constant 4 : i32
      %dma_start3A_266 = arith.constant 0 : i32
      %dma_start3A_267 = arith.constant 0 : i32
      %dma_start3A_268 = tpu.memref_slice %arg8[%dma_start3A_265, %dma_start3A_266, %dma_start3A_267] : memref<8x128x16xf32, #tpu.memory_space<vmem>> -> memref<1x128x16xf32, #tpu.memory_space<vmem>>
      %dma_start3A_269 = tpu.memref_squeeze %dma_start3A_268 : memref<1x128x16xf32, #tpu.memory_space<vmem>> -> memref<128x16xf32, #tpu.memory_space<vmem>>
      %dma_start3A_270 = arith.constant 0 : i32
      %dma_start3A_271 = tpu.memref_slice %arg7[%add3A_264, %dma_start3A_270] : memref<80x128xi32, #tpu.memory_space<vmem>> -> memref<1x128xi32, #tpu.memory_space<vmem>>
      %dma_start3A_272 = tpu.memref_squeeze %dma_start3A_271 : memref<1x128xi32, #tpu.memory_space<vmem>> -> memref<128xi32, #tpu.memory_space<vmem>>
      %dma_start3A_273 = arith.constant 0 : i32
      %dma_start3A_274 = arith.constant 0 : i32
      %dma_start3A_275 = tpu.memref_slice %arg10[%dma_start3A_273, %dma_start3A_274] : memref<10240x16xf32, #tpu.memory_space<vmem_shared>> -> memref<10240x16xf32, #tpu.memory_space<vmem_shared>>
      tpu.enqueue_indirect_dma source(%dma_start3A_269 : memref<128x16xf32, #tpu.memory_space<vmem>>) target(%dma_start3A_275 : memref<10240x16xf32, #tpu.memory_space<vmem_shared>>) offsets(%dma_start3A_272 : memref<128xi32, #tpu.memory_space<vmem>>) semaphore(%arg23 : memref<!tpu.dma_semaphore, #tpu.memory_space<semaphore_mem>>) {add = true}
      %dma_wait3A_276 = arith.constant 5 : i32
      %dma_wait3A_277 = arith.constant 0 : i32
      %dma_wait3A_278 = arith.constant 0 : i32
      %dma_wait3A_279 = tpu.memref_slice %arg8[%dma_wait3A_276, %dma_wait3A_277, %dma_wait3A_278] : memref<8x128x16xf32, #tpu.memory_space<vmem>> -> memref<1x128x16xf32, #tpu.memory_space<vmem>>
      %dma_wait3A_280 = tpu.memref_squeeze %dma_wait3A_279 : memref<1x128x16xf32, #tpu.memory_space<vmem>> -> memref<128x16xf32, #tpu.memory_space<vmem>>
      %dma_wait3A_281 = arith.constant 0 : i32
      %dma_wait3A_282 = tpu.memref_slice %arg6[%add3A_118, %dma_wait3A_281] : memref<80x128xi32, #tpu.memory_space<vmem>> -> memref<1x128xi32, #tpu.memory_space<vmem>>
      %dma_wait3A_283 = tpu.memref_squeeze %dma_wait3A_282 : memref<1x128xi32, #tpu.memory_space<vmem>> -> memref<128xi32, #tpu.memory_space<vmem>>
      %dma_wait3A_284 = arith.constant 0 : i32
      %dma_wait3A_285 = arith.constant 0 : i32
      %dma_wait3A_286 = tpu.memref_slice %arg2[%dma_wait3A_284, %dma_wait3A_285] : memref<10240x16xf32, #tpu.memory_space<hbm>> -> memref<10240x16xf32, #tpu.memory_space<hbm>>
      tpu.wait_indirect_dma semaphore(%arg16 : memref<!tpu.dma_semaphore, #tpu.memory_space<semaphore_mem>>) src(%dma_wait3A_286 : memref<10240x16xf32, #tpu.memory_space<hbm>>) dst(%dma_wait3A_280 : memref<128x16xf32, #tpu.memory_space<vmem>>)
      %add3A_287 = arith.constant 5 : i32
      %add3A_288 = arith.addi %add3A_51, %add3A_287 : i32
      %dma_start3A_289 = arith.constant 5 : i32
      %dma_start3A_290 = arith.constant 0 : i32
      %dma_start3A_291 = arith.constant 0 : i32
      %dma_start3A_292 = tpu.memref_slice %arg8[%dma_start3A_289, %dma_start3A_290, %dma_start3A_291] : memref<8x128x16xf32, #tpu.memory_space<vmem>> -> memref<1x128x16xf32, #tpu.memory_space<vmem>>
      %dma_start3A_293 = tpu.memref_squeeze %dma_start3A_292 : memref<1x128x16xf32, #tpu.memory_space<vmem>> -> memref<128x16xf32, #tpu.memory_space<vmem>>
      %dma_start3A_294 = arith.constant 0 : i32
      %dma_start3A_295 = tpu.memref_slice %arg7[%add3A_288, %dma_start3A_294] : memref<80x128xi32, #tpu.memory_space<vmem>> -> memref<1x128xi32, #tpu.memory_space<vmem>>
      %dma_start3A_296 = tpu.memref_squeeze %dma_start3A_295 : memref<1x128xi32, #tpu.memory_space<vmem>> -> memref<128xi32, #tpu.memory_space<vmem>>
      %dma_start3A_297 = arith.constant 0 : i32
      %dma_start3A_298 = arith.constant 0 : i32
      %dma_start3A_299 = tpu.memref_slice %arg10[%dma_start3A_297, %dma_start3A_298] : memref<10240x16xf32, #tpu.memory_space<vmem_shared>> -> memref<10240x16xf32, #tpu.memory_space<vmem_shared>>
      tpu.enqueue_indirect_dma source(%dma_start3A_293 : memref<128x16xf32, #tpu.memory_space<vmem>>) target(%dma_start3A_299 : memref<10240x16xf32, #tpu.memory_space<vmem_shared>>) offsets(%dma_start3A_296 : memref<128xi32, #tpu.memory_space<vmem>>) semaphore(%arg24 : memref<!tpu.dma_semaphore, #tpu.memory_space<semaphore_mem>>) {add = true}
      %dma_wait3A_300 = arith.constant 6 : i32
      %dma_wait3A_301 = arith.constant 0 : i32
      %dma_wait3A_302 = arith.constant 0 : i32
      %dma_wait3A_303 = tpu.memref_slice %arg8[%dma_wait3A_300, %dma_wait3A_301, %dma_wait3A_302] : memref<8x128x16xf32, #tpu.memory_space<vmem>> -> memref<1x128x16xf32, #tpu.memory_space<vmem>>
      %dma_wait3A_304 = tpu.memref_squeeze %dma_wait3A_303 : memref<1x128x16xf32, #tpu.memory_space<vmem>> -> memref<128x16xf32, #tpu.memory_space<vmem>>
      %dma_wait3A_305 = arith.constant 0 : i32
      %dma_wait3A_306 = tpu.memref_slice %arg6[%add3A_131, %dma_wait3A_305] : memref<80x128xi32, #tpu.memory_space<vmem>> -> memref<1x128xi32, #tpu.memory_space<vmem>>
      %dma_wait3A_307 = tpu.memref_squeeze %dma_wait3A_306 : memref<1x128xi32, #tpu.memory_space<vmem>> -> memref<128xi32, #tpu.memory_space<vmem>>
      %dma_wait3A_308 = arith.constant 0 : i32
      %dma_wait3A_309 = arith.constant 0 : i32
      %dma_wait3A_310 = tpu.memref_slice %arg2[%dma_wait3A_308, %dma_wait3A_309] : memref<10240x16xf32, #tpu.memory_space<hbm>> -> memref<10240x16xf32, #tpu.memory_space<hbm>>
      tpu.wait_indirect_dma semaphore(%arg17 : memref<!tpu.dma_semaphore, #tpu.memory_space<semaphore_mem>>) src(%dma_wait3A_310 : memref<10240x16xf32, #tpu.memory_space<hbm>>) dst(%dma_wait3A_304 : memref<128x16xf32, #tpu.memory_space<vmem>>)
      %add3A_311 = arith.constant 6 : i32
      %add3A_312 = arith.addi %add3A_51, %add3A_311 : i32
      %dma_start3A_313 = arith.constant 6 : i32
      %dma_start3A_314 = arith.constant 0 : i32
      %dma_start3A_315 = arith.constant 0 : i32
      %dma_start3A_316 = tpu.memref_slice %arg8[%dma_start3A_313, %dma_start3A_314, %dma_start3A_315] : memref<8x128x16xf32, #tpu.memory_space<vmem>> -> memref<1x128x16xf32, #tpu.memory_space<vmem>>
      %dma_start3A_317 = tpu.memref_squeeze %dma_start3A_316 : memref<1x128x16xf32, #tpu.memory_space<vmem>> -> memref<128x16xf32, #tpu.memory_space<vmem>>
      %dma_start3A_318 = arith.constant 0 : i32
      %dma_start3A_319 = tpu.memref_slice %arg7[%add3A_312, %dma_start3A_318] : memref<80x128xi32, #tpu.memory_space<vmem>> -> memref<1x128xi32, #tpu.memory_space<vmem>>
      %dma_start3A_320 = tpu.memref_squeeze %dma_start3A_319 : memref<1x128xi32, #tpu.memory_space<vmem>> -> memref<128xi32, #tpu.memory_space<vmem>>
      %dma_start3A_321 = arith.constant 0 : i32
      %dma_start3A_322 = arith.constant 0 : i32
      %dma_start3A_323 = tpu.memref_slice %arg10[%dma_start3A_321, %dma_start3A_322] : memref<10240x16xf32, #tpu.memory_space<vmem_shared>> -> memref<10240x16xf32, #tpu.memory_space<vmem_shared>>
      tpu.enqueue_indirect_dma source(%dma_start3A_317 : memref<128x16xf32, #tpu.memory_space<vmem>>) target(%dma_start3A_323 : memref<10240x16xf32, #tpu.memory_space<vmem_shared>>) offsets(%dma_start3A_320 : memref<128xi32, #tpu.memory_space<vmem>>) semaphore(%arg25 : memref<!tpu.dma_semaphore, #tpu.memory_space<semaphore_mem>>) {add = true}
      %dma_wait3A_324 = arith.constant 7 : i32
      %dma_wait3A_325 = arith.constant 0 : i32
      %dma_wait3A_326 = arith.constant 0 : i32
      %dma_wait3A_327 = tpu.memref_slice %arg8[%dma_wait3A_324, %dma_wait3A_325, %dma_wait3A_326] : memref<8x128x16xf32, #tpu.memory_space<vmem>> -> memref<1x128x16xf32, #tpu.memory_space<vmem>>
      %dma_wait3A_328 = tpu.memref_squeeze %dma_wait3A_327 : memref<1x128x16xf32, #tpu.memory_space<vmem>> -> memref<128x16xf32, #tpu.memory_space<vmem>>
      %dma_wait3A_329 = arith.constant 0 : i32
      %dma_wait3A_330 = tpu.memref_slice %arg6[%add3A_144, %dma_wait3A_329] : memref<80x128xi32, #tpu.memory_space<vmem>> -> memref<1x128xi32, #tpu.memory_space<vmem>>
      %dma_wait3A_331 = tpu.memref_squeeze %dma_wait3A_330 : memref<1x128xi32, #tpu.memory_space<vmem>> -> memref<128xi32, #tpu.memory_space<vmem>>
      %dma_wait3A_332 = arith.constant 0 : i32
      %dma_wait3A_333 = arith.constant 0 : i32
      %dma_wait3A_334 = tpu.memref_slice %arg2[%dma_wait3A_332, %dma_wait3A_333] : memref<10240x16xf32, #tpu.memory_space<hbm>> -> memref<10240x16xf32, #tpu.memory_space<hbm>>
      tpu.wait_indirect_dma semaphore(%arg18 : memref<!tpu.dma_semaphore, #tpu.memory_space<semaphore_mem>>) src(%dma_wait3A_334 : memref<10240x16xf32, #tpu.memory_space<hbm>>) dst(%dma_wait3A_328 : memref<128x16xf32, #tpu.memory_space<vmem>>)
      %add3A_335 = arith.constant 7 : i32
      %add3A_336 = arith.addi %add3A_51, %add3A_335 : i32
      %dma_start3A_337 = arith.constant 7 : i32
      %dma_start3A_338 = arith.constant 0 : i32
      %dma_start3A_339 = arith.constant 0 : i32
      %dma_start3A_340 = tpu.memref_slice %arg8[%dma_start3A_337, %dma_start3A_338, %dma_start3A_339] : memref<8x128x16xf32, #tpu.memory_space<vmem>> -> memref<1x128x16xf32, #tpu.memory_space<vmem>>
      %dma_start3A_341 = tpu.memref_squeeze %dma_start3A_340 : memref<1x128x16xf32, #tpu.memory_space<vmem>> -> memref<128x16xf32, #tpu.memory_space<vmem>>
      %dma_start3A_342 = arith.constant 0 : i32
      %dma_start3A_343 = tpu.memref_slice %arg7[%add3A_336, %dma_start3A_342] : memref<80x128xi32, #tpu.memory_space<vmem>> -> memref<1x128xi32, #tpu.memory_space<vmem>>
      %dma_start3A_344 = tpu.memref_squeeze %dma_start3A_343 : memref<1x128xi32, #tpu.memory_space<vmem>> -> memref<128xi32, #tpu.memory_space<vmem>>
      %dma_start3A_345 = arith.constant 0 : i32
      %dma_start3A_346 = arith.constant 0 : i32
      %dma_start3A_347 = tpu.memref_slice %arg10[%dma_start3A_345, %dma_start3A_346] : memref<10240x16xf32, #tpu.memory_space<vmem_shared>> -> memref<10240x16xf32, #tpu.memory_space<vmem_shared>>
      tpu.enqueue_indirect_dma source(%dma_start3A_341 : memref<128x16xf32, #tpu.memory_space<vmem>>) target(%dma_start3A_347 : memref<10240x16xf32, #tpu.memory_space<vmem_shared>>) offsets(%dma_start3A_344 : memref<128xi32, #tpu.memory_space<vmem>>) semaphore(%arg26 : memref<!tpu.dma_semaphore, #tpu.memory_space<semaphore_mem>>) {add = true}
      %dma_wait3A_348 = arith.constant 0 : i32
      %dma_wait3A_349 = arith.constant 0 : i32
      %dma_wait3A_350 = arith.constant 0 : i32
      %dma_wait3A_351 = tpu.memref_slice %arg8[%dma_wait3A_348, %dma_wait3A_349, %dma_wait3A_350] : memref<8x128x16xf32, #tpu.memory_space<vmem>> -> memref<1x128x16xf32, #tpu.memory_space<vmem>>
      %dma_wait3A_352 = tpu.memref_squeeze %dma_wait3A_351 : memref<1x128x16xf32, #tpu.memory_space<vmem>> -> memref<128x16xf32, #tpu.memory_space<vmem>>
      %dma_wait3A_353 = arith.constant 0 : i32
      %dma_wait3A_354 = tpu.memref_slice %arg7[%add3A_168, %dma_wait3A_353] : memref<80x128xi32, #tpu.memory_space<vmem>> -> memref<1x128xi32, #tpu.memory_space<vmem>>
      %dma_wait3A_355 = tpu.memref_squeeze %dma_wait3A_354 : memref<1x128xi32, #tpu.memory_space<vmem>> -> memref<128xi32, #tpu.memory_space<vmem>>
      %dma_wait3A_356 = arith.constant 0 : i32
      %dma_wait3A_357 = arith.constant 0 : i32
      %dma_wait3A_358 = tpu.memref_slice %arg10[%dma_wait3A_356, %dma_wait3A_357] : memref<10240x16xf32, #tpu.memory_space<vmem_shared>> -> memref<10240x16xf32, #tpu.memory_space<vmem_shared>>
      tpu.wait_indirect_dma semaphore(%arg19 : memref<!tpu.dma_semaphore, #tpu.memory_space<semaphore_mem>>) src(%dma_wait3A_352 : memref<128x16xf32, #tpu.memory_space<vmem>>) dst(%dma_wait3A_358 : memref<10240x16xf32, #tpu.memory_space<vmem_shared>>)
      %dma_wait3A_359 = arith.constant 1 : i32
      %dma_wait3A_360 = arith.constant 0 : i32
      %dma_wait3A_361 = arith.constant 0 : i32
      %dma_wait3A_362 = tpu.memref_slice %arg8[%dma_wait3A_359, %dma_wait3A_360, %dma_wait3A_361] : memref<8x128x16xf32, #tpu.memory_space<vmem>> -> memref<1x128x16xf32, #tpu.memory_space<vmem>>
      %dma_wait3A_363 = tpu.memref_squeeze %dma_wait3A_362 : memref<1x128x16xf32, #tpu.memory_space<vmem>> -> memref<128x16xf32, #tpu.memory_space<vmem>>
      %dma_wait3A_364 = arith.constant 0 : i32
      %dma_wait3A_365 = tpu.memref_slice %arg7[%add3A_192, %dma_wait3A_364] : memref<80x128xi32, #tpu.memory_space<vmem>> -> memref<1x128xi32, #tpu.memory_space<vmem>>
      %dma_wait3A_366 = tpu.memref_squeeze %dma_wait3A_365 : memref<1x128xi32, #tpu.memory_space<vmem>> -> memref<128xi32, #tpu.memory_space<vmem>>
      %dma_wait3A_367 = arith.constant 0 : i32
      %dma_wait3A_368 = arith.constant 0 : i32
      %dma_wait3A_369 = tpu.memref_slice %arg10[%dma_wait3A_367, %dma_wait3A_368] : memref<10240x16xf32, #tpu.memory_space<vmem_shared>> -> memref<10240x16xf32, #tpu.memory_space<vmem_shared>>
      tpu.wait_indirect_dma semaphore(%arg20 : memref<!tpu.dma_semaphore, #tpu.memory_space<semaphore_mem>>) src(%dma_wait3A_363 : memref<128x16xf32, #tpu.memory_space<vmem>>) dst(%dma_wait3A_369 : memref<10240x16xf32, #tpu.memory_space<vmem_shared>>)
      %dma_wait3A_370 = arith.constant 2 : i32
      %dma_wait3A_371 = arith.constant 0 : i32
      %dma_wait3A_372 = arith.constant 0 : i32
      %dma_wait3A_373 = tpu.memref_slice %arg8[%dma_wait3A_370, %dma_wait3A_371, %dma_wait3A_372] : memref<8x128x16xf32, #tpu.memory_space<vmem>> -> memref<1x128x16xf32, #tpu.memory_space<vmem>>
      %dma_wait3A_374 = tpu.memref_squeeze %dma_wait3A_373 : memref<1x128x16xf32, #tpu.memory_space<vmem>> -> memref<128x16xf32, #tpu.memory_space<vmem>>
      %dma_wait3A_375 = arith.constant 0 : i32
      %dma_wait3A_376 = tpu.memref_slice %arg7[%add3A_216, %dma_wait3A_375] : memref<80x128xi32, #tpu.memory_space<vmem>> -> memref<1x128xi32, #tpu.memory_space<vmem>>
      %dma_wait3A_377 = tpu.memref_squeeze %dma_wait3A_376 : memref<1x128xi32, #tpu.memory_space<vmem>> -> memref<128xi32, #tpu.memory_space<vmem>>
      %dma_wait3A_378 = arith.constant 0 : i32
      %dma_wait3A_379 = arith.constant 0 : i32
      %dma_wait3A_380 = tpu.memref_slice %arg10[%dma_wait3A_378, %dma_wait3A_379] : memref<10240x16xf32, #tpu.memory_space<vmem_shared>> -> memref<10240x16xf32, #tpu.memory_space<vmem_shared>>
      tpu.wait_indirect_dma semaphore(%arg21 : memref<!tpu.dma_semaphore, #tpu.memory_space<semaphore_mem>>) src(%dma_wait3A_374 : memref<128x16xf32, #tpu.memory_space<vmem>>) dst(%dma_wait3A_380 : memref<10240x16xf32, #tpu.memory_space<vmem_shared>>)
      %dma_wait3A_381 = arith.constant 3 : i32
      %dma_wait3A_382 = arith.constant 0 : i32
      %dma_wait3A_383 = arith.constant 0 : i32
      %dma_wait3A_384 = tpu.memref_slice %arg8[%dma_wait3A_381, %dma_wait3A_382, %dma_wait3A_383] : memref<8x128x16xf32, #tpu.memory_space<vmem>> -> memref<1x128x16xf32, #tpu.memory_space<vmem>>
      %dma_wait3A_385 = tpu.memref_squeeze %dma_wait3A_384 : memref<1x128x16xf32, #tpu.memory_space<vmem>> -> memref<128x16xf32, #tpu.memory_space<vmem>>
      %dma_wait3A_386 = arith.constant 0 : i32
      %dma_wait3A_387 = tpu.memref_slice %arg7[%add3A_240, %dma_wait3A_386] : memref<80x128xi32, #tpu.memory_space<vmem>> -> memref<1x128xi32, #tpu.memory_space<vmem>>
      %dma_wait3A_388 = tpu.memref_squeeze %dma_wait3A_387 : memref<1x128xi32, #tpu.memory_space<vmem>> -> memref<128xi32, #tpu.memory_space<vmem>>
      %dma_wait3A_389 = arith.constant 0 : i32
      %dma_wait3A_390 = arith.constant 0 : i32
      %dma_wait3A_391 = tpu.memref_slice %arg10[%dma_wait3A_389, %dma_wait3A_390] : memref<10240x16xf32, #tpu.memory_space<vmem_shared>> -> memref<10240x16xf32, #tpu.memory_space<vmem_shared>>
      tpu.wait_indirect_dma semaphore(%arg22 : memref<!tpu.dma_semaphore, #tpu.memory_space<semaphore_mem>>) src(%dma_wait3A_385 : memref<128x16xf32, #tpu.memory_space<vmem>>) dst(%dma_wait3A_391 : memref<10240x16xf32, #tpu.memory_space<vmem_shared>>)
      %dma_wait3A_392 = arith.constant 4 : i32
      %dma_wait3A_393 = arith.constant 0 : i32
      %dma_wait3A_394 = arith.constant 0 : i32
      %dma_wait3A_395 = tpu.memref_slice %arg8[%dma_wait3A_392, %dma_wait3A_393, %dma_wait3A_394] : memref<8x128x16xf32, #tpu.memory_space<vmem>> -> memref<1x128x16xf32, #tpu.memory_space<vmem>>
      %dma_wait3A_396 = tpu.memref_squeeze %dma_wait3A_395 : memref<1x128x16xf32, #tpu.memory_space<vmem>> -> memref<128x16xf32, #tpu.memory_space<vmem>>
      %dma_wait3A_397 = arith.constant 0 : i32
      %dma_wait3A_398 = tpu.memref_slice %arg7[%add3A_264, %dma_wait3A_397] : memref<80x128xi32, #tpu.memory_space<vmem>> -> memref<1x128xi32, #tpu.memory_space<vmem>>
      %dma_wait3A_399 = tpu.memref_squeeze %dma_wait3A_398 : memref<1x128xi32, #tpu.memory_space<vmem>> -> memref<128xi32, #tpu.memory_space<vmem>>
      %dma_wait3A_400 = arith.constant 0 : i32
      %dma_wait3A_401 = arith.constant 0 : i32
      %dma_wait3A_402 = tpu.memref_slice %arg10[%dma_wait3A_400, %dma_wait3A_401] : memref<10240x16xf32, #tpu.memory_space<vmem_shared>> -> memref<10240x16xf32, #tpu.memory_space<vmem_shared>>
      tpu.wait_indirect_dma semaphore(%arg23 : memref<!tpu.dma_semaphore, #tpu.memory_space<semaphore_mem>>) src(%dma_wait3A_396 : memref<128x16xf32, #tpu.memory_space<vmem>>) dst(%dma_wait3A_402 : memref<10240x16xf32, #tpu.memory_space<vmem_shared>>)
      %dma_wait3A_403 = arith.constant 5 : i32
      %dma_wait3A_404 = arith.constant 0 : i32
      %dma_wait3A_405 = arith.constant 0 : i32
      %dma_wait3A_406 = tpu.memref_slice %arg8[%dma_wait3A_403, %dma_wait3A_404, %dma_wait3A_405] : memref<8x128x16xf32, #tpu.memory_space<vmem>> -> memref<1x128x16xf32, #tpu.memory_space<vmem>>
      %dma_wait3A_407 = tpu.memref_squeeze %dma_wait3A_406 : memref<1x128x16xf32, #tpu.memory_space<vmem>> -> memref<128x16xf32, #tpu.memory_space<vmem>>
      %dma_wait3A_408 = arith.constant 0 : i32
      %dma_wait3A_409 = tpu.memref_slice %arg7[%add3A_288, %dma_wait3A_408] : memref<80x128xi32, #tpu.memory_space<vmem>> -> memref<1x128xi32, #tpu.memory_space<vmem>>
      %dma_wait3A_410 = tpu.memref_squeeze %dma_wait3A_409 : memref<1x128xi32, #tpu.memory_space<vmem>> -> memref<128xi32, #tpu.memory_space<vmem>>
      %dma_wait3A_411 = arith.constant 0 : i32
      %dma_wait3A_412 = arith.constant 0 : i32
      %dma_wait3A_413 = tpu.memref_slice %arg10[%dma_wait3A_411, %dma_wait3A_412] : memref<10240x16xf32, #tpu.memory_space<vmem_shared>> -> memref<10240x16xf32, #tpu.memory_space<vmem_shared>>
      tpu.wait_indirect_dma semaphore(%arg24 : memref<!tpu.dma_semaphore, #tpu.memory_space<semaphore_mem>>) src(%dma_wait3A_407 : memref<128x16xf32, #tpu.memory_space<vmem>>) dst(%dma_wait3A_413 : memref<10240x16xf32, #tpu.memory_space<vmem_shared>>)
      %dma_wait3A_414 = arith.constant 6 : i32
      %dma_wait3A_415 = arith.constant 0 : i32
      %dma_wait3A_416 = arith.constant 0 : i32
      %dma_wait3A_417 = tpu.memref_slice %arg8[%dma_wait3A_414, %dma_wait3A_415, %dma_wait3A_416] : memref<8x128x16xf32, #tpu.memory_space<vmem>> -> memref<1x128x16xf32, #tpu.memory_space<vmem>>
      %dma_wait3A_418 = tpu.memref_squeeze %dma_wait3A_417 : memref<1x128x16xf32, #tpu.memory_space<vmem>> -> memref<128x16xf32, #tpu.memory_space<vmem>>
      %dma_wait3A_419 = arith.constant 0 : i32
      %dma_wait3A_420 = tpu.memref_slice %arg7[%add3A_312, %dma_wait3A_419] : memref<80x128xi32, #tpu.memory_space<vmem>> -> memref<1x128xi32, #tpu.memory_space<vmem>>
      %dma_wait3A_421 = tpu.memref_squeeze %dma_wait3A_420 : memref<1x128xi32, #tpu.memory_space<vmem>> -> memref<128xi32, #tpu.memory_space<vmem>>
      %dma_wait3A_422 = arith.constant 0 : i32
      %dma_wait3A_423 = arith.constant 0 : i32
      %dma_wait3A_424 = tpu.memref_slice %arg10[%dma_wait3A_422, %dma_wait3A_423] : memref<10240x16xf32, #tpu.memory_space<vmem_shared>> -> memref<10240x16xf32, #tpu.memory_space<vmem_shared>>
      tpu.wait_indirect_dma semaphore(%arg25 : memref<!tpu.dma_semaphore, #tpu.memory_space<semaphore_mem>>) src(%dma_wait3A_418 : memref<128x16xf32, #tpu.memory_space<vmem>>) dst(%dma_wait3A_424 : memref<10240x16xf32, #tpu.memory_space<vmem_shared>>)
      %dma_wait3A_425 = arith.constant 7 : i32
      %dma_wait3A_426 = arith.constant 0 : i32
      %dma_wait3A_427 = arith.constant 0 : i32
      %dma_wait3A_428 = tpu.memref_slice %arg8[%dma_wait3A_425, %dma_wait3A_426, %dma_wait3A_427] : memref<8x128x16xf32, #tpu.memory_space<vmem>> -> memref<1x128x16xf32, #tpu.memory_space<vmem>>
      %dma_wait3A_429 = tpu.memref_squeeze %dma_wait3A_428 : memref<1x128x16xf32, #tpu.memory_space<vmem>> -> memref<128x16xf32, #tpu.memory_space<vmem>>
      %dma_wait3A_430 = arith.constant 0 : i32
      %dma_wait3A_431 = tpu.memref_slice %arg7[%add3A_336, %dma_wait3A_430] : memref<80x128xi32, #tpu.memory_space<vmem>> -> memref<1x128xi32, #tpu.memory_space<vmem>>
      %dma_wait3A_432 = tpu.memref_squeeze %dma_wait3A_431 : memref<1x128xi32, #tpu.memory_space<vmem>> -> memref<128xi32, #tpu.memory_space<vmem>>
      %dma_wait3A_433 = arith.constant 0 : i32
      %dma_wait3A_434 = arith.constant 0 : i32
      %dma_wait3A_435 = tpu.memref_slice %arg10[%dma_wait3A_433, %dma_wait3A_434] : memref<10240x16xf32, #tpu.memory_space<vmem_shared>> -> memref<10240x16xf32, #tpu.memory_space<vmem_shared>>
      tpu.wait_indirect_dma semaphore(%arg26 : memref<!tpu.dma_semaphore, #tpu.memory_space<semaphore_mem>>) src(%dma_wait3A_429 : memref<128x16xf32, #tpu.memory_space<vmem>>) dst(%dma_wait3A_435 : memref<10240x16xf32, #tpu.memory_space<vmem_shared>>)
    }
    %scan3A_41 = arith.constant 10 : i32
    %barrier3A_42 = arith.constant 0 : index
    tpu.barrier barrier_id(%barrier3A_42)
    %mul3A_43 = arith.constant 640 : i32
    %mul3A_44 = arith.muli %arg1, %mul3A_43 : i32
    "tpu.region"() ({
      %run_scoped3A = tpu.sem_alloc : memref<!tpu.dma_semaphore, #tpu.memory_space<semaphore_mem>>
      %dma_start3A_47 = arith.constant 0 : i32
      %dma_start3A_48 = tpu.memref_slice %arg10[%mul3A_44, %dma_start3A_47] : memref<10240x16xf32, #tpu.memory_space<vmem_shared>> -> memref<640x16xf32, #tpu.memory_space<vmem_shared>>
      %dma_start3A_49 = arith.constant 0 : i32
      %dma_start3A_50 = tpu.memref_slice %arg10[%mul3A_44, %dma_start3A_49] : memref<10240x16xf32, #tpu.memory_space<vmem_shared>> -> memref<640x16xf32, #tpu.memory_space<vmem_shared>>
      tpu.enqueue_dma source(%dma_start3A_50 : memref<640x16xf32, #tpu.memory_space<vmem_shared>>) target(%arg9 : memref<640x16xf32, #tpu.memory_space<vmem>>) target_semaphore(%run_scoped3A : memref<!tpu.dma_semaphore, #tpu.memory_space<semaphore_mem>>)
      %dma_wait3A_51 = arith.constant 0 : i32
      %dma_wait3A_52 = tpu.memref_slice %arg10[%mul3A_44, %dma_wait3A_51] : memref<10240x16xf32, #tpu.memory_space<vmem_shared>> -> memref<640x16xf32, #tpu.memory_space<vmem_shared>>
      %dma_wait3A_53 = arith.constant 0 : i32
      %dma_wait3A_54 = tpu.memref_slice %arg10[%mul3A_44, %dma_wait3A_53] : memref<10240x16xf32, #tpu.memory_space<vmem_shared>> -> memref<640x16xf32, #tpu.memory_space<vmem_shared>>
      tpu.wait_dma2 semaphore(%run_scoped3A : memref<!tpu.dma_semaphore, #tpu.memory_space<semaphore_mem>>) src(%dma_wait3A_54 : memref<640x16xf32, #tpu.memory_space<vmem_shared>>) dst(%arg9 : memref<640x16xf32, #tpu.memory_space<vmem>>)
      tpu.yield
    }) : () -> ()
    %mul3A_45 = arith.constant 640 : i32
    %mul3A_46 = arith.muli %arg1, %mul3A_45 : i32
    "tpu.region"() ({
      %run_scoped3A = tpu.sem_alloc : memref<!tpu.dma_semaphore, #tpu.memory_space<semaphore_mem>>
      %dma_start3A_47 = arith.constant 0 : i32
      %dma_start3A_48 = tpu.memref_slice %arg5[%arg0, %mul3A_46, %dma_start3A_47] : memref<2x10240x16xf32, #tpu.memory_space<hbm>> -> memref<1x640x16xf32, #tpu.memory_space<hbm>>
      %dma_start3A_49 = tpu.memref_squeeze %dma_start3A_48 : memref<1x640x16xf32, #tpu.memory_space<hbm>> -> memref<640x16xf32, #tpu.memory_space<hbm>>
      %dma_start3A_50 = arith.constant 0 : i32
      %dma_start3A_51 = tpu.memref_slice %arg5[%arg0, %mul3A_46, %dma_start3A_50] : memref<2x10240x16xf32, #tpu.memory_space<hbm>> -> memref<1x640x16xf32, #tpu.memory_space<hbm>>
      %dma_start3A_52 = tpu.memref_squeeze %dma_start3A_51 : memref<1x640x16xf32, #tpu.memory_space<hbm>> -> memref<640x16xf32, #tpu.memory_space<hbm>>
      tpu.enqueue_dma source(%arg9 : memref<640x16xf32, #tpu.memory_space<vmem>>) target(%dma_start3A_52 : memref<640x16xf32, #tpu.memory_space<hbm>>) target_semaphore(%run_scoped3A : memref<!tpu.dma_semaphore, #tpu.memory_space<semaphore_mem>>)
      %dma_wait3A_53 = arith.constant 0 : i32
      %dma_wait3A_54 = tpu.memref_slice %arg5[%arg0, %mul3A_46, %dma_wait3A_53] : memref<2x10240x16xf32, #tpu.memory_space<hbm>> -> memref<1x640x16xf32, #tpu.memory_space<hbm>>
      %dma_wait3A_55 = tpu.memref_squeeze %dma_wait3A_54 : memref<1x640x16xf32, #tpu.memory_space<hbm>> -> memref<640x16xf32, #tpu.memory_space<hbm>>
      %dma_wait3A_56 = arith.constant 0 : i32
      %dma_wait3A_57 = tpu.memref_slice %arg5[%arg0, %mul3A_46, %dma_wait3A_56] : memref<2x10240x16xf32, #tpu.memory_space<hbm>> -> memref<1x640x16xf32, #tpu.memory_space<hbm>>
      %dma_wait3A_58 = tpu.memref_squeeze %dma_wait3A_57 : memref<1x640x16xf32, #tpu.memory_space<hbm>> -> memref<640x16xf32, #tpu.memory_space<hbm>>
      tpu.wait_dma2 semaphore(%run_scoped3A : memref<!tpu.dma_semaphore, #tpu.memory_space<semaphore_mem>>) src(%arg9 : memref<640x16xf32, #tpu.memory_space<vmem>>) dst(%dma_wait3A_58 : memref<640x16xf32, #tpu.memory_space<hbm>>)
      tpu.yield
    }) : () -> ()
    return
  }
}

#map = affine_map<(d0, d1) -> (0, 0, 0)>
#map1 = affine_map<(d0, d1) -> (0, 0)>
module attributes {stable_mosaic.version = 14 : i64} {
  func.func @_deg_sc(%arg0: i32, %arg1: i32, %arg2: memref<32x80x128xi32, #tpu.memory_space<hbm>>, %arg3: memref<2x10240xf32, #tpu.memory_space<hbm>>, %arg4: memref<80x128xi32, #tpu.memory_space<vmem>>, %arg5: memref<128xf32, #tpu.memory_space<vmem>>, %arg6: memref<640xf32, #tpu.memory_space<vmem>>, %arg7: memref<10240xf32, #tpu.memory_space<vmem_shared>>, %arg8: memref<!tpu.dma_semaphore, #tpu.memory_space<semaphore_mem>>) attributes {dimension_semantics = [#tpu.dimension_semantics<core_parallel>, #tpu.dimension_semantics<subcore_parallel>], iteration_bounds = array<i64: 2, 16>, scalar_prefetch = 0 : i64, scratch_operands = 5 : i64, tpu.core_type = #tpu.core_type<sc_vector_subcore>, window_params = [{transform_indices = #map}, {transform_indices = #map1}]} {
    %mul3A = arith.constant 16 : i32
    %mul3A_0 = arith.muli %arg0, %mul3A : i32
    %add3A = arith.addi %mul3A_0, %arg1 : i32
    %dma_start3A = arith.constant 0 : i32
    %dma_start3A_1 = arith.constant 0 : i32
    %dma_start3A_2 = tpu.memref_slice %arg2[%add3A, %dma_start3A, %dma_start3A_1] : memref<32x80x128xi32, #tpu.memory_space<hbm>> -> memref<1x80x128xi32, #tpu.memory_space<hbm>>
    %dma_start3A_3 = tpu.memref_squeeze %dma_start3A_2 : memref<1x80x128xi32, #tpu.memory_space<hbm>> -> memref<80x128xi32, #tpu.memory_space<hbm>>
    %dma_start3A_4 = arith.constant 0 : i32
    %dma_start3A_5 = arith.constant 0 : i32
    %dma_start3A_6 = tpu.memref_slice %arg2[%add3A, %dma_start3A_4, %dma_start3A_5] : memref<32x80x128xi32, #tpu.memory_space<hbm>> -> memref<1x80x128xi32, #tpu.memory_space<hbm>>
    %dma_start3A_7 = tpu.memref_squeeze %dma_start3A_6 : memref<1x80x128xi32, #tpu.memory_space<hbm>> -> memref<80x128xi32, #tpu.memory_space<hbm>>
    tpu.enqueue_dma source(%dma_start3A_7 : memref<80x128xi32, #tpu.memory_space<hbm>>) target(%arg4 : memref<80x128xi32, #tpu.memory_space<vmem>>) target_semaphore(%arg8 : memref<!tpu.dma_semaphore, #tpu.memory_space<semaphore_mem>>)
    %scan3A = arith.constant 0 : i32
    %scan3A_8 = arith.constant 8 : i32
    %scan3A_9 = arith.addi %scan3A, %scan3A_8 : i32
    %scan3A_10 = arith.constant 1 : i32
    scf.for %scan3A_36 = %scan3A to %scan3A_9 step %scan3A_10  : i32 {
      %mul3A_37 = arith.constant 1 : i32
      %mul3A_38 = arith.muli %scan3A_36, %mul3A_37 : i32
      %add3A_39 = arith.constant 0 : i32
      %add3A_40 = arith.addi %add3A_39, %mul3A_38 : i32
      %broadcast_in_dim3A = arith.constant 1.000000e+00 : f32
      %broadcast_in_dim3A_41 = vector.broadcast %broadcast_in_dim3A : f32 to vector<16xf32>
      %mul3A_42 = arith.constant 16 : i32
      %mul3A_43 = arith.muli %add3A_40, %mul3A_42 : i32
      %swap3A = arith.index_cast %mul3A_43 : i32 to index
      %swap3A_44 = tpu.vector_load %arg5[%swap3A] {strides = array<i32>} : memref<128xf32, #tpu.memory_space<vmem>>, vector<16xf32>,
      %swap3A_45 = vector.shape_cast %swap3A_44 : vector<16xf32> to vector<16xf32>
      %swap3A_46 = vector.shape_cast %broadcast_in_dim3A_41 : vector<16xf32> to vector<16xf32>
      tpu.vector_store %arg5[%swap3A], %swap3A_46 {strides = array<i32>} : memref<128xf32, #tpu.memory_space<vmem>>, vector<16xf32>,
    }
    %scan3A_11 = arith.constant 8 : i32
    %scan3A_12 = arith.constant 0 : i32
    %scan3A_13 = arith.constant 40 : i32
    %scan3A_14 = arith.addi %scan3A_12, %scan3A_13 : i32
    %scan3A_15 = arith.constant 1 : i32
    scf.for %scan3A_36 = %scan3A_12 to %scan3A_14 step %scan3A_15  : i32 {
      %mul3A_37 = arith.constant 1 : i32
      %mul3A_38 = arith.muli %scan3A_36, %mul3A_37 : i32
      %add3A_39 = arith.constant 0 : i32
      %add3A_40 = arith.addi %add3A_39, %mul3A_38 : i32
      %broadcast_in_dim3A = arith.constant 0.000000e+00 : f32
      %broadcast_in_dim3A_41 = vector.broadcast %broadcast_in_dim3A : f32 to vector<16xf32>
      %mul3A_42 = arith.constant 16 : i32
      %mul3A_43 = arith.muli %add3A_40, %mul3A_42 : i32
      %swap3A = arith.index_cast %mul3A_43 : i32 to index
      %swap3A_44 = tpu.vector_load %arg6[%swap3A] {strides = array<i32>} : memref<640xf32, #tpu.memory_space<vmem>>, vector<16xf32>,
      %swap3A_45 = vector.shape_cast %swap3A_44 : vector<16xf32> to vector<16xf32>
      %swap3A_46 = vector.shape_cast %broadcast_in_dim3A_41 : vector<16xf32> to vector<16xf32>
      tpu.vector_store %arg6[%swap3A], %swap3A_46 {strides = array<i32>} : memref<640xf32, #tpu.memory_space<vmem>>, vector<16xf32>,
    }
    %scan3A_16 = arith.constant 40 : i32
    %mul3A_17 = arith.constant 640 : i32
    %mul3A_18 = arith.muli %arg1, %mul3A_17 : i32
    "tpu.region"() ({
      %run_scoped3A = tpu.sem_alloc : memref<!tpu.dma_semaphore, #tpu.memory_space<semaphore_mem>>
      %dma_start3A_36 = tpu.memref_slice %arg7[%mul3A_18] : memref<10240xf32, #tpu.memory_space<vmem_shared>> -> memref<640xf32, #tpu.memory_space<vmem_shared>>
      %dma_start3A_37 = tpu.memref_slice %arg7[%mul3A_18] : memref<10240xf32, #tpu.memory_space<vmem_shared>> -> memref<640xf32, #tpu.memory_space<vmem_shared>>
      tpu.enqueue_dma source(%arg6 : memref<640xf32, #tpu.memory_space<vmem>>) target(%dma_start3A_37 : memref<640xf32, #tpu.memory_space<vmem_shared>>) target_semaphore(%run_scoped3A : memref<!tpu.dma_semaphore, #tpu.memory_space<semaphore_mem>>)
      %dma_wait3A_38 = tpu.memref_slice %arg7[%mul3A_18] : memref<10240xf32, #tpu.memory_space<vmem_shared>> -> memref<640xf32, #tpu.memory_space<vmem_shared>>
      %dma_wait3A_39 = tpu.memref_slice %arg7[%mul3A_18] : memref<10240xf32, #tpu.memory_space<vmem_shared>> -> memref<640xf32, #tpu.memory_space<vmem_shared>>
      tpu.wait_dma2 semaphore(%run_scoped3A : memref<!tpu.dma_semaphore, #tpu.memory_space<semaphore_mem>>) src(%arg6 : memref<640xf32, #tpu.memory_space<vmem>>) dst(%dma_wait3A_39 : memref<640xf32, #tpu.memory_space<vmem_shared>>)
      tpu.yield
    }) : () -> ()
    %barrier3A = arith.constant 0 : index
    tpu.barrier barrier_id(%barrier3A)
    %dma_wait3A = arith.constant 0 : i32
    %dma_wait3A_19 = arith.constant 0 : i32
    %dma_wait3A_20 = tpu.memref_slice %arg2[%add3A, %dma_wait3A, %dma_wait3A_19] : memref<32x80x128xi32, #tpu.memory_space<hbm>> -> memref<1x80x128xi32, #tpu.memory_space<hbm>>
    %dma_wait3A_21 = tpu.memref_squeeze %dma_wait3A_20 : memref<1x80x128xi32, #tpu.memory_space<hbm>> -> memref<80x128xi32, #tpu.memory_space<hbm>>
    %dma_wait3A_22 = arith.constant 0 : i32
    %dma_wait3A_23 = arith.constant 0 : i32
    %dma_wait3A_24 = tpu.memref_slice %arg2[%add3A, %dma_wait3A_22, %dma_wait3A_23] : memref<32x80x128xi32, #tpu.memory_space<hbm>> -> memref<1x80x128xi32, #tpu.memory_space<hbm>>
    %dma_wait3A_25 = tpu.memref_squeeze %dma_wait3A_24 : memref<1x80x128xi32, #tpu.memory_space<hbm>> -> memref<80x128xi32, #tpu.memory_space<hbm>>
    tpu.wait_dma2 semaphore(%arg8 : memref<!tpu.dma_semaphore, #tpu.memory_space<semaphore_mem>>) src(%dma_wait3A_25 : memref<80x128xi32, #tpu.memory_space<hbm>>) dst(%arg4 : memref<80x128xi32, #tpu.memory_space<vmem>>)
    %scan3A_26 = arith.constant 0 : i32
    %scan3A_27 = arith.constant 10 : i32
    %scan3A_28 = arith.addi %scan3A_26, %scan3A_27 : i32
    %scan3A_29 = arith.constant 1 : i32
    scf.for %scan3A_36 = %scan3A_26 to %scan3A_28 step %scan3A_29  : i32 {
      %mul3A_37 = arith.constant 8 : i32
      %mul3A_38 = arith.muli %scan3A_36, %mul3A_37 : i32
      %add3A_39 = arith.constant 0 : i32
      %add3A_40 = arith.addi %add3A_39, %mul3A_38 : i32
      %add3A_41 = arith.constant 0 : i32
      %add3A_42 = arith.addi %add3A_40, %add3A_41 : i32
      %dma_start3A_43 = arith.constant 0 : i32
      %dma_start3A_44 = tpu.memref_slice %arg5[%dma_start3A_43] : memref<128xf32, #tpu.memory_space<vmem>> -> memref<128xf32, #tpu.memory_space<vmem>>
      %dma_start3A_45 = arith.constant 0 : i32
      %dma_start3A_46 = tpu.memref_slice %arg4[%add3A_42, %dma_start3A_45] : memref<80x128xi32, #tpu.memory_space<vmem>> -> memref<1x128xi32, #tpu.memory_space<vmem>>
      %dma_start3A_47 = tpu.memref_squeeze %dma_start3A_46 : memref<1x128xi32, #tpu.memory_space<vmem>> -> memref<128xi32, #tpu.memory_space<vmem>>
      %dma_start3A_48 = arith.constant 0 : i32
      %dma_start3A_49 = tpu.memref_slice %arg7[%dma_start3A_48] : memref<10240xf32, #tpu.memory_space<vmem_shared>> -> memref<10240xf32, #tpu.memory_space<vmem_shared>>
      tpu.enqueue_indirect_dma source(%dma_start3A_44 : memref<128xf32, #tpu.memory_space<vmem>>) target(%dma_start3A_49 : memref<10240xf32, #tpu.memory_space<vmem_shared>>) offsets(%dma_start3A_47 : memref<128xi32, #tpu.memory_space<vmem>>) semaphore(%arg8 : memref<!tpu.dma_semaphore, #tpu.memory_space<semaphore_mem>>) {add = true}
      %add3A_50 = arith.constant 1 : i32
      %add3A_51 = arith.addi %add3A_40, %add3A_50 : i32
      %dma_start3A_52 = arith.constant 0 : i32
      %dma_start3A_53 = tpu.memref_slice %arg5[%dma_start3A_52] : memref<128xf32, #tpu.memory_space<vmem>> -> memref<128xf32, #tpu.memory_space<vmem>>
      %dma_start3A_54 = arith.constant 0 : i32
      %dma_start3A_55 = tpu.memref_slice %arg4[%add3A_51, %dma_start3A_54] : memref<80x128xi32, #tpu.memory_space<vmem>> -> memref<1x128xi32, #tpu.memory_space<vmem>>
      %dma_start3A_56 = tpu.memref_squeeze %dma_start3A_55 : memref<1x128xi32, #tpu.memory_space<vmem>> -> memref<128xi32, #tpu.memory_space<vmem>>
      %dma_start3A_57 = arith.constant 0 : i32
      %dma_start3A_58 = tpu.memref_slice %arg7[%dma_start3A_57] : memref<10240xf32, #tpu.memory_space<vmem_shared>> -> memref<10240xf32, #tpu.memory_space<vmem_shared>>
      tpu.enqueue_indirect_dma source(%dma_start3A_53 : memref<128xf32, #tpu.memory_space<vmem>>) target(%dma_start3A_58 : memref<10240xf32, #tpu.memory_space<vmem_shared>>) offsets(%dma_start3A_56 : memref<128xi32, #tpu.memory_space<vmem>>) semaphore(%arg8 : memref<!tpu.dma_semaphore, #tpu.memory_space<semaphore_mem>>) {add = true}
      %add3A_59 = arith.constant 2 : i32
      %add3A_60 = arith.addi %add3A_40, %add3A_59 : i32
      %dma_start3A_61 = arith.constant 0 : i32
      %dma_start3A_62 = tpu.memref_slice %arg5[%dma_start3A_61] : memref<128xf32, #tpu.memory_space<vmem>> -> memref<128xf32, #tpu.memory_space<vmem>>
      %dma_start3A_63 = arith.constant 0 : i32
      %dma_start3A_64 = tpu.memref_slice %arg4[%add3A_60, %dma_start3A_63] : memref<80x128xi32, #tpu.memory_space<vmem>> -> memref<1x128xi32, #tpu.memory_space<vmem>>
      %dma_start3A_65 = tpu.memref_squeeze %dma_start3A_64 : memref<1x128xi32, #tpu.memory_space<vmem>> -> memref<128xi32, #tpu.memory_space<vmem>>
      %dma_start3A_66 = arith.constant 0 : i32
      %dma_start3A_67 = tpu.memref_slice %arg7[%dma_start3A_66] : memref<10240xf32, #tpu.memory_space<vmem_shared>> -> memref<10240xf32, #tpu.memory_space<vmem_shared>>
      tpu.enqueue_indirect_dma source(%dma_start3A_62 : memref<128xf32, #tpu.memory_space<vmem>>) target(%dma_start3A_67 : memref<10240xf32, #tpu.memory_space<vmem_shared>>) offsets(%dma_start3A_65 : memref<128xi32, #tpu.memory_space<vmem>>) semaphore(%arg8 : memref<!tpu.dma_semaphore, #tpu.memory_space<semaphore_mem>>) {add = true}
      %add3A_68 = arith.constant 3 : i32
      %add3A_69 = arith.addi %add3A_40, %add3A_68 : i32
      %dma_start3A_70 = arith.constant 0 : i32
      %dma_start3A_71 = tpu.memref_slice %arg5[%dma_start3A_70] : memref<128xf32, #tpu.memory_space<vmem>> -> memref<128xf32, #tpu.memory_space<vmem>>
      %dma_start3A_72 = arith.constant 0 : i32
      %dma_start3A_73 = tpu.memref_slice %arg4[%add3A_69, %dma_start3A_72] : memref<80x128xi32, #tpu.memory_space<vmem>> -> memref<1x128xi32, #tpu.memory_space<vmem>>
      %dma_start3A_74 = tpu.memref_squeeze %dma_start3A_73 : memref<1x128xi32, #tpu.memory_space<vmem>> -> memref<128xi32, #tpu.memory_space<vmem>>
      %dma_start3A_75 = arith.constant 0 : i32
      %dma_start3A_76 = tpu.memref_slice %arg7[%dma_start3A_75] : memref<10240xf32, #tpu.memory_space<vmem_shared>> -> memref<10240xf32, #tpu.memory_space<vmem_shared>>
      tpu.enqueue_indirect_dma source(%dma_start3A_71 : memref<128xf32, #tpu.memory_space<vmem>>) target(%dma_start3A_76 : memref<10240xf32, #tpu.memory_space<vmem_shared>>) offsets(%dma_start3A_74 : memref<128xi32, #tpu.memory_space<vmem>>) semaphore(%arg8 : memref<!tpu.dma_semaphore, #tpu.memory_space<semaphore_mem>>) {add = true}
      %add3A_77 = arith.constant 4 : i32
      %add3A_78 = arith.addi %add3A_40, %add3A_77 : i32
      %dma_start3A_79 = arith.constant 0 : i32
      %dma_start3A_80 = tpu.memref_slice %arg5[%dma_start3A_79] : memref<128xf32, #tpu.memory_space<vmem>> -> memref<128xf32, #tpu.memory_space<vmem>>
      %dma_start3A_81 = arith.constant 0 : i32
      %dma_start3A_82 = tpu.memref_slice %arg4[%add3A_78, %dma_start3A_81] : memref<80x128xi32, #tpu.memory_space<vmem>> -> memref<1x128xi32, #tpu.memory_space<vmem>>
      %dma_start3A_83 = tpu.memref_squeeze %dma_start3A_82 : memref<1x128xi32, #tpu.memory_space<vmem>> -> memref<128xi32, #tpu.memory_space<vmem>>
      %dma_start3A_84 = arith.constant 0 : i32
      %dma_start3A_85 = tpu.memref_slice %arg7[%dma_start3A_84] : memref<10240xf32, #tpu.memory_space<vmem_shared>> -> memref<10240xf32, #tpu.memory_space<vmem_shared>>
      tpu.enqueue_indirect_dma source(%dma_start3A_80 : memref<128xf32, #tpu.memory_space<vmem>>) target(%dma_start3A_85 : memref<10240xf32, #tpu.memory_space<vmem_shared>>) offsets(%dma_start3A_83 : memref<128xi32, #tpu.memory_space<vmem>>) semaphore(%arg8 : memref<!tpu.dma_semaphore, #tpu.memory_space<semaphore_mem>>) {add = true}
      %add3A_86 = arith.constant 5 : i32
      %add3A_87 = arith.addi %add3A_40, %add3A_86 : i32
      %dma_start3A_88 = arith.constant 0 : i32
      %dma_start3A_89 = tpu.memref_slice %arg5[%dma_start3A_88] : memref<128xf32, #tpu.memory_space<vmem>> -> memref<128xf32, #tpu.memory_space<vmem>>
      %dma_start3A_90 = arith.constant 0 : i32
      %dma_start3A_91 = tpu.memref_slice %arg4[%add3A_87, %dma_start3A_90] : memref<80x128xi32, #tpu.memory_space<vmem>> -> memref<1x128xi32, #tpu.memory_space<vmem>>
      %dma_start3A_92 = tpu.memref_squeeze %dma_start3A_91 : memref<1x128xi32, #tpu.memory_space<vmem>> -> memref<128xi32, #tpu.memory_space<vmem>>
      %dma_start3A_93 = arith.constant 0 : i32
      %dma_start3A_94 = tpu.memref_slice %arg7[%dma_start3A_93] : memref<10240xf32, #tpu.memory_space<vmem_shared>> -> memref<10240xf32, #tpu.memory_space<vmem_shared>>
      tpu.enqueue_indirect_dma source(%dma_start3A_89 : memref<128xf32, #tpu.memory_space<vmem>>) target(%dma_start3A_94 : memref<10240xf32, #tpu.memory_space<vmem_shared>>) offsets(%dma_start3A_92 : memref<128xi32, #tpu.memory_space<vmem>>) semaphore(%arg8 : memref<!tpu.dma_semaphore, #tpu.memory_space<semaphore_mem>>) {add = true}
      %add3A_95 = arith.constant 6 : i32
      %add3A_96 = arith.addi %add3A_40, %add3A_95 : i32
      %dma_start3A_97 = arith.constant 0 : i32
      %dma_start3A_98 = tpu.memref_slice %arg5[%dma_start3A_97] : memref<128xf32, #tpu.memory_space<vmem>> -> memref<128xf32, #tpu.memory_space<vmem>>
      %dma_start3A_99 = arith.constant 0 : i32
      %dma_start3A_100 = tpu.memref_slice %arg4[%add3A_96, %dma_start3A_99] : memref<80x128xi32, #tpu.memory_space<vmem>> -> memref<1x128xi32, #tpu.memory_space<vmem>>
      %dma_start3A_101 = tpu.memref_squeeze %dma_start3A_100 : memref<1x128xi32, #tpu.memory_space<vmem>> -> memref<128xi32, #tpu.memory_space<vmem>>
      %dma_start3A_102 = arith.constant 0 : i32
      %dma_start3A_103 = tpu.memref_slice %arg7[%dma_start3A_102] : memref<10240xf32, #tpu.memory_space<vmem_shared>> -> memref<10240xf32, #tpu.memory_space<vmem_shared>>
      tpu.enqueue_indirect_dma source(%dma_start3A_98 : memref<128xf32, #tpu.memory_space<vmem>>) target(%dma_start3A_103 : memref<10240xf32, #tpu.memory_space<vmem_shared>>) offsets(%dma_start3A_101 : memref<128xi32, #tpu.memory_space<vmem>>) semaphore(%arg8 : memref<!tpu.dma_semaphore, #tpu.memory_space<semaphore_mem>>) {add = true}
      %add3A_104 = arith.constant 7 : i32
      %add3A_105 = arith.addi %add3A_40, %add3A_104 : i32
      %dma_start3A_106 = arith.constant 0 : i32
      %dma_start3A_107 = tpu.memref_slice %arg5[%dma_start3A_106] : memref<128xf32, #tpu.memory_space<vmem>> -> memref<128xf32, #tpu.memory_space<vmem>>
      %dma_start3A_108 = arith.constant 0 : i32
      %dma_start3A_109 = tpu.memref_slice %arg4[%add3A_105, %dma_start3A_108] : memref<80x128xi32, #tpu.memory_space<vmem>> -> memref<1x128xi32, #tpu.memory_space<vmem>>
      %dma_start3A_110 = tpu.memref_squeeze %dma_start3A_109 : memref<1x128xi32, #tpu.memory_space<vmem>> -> memref<128xi32, #tpu.memory_space<vmem>>
      %dma_start3A_111 = arith.constant 0 : i32
      %dma_start3A_112 = tpu.memref_slice %arg7[%dma_start3A_111] : memref<10240xf32, #tpu.memory_space<vmem_shared>> -> memref<10240xf32, #tpu.memory_space<vmem_shared>>
      tpu.enqueue_indirect_dma source(%dma_start3A_107 : memref<128xf32, #tpu.memory_space<vmem>>) target(%dma_start3A_112 : memref<10240xf32, #tpu.memory_space<vmem_shared>>) offsets(%dma_start3A_110 : memref<128xi32, #tpu.memory_space<vmem>>) semaphore(%arg8 : memref<!tpu.dma_semaphore, #tpu.memory_space<semaphore_mem>>) {add = true}
      %dma_wait3A_113 = arith.constant 0 : i32
      %dma_wait3A_114 = tpu.memref_slice %arg5[%dma_wait3A_113] : memref<128xf32, #tpu.memory_space<vmem>> -> memref<128xf32, #tpu.memory_space<vmem>>
      %dma_wait3A_115 = arith.constant 0 : i32
      %dma_wait3A_116 = tpu.memref_slice %arg4[%add3A_42, %dma_wait3A_115] : memref<80x128xi32, #tpu.memory_space<vmem>> -> memref<1x128xi32, #tpu.memory_space<vmem>>
      %dma_wait3A_117 = tpu.memref_squeeze %dma_wait3A_116 : memref<1x128xi32, #tpu.memory_space<vmem>> -> memref<128xi32, #tpu.memory_space<vmem>>
      %dma_wait3A_118 = arith.constant 0 : i32
      %dma_wait3A_119 = tpu.memref_slice %arg7[%dma_wait3A_118] : memref<10240xf32, #tpu.memory_space<vmem_shared>> -> memref<10240xf32, #tpu.memory_space<vmem_shared>>
      tpu.wait_indirect_dma semaphore(%arg8 : memref<!tpu.dma_semaphore, #tpu.memory_space<semaphore_mem>>) src(%dma_wait3A_114 : memref<128xf32, #tpu.memory_space<vmem>>) dst(%dma_wait3A_119 : memref<10240xf32, #tpu.memory_space<vmem_shared>>)
      %dma_wait3A_120 = arith.constant 0 : i32
      %dma_wait3A_121 = tpu.memref_slice %arg5[%dma_wait3A_120] : memref<128xf32, #tpu.memory_space<vmem>> -> memref<128xf32, #tpu.memory_space<vmem>>
      %dma_wait3A_122 = arith.constant 0 : i32
      %dma_wait3A_123 = tpu.memref_slice %arg4[%add3A_51, %dma_wait3A_122] : memref<80x128xi32, #tpu.memory_space<vmem>> -> memref<1x128xi32, #tpu.memory_space<vmem>>
      %dma_wait3A_124 = tpu.memref_squeeze %dma_wait3A_123 : memref<1x128xi32, #tpu.memory_space<vmem>> -> memref<128xi32, #tpu.memory_space<vmem>>
      %dma_wait3A_125 = arith.constant 0 : i32
      %dma_wait3A_126 = tpu.memref_slice %arg7[%dma_wait3A_125] : memref<10240xf32, #tpu.memory_space<vmem_shared>> -> memref<10240xf32, #tpu.memory_space<vmem_shared>>
      tpu.wait_indirect_dma semaphore(%arg8 : memref<!tpu.dma_semaphore, #tpu.memory_space<semaphore_mem>>) src(%dma_wait3A_121 : memref<128xf32, #tpu.memory_space<vmem>>) dst(%dma_wait3A_126 : memref<10240xf32, #tpu.memory_space<vmem_shared>>)
      %dma_wait3A_127 = arith.constant 0 : i32
      %dma_wait3A_128 = tpu.memref_slice %arg5[%dma_wait3A_127] : memref<128xf32, #tpu.memory_space<vmem>> -> memref<128xf32, #tpu.memory_space<vmem>>
      %dma_wait3A_129 = arith.constant 0 : i32
      %dma_wait3A_130 = tpu.memref_slice %arg4[%add3A_60, %dma_wait3A_129] : memref<80x128xi32, #tpu.memory_space<vmem>> -> memref<1x128xi32, #tpu.memory_space<vmem>>
      %dma_wait3A_131 = tpu.memref_squeeze %dma_wait3A_130 : memref<1x128xi32, #tpu.memory_space<vmem>> -> memref<128xi32, #tpu.memory_space<vmem>>
      %dma_wait3A_132 = arith.constant 0 : i32
      %dma_wait3A_133 = tpu.memref_slice %arg7[%dma_wait3A_132] : memref<10240xf32, #tpu.memory_space<vmem_shared>> -> memref<10240xf32, #tpu.memory_space<vmem_shared>>
      tpu.wait_indirect_dma semaphore(%arg8 : memref<!tpu.dma_semaphore, #tpu.memory_space<semaphore_mem>>) src(%dma_wait3A_128 : memref<128xf32, #tpu.memory_space<vmem>>) dst(%dma_wait3A_133 : memref<10240xf32, #tpu.memory_space<vmem_shared>>)
      %dma_wait3A_134 = arith.constant 0 : i32
      %dma_wait3A_135 = tpu.memref_slice %arg5[%dma_wait3A_134] : memref<128xf32, #tpu.memory_space<vmem>> -> memref<128xf32, #tpu.memory_space<vmem>>
      %dma_wait3A_136 = arith.constant 0 : i32
      %dma_wait3A_137 = tpu.memref_slice %arg4[%add3A_69, %dma_wait3A_136] : memref<80x128xi32, #tpu.memory_space<vmem>> -> memref<1x128xi32, #tpu.memory_space<vmem>>
      %dma_wait3A_138 = tpu.memref_squeeze %dma_wait3A_137 : memref<1x128xi32, #tpu.memory_space<vmem>> -> memref<128xi32, #tpu.memory_space<vmem>>
      %dma_wait3A_139 = arith.constant 0 : i32
      %dma_wait3A_140 = tpu.memref_slice %arg7[%dma_wait3A_139] : memref<10240xf32, #tpu.memory_space<vmem_shared>> -> memref<10240xf32, #tpu.memory_space<vmem_shared>>
      tpu.wait_indirect_dma semaphore(%arg8 : memref<!tpu.dma_semaphore, #tpu.memory_space<semaphore_mem>>) src(%dma_wait3A_135 : memref<128xf32, #tpu.memory_space<vmem>>) dst(%dma_wait3A_140 : memref<10240xf32, #tpu.memory_space<vmem_shared>>)
      %dma_wait3A_141 = arith.constant 0 : i32
      %dma_wait3A_142 = tpu.memref_slice %arg5[%dma_wait3A_141] : memref<128xf32, #tpu.memory_space<vmem>> -> memref<128xf32, #tpu.memory_space<vmem>>
      %dma_wait3A_143 = arith.constant 0 : i32
      %dma_wait3A_144 = tpu.memref_slice %arg4[%add3A_78, %dma_wait3A_143] : memref<80x128xi32, #tpu.memory_space<vmem>> -> memref<1x128xi32, #tpu.memory_space<vmem>>
      %dma_wait3A_145 = tpu.memref_squeeze %dma_wait3A_144 : memref<1x128xi32, #tpu.memory_space<vmem>> -> memref<128xi32, #tpu.memory_space<vmem>>
      %dma_wait3A_146 = arith.constant 0 : i32
      %dma_wait3A_147 = tpu.memref_slice %arg7[%dma_wait3A_146] : memref<10240xf32, #tpu.memory_space<vmem_shared>> -> memref<10240xf32, #tpu.memory_space<vmem_shared>>
      tpu.wait_indirect_dma semaphore(%arg8 : memref<!tpu.dma_semaphore, #tpu.memory_space<semaphore_mem>>) src(%dma_wait3A_142 : memref<128xf32, #tpu.memory_space<vmem>>) dst(%dma_wait3A_147 : memref<10240xf32, #tpu.memory_space<vmem_shared>>)
      %dma_wait3A_148 = arith.constant 0 : i32
      %dma_wait3A_149 = tpu.memref_slice %arg5[%dma_wait3A_148] : memref<128xf32, #tpu.memory_space<vmem>> -> memref<128xf32, #tpu.memory_space<vmem>>
      %dma_wait3A_150 = arith.constant 0 : i32
      %dma_wait3A_151 = tpu.memref_slice %arg4[%add3A_87, %dma_wait3A_150] : memref<80x128xi32, #tpu.memory_space<vmem>> -> memref<1x128xi32, #tpu.memory_space<vmem>>
      %dma_wait3A_152 = tpu.memref_squeeze %dma_wait3A_151 : memref<1x128xi32, #tpu.memory_space<vmem>> -> memref<128xi32, #tpu.memory_space<vmem>>
      %dma_wait3A_153 = arith.constant 0 : i32
      %dma_wait3A_154 = tpu.memref_slice %arg7[%dma_wait3A_153] : memref<10240xf32, #tpu.memory_space<vmem_shared>> -> memref<10240xf32, #tpu.memory_space<vmem_shared>>
      tpu.wait_indirect_dma semaphore(%arg8 : memref<!tpu.dma_semaphore, #tpu.memory_space<semaphore_mem>>) src(%dma_wait3A_149 : memref<128xf32, #tpu.memory_space<vmem>>) dst(%dma_wait3A_154 : memref<10240xf32, #tpu.memory_space<vmem_shared>>)
      %dma_wait3A_155 = arith.constant 0 : i32
      %dma_wait3A_156 = tpu.memref_slice %arg5[%dma_wait3A_155] : memref<128xf32, #tpu.memory_space<vmem>> -> memref<128xf32, #tpu.memory_space<vmem>>
      %dma_wait3A_157 = arith.constant 0 : i32
      %dma_wait3A_158 = tpu.memref_slice %arg4[%add3A_96, %dma_wait3A_157] : memref<80x128xi32, #tpu.memory_space<vmem>> -> memref<1x128xi32, #tpu.memory_space<vmem>>
      %dma_wait3A_159 = tpu.memref_squeeze %dma_wait3A_158 : memref<1x128xi32, #tpu.memory_space<vmem>> -> memref<128xi32, #tpu.memory_space<vmem>>
      %dma_wait3A_160 = arith.constant 0 : i32
      %dma_wait3A_161 = tpu.memref_slice %arg7[%dma_wait3A_160] : memref<10240xf32, #tpu.memory_space<vmem_shared>> -> memref<10240xf32, #tpu.memory_space<vmem_shared>>
      tpu.wait_indirect_dma semaphore(%arg8 : memref<!tpu.dma_semaphore, #tpu.memory_space<semaphore_mem>>) src(%dma_wait3A_156 : memref<128xf32, #tpu.memory_space<vmem>>) dst(%dma_wait3A_161 : memref<10240xf32, #tpu.memory_space<vmem_shared>>)
      %dma_wait3A_162 = arith.constant 0 : i32
      %dma_wait3A_163 = tpu.memref_slice %arg5[%dma_wait3A_162] : memref<128xf32, #tpu.memory_space<vmem>> -> memref<128xf32, #tpu.memory_space<vmem>>
      %dma_wait3A_164 = arith.constant 0 : i32
      %dma_wait3A_165 = tpu.memref_slice %arg4[%add3A_105, %dma_wait3A_164] : memref<80x128xi32, #tpu.memory_space<vmem>> -> memref<1x128xi32, #tpu.memory_space<vmem>>
      %dma_wait3A_166 = tpu.memref_squeeze %dma_wait3A_165 : memref<1x128xi32, #tpu.memory_space<vmem>> -> memref<128xi32, #tpu.memory_space<vmem>>
      %dma_wait3A_167 = arith.constant 0 : i32
      %dma_wait3A_168 = tpu.memref_slice %arg7[%dma_wait3A_167] : memref<10240xf32, #tpu.memory_space<vmem_shared>> -> memref<10240xf32, #tpu.memory_space<vmem_shared>>
      tpu.wait_indirect_dma semaphore(%arg8 : memref<!tpu.dma_semaphore, #tpu.memory_space<semaphore_mem>>) src(%dma_wait3A_163 : memref<128xf32, #tpu.memory_space<vmem>>) dst(%dma_wait3A_168 : memref<10240xf32, #tpu.memory_space<vmem_shared>>)
    }
    %scan3A_30 = arith.constant 10 : i32
    %barrier3A_31 = arith.constant 0 : index
    tpu.barrier barrier_id(%barrier3A_31)
    %mul3A_32 = arith.constant 640 : i32
    %mul3A_33 = arith.muli %arg1, %mul3A_32 : i32
    "tpu.region"() ({
      %run_scoped3A = tpu.sem_alloc : memref<!tpu.dma_semaphore, #tpu.memory_space<semaphore_mem>>
      %dma_start3A_36 = tpu.memref_slice %arg7[%mul3A_33] : memref<10240xf32, #tpu.memory_space<vmem_shared>> -> memref<640xf32, #tpu.memory_space<vmem_shared>>
      %dma_start3A_37 = tpu.memref_slice %arg7[%mul3A_33] : memref<10240xf32, #tpu.memory_space<vmem_shared>> -> memref<640xf32, #tpu.memory_space<vmem_shared>>
      tpu.enqueue_dma source(%dma_start3A_37 : memref<640xf32, #tpu.memory_space<vmem_shared>>) target(%arg6 : memref<640xf32, #tpu.memory_space<vmem>>) target_semaphore(%run_scoped3A : memref<!tpu.dma_semaphore, #tpu.memory_space<semaphore_mem>>)
      %dma_wait3A_38 = tpu.memref_slice %arg7[%mul3A_33] : memref<10240xf32, #tpu.memory_space<vmem_shared>> -> memref<640xf32, #tpu.memory_space<vmem_shared>>
      %dma_wait3A_39 = tpu.memref_slice %arg7[%mul3A_33] : memref<10240xf32, #tpu.memory_space<vmem_shared>> -> memref<640xf32, #tpu.memory_space<vmem_shared>>
      tpu.wait_dma2 semaphore(%run_scoped3A : memref<!tpu.dma_semaphore, #tpu.memory_space<semaphore_mem>>) src(%dma_wait3A_39 : memref<640xf32, #tpu.memory_space<vmem_shared>>) dst(%arg6 : memref<640xf32, #tpu.memory_space<vmem>>)
      tpu.yield
    }) : () -> ()
    %mul3A_34 = arith.constant 640 : i32
    %mul3A_35 = arith.muli %arg1, %mul3A_34 : i32
    "tpu.region"() ({
      %run_scoped3A = tpu.sem_alloc : memref<!tpu.dma_semaphore, #tpu.memory_space<semaphore_mem>>
      %dma_start3A_36 = tpu.memref_slice %arg3[%arg0, %mul3A_35] : memref<2x10240xf32, #tpu.memory_space<hbm>> -> memref<1x640xf32, #tpu.memory_space<hbm>>
      %dma_start3A_37 = tpu.memref_squeeze %dma_start3A_36 : memref<1x640xf32, #tpu.memory_space<hbm>> -> memref<640xf32, #tpu.memory_space<hbm>>
      %dma_start3A_38 = tpu.memref_slice %arg3[%arg0, %mul3A_35] : memref<2x10240xf32, #tpu.memory_space<hbm>> -> memref<1x640xf32, #tpu.memory_space<hbm>>
      %dma_start3A_39 = tpu.memref_squeeze %dma_start3A_38 : memref<1x640xf32, #tpu.memory_space<hbm>> -> memref<640xf32, #tpu.memory_space<hbm>>
      tpu.enqueue_dma source(%arg6 : memref<640xf32, #tpu.memory_space<vmem>>) target(%dma_start3A_39 : memref<640xf32, #tpu.memory_space<hbm>>) target_semaphore(%run_scoped3A : memref<!tpu.dma_semaphore, #tpu.memory_space<semaphore_mem>>)
      %dma_wait3A_40 = tpu.memref_slice %arg3[%arg0, %mul3A_35] : memref<2x10240xf32, #tpu.memory_space<hbm>> -> memref<1x640xf32, #tpu.memory_space<hbm>>
      %dma_wait3A_41 = tpu.memref_squeeze %dma_wait3A_40 : memref<1x640xf32, #tpu.memory_space<hbm>> -> memref<640xf32, #tpu.memory_space<hbm>>
      %dma_wait3A_42 = tpu.memref_slice %arg3[%arg0, %mul3A_35] : memref<2x10240xf32, #tpu.memory_space<hbm>> -> memref<1x640xf32, #tpu.memory_space<hbm>>
      %dma_wait3A_43 = tpu.memref_squeeze %dma_wait3A_42 : memref<1x640xf32, #tpu.memory_space<hbm>> -> memref<640xf32, #tpu.memory_space<hbm>>
      tpu.wait_dma2 semaphore(%run_scoped3A : memref<!tpu.dma_semaphore, #tpu.memory_space<semaphore_mem>>) src(%arg6 : memref<640xf32, #tpu.memory_space<vmem>>) dst(%dma_wait3A_43 : memref<640xf32, #tpu.memory_space<hbm>>)
      tpu.yield
    }) : () -> ()
    return
  }
}

#map = affine_map<(d0, d1) -> (0, 0)>
#map1 = affine_map<(d0, d1) -> (0, 0, 0)>
module attributes {stable_mosaic.version = 14 : i64} {
  func.func @_prop(%arg0: i32, %arg1: i32, %arg2: memref<10240x32xf32, #tpu.memory_space<hbm>>, %arg3: memref<32x80x128xi32, #tpu.memory_space<hbm>>, %arg4: memref<32x80x128xi32, #tpu.memory_space<hbm>>, %arg5: memref<2x10240x32xf32, #tpu.memory_space<hbm>>, %arg6: memref<80x128xi32, #tpu.memory_space<vmem>>, %arg7: memref<80x128xi32, #tpu.memory_space<vmem>>, %arg8: memref<8x128x32xf32, #tpu.memory_space<vmem>>, %arg9: memref<640x32xf32, #tpu.memory_space<vmem>>, %arg10: memref<10240x32xf32, #tpu.memory_space<vmem_shared>>, %arg11: memref<!tpu.dma_semaphore, #tpu.memory_space<semaphore_mem>>, %arg12: memref<!tpu.dma_semaphore, #tpu.memory_space<semaphore_mem>>, %arg13: memref<!tpu.dma_semaphore, #tpu.memory_space<semaphore_mem>>, %arg14: memref<!tpu.dma_semaphore, #tpu.memory_space<semaphore_mem>>, %arg15: memref<!tpu.dma_semaphore, #tpu.memory_space<semaphore_mem>>, %arg16: memref<!tpu.dma_semaphore, #tpu.memory_space<semaphore_mem>>, %arg17: memref<!tpu.dma_semaphore, #tpu.memory_space<semaphore_mem>>, %arg18: memref<!tpu.dma_semaphore, #tpu.memory_space<semaphore_mem>>, %arg19: memref<!tpu.dma_semaphore, #tpu.memory_space<semaphore_mem>>, %arg20: memref<!tpu.dma_semaphore, #tpu.memory_space<semaphore_mem>>, %arg21: memref<!tpu.dma_semaphore, #tpu.memory_space<semaphore_mem>>, %arg22: memref<!tpu.dma_semaphore, #tpu.memory_space<semaphore_mem>>, %arg23: memref<!tpu.dma_semaphore, #tpu.memory_space<semaphore_mem>>, %arg24: memref<!tpu.dma_semaphore, #tpu.memory_space<semaphore_mem>>, %arg25: memref<!tpu.dma_semaphore, #tpu.memory_space<semaphore_mem>>, %arg26: memref<!tpu.dma_semaphore, #tpu.memory_space<semaphore_mem>>) attributes {dimension_semantics = [#tpu.dimension_semantics<core_parallel>, #tpu.dimension_semantics<subcore_parallel>], iteration_bounds = array<i64: 2, 16>, scalar_prefetch = 0 : i64, scratch_operands = 21 : i64, tpu.core_type = #tpu.core_type<sc_vector_subcore>, window_params = [{transform_indices = #map}, {transform_indices = #map1}, {transform_indices = #map1}, {transform_indices = #map1}]} {
    %mul3A = arith.constant 16 : i32
    %mul3A_0 = arith.muli %arg0, %mul3A : i32
    %add3A = arith.addi %mul3A_0, %arg1 : i32
    %dma_start3A = arith.constant 0 : i32
    %dma_start3A_1 = arith.constant 0 : i32
    %dma_start3A_2 = tpu.memref_slice %arg3[%add3A, %dma_start3A, %dma_start3A_1] : memref<32x80x128xi32, #tpu.memory_space<hbm>> -> memref<1x80x128xi32, #tpu.memory_space<hbm>>
    %dma_start3A_3 = tpu.memref_squeeze %dma_start3A_2 : memref<1x80x128xi32, #tpu.memory_space<hbm>> -> memref<80x128xi32, #tpu.memory_space<hbm>>
    %dma_start3A_4 = arith.constant 0 : i32
    %dma_start3A_5 = arith.constant 0 : i32
    %dma_start3A_6 = tpu.memref_slice %arg3[%add3A, %dma_start3A_4, %dma_start3A_5] : memref<32x80x128xi32, #tpu.memory_space<hbm>> -> memref<1x80x128xi32, #tpu.memory_space<hbm>>
    %dma_start3A_7 = tpu.memref_squeeze %dma_start3A_6 : memref<1x80x128xi32, #tpu.memory_space<hbm>> -> memref<80x128xi32, #tpu.memory_space<hbm>>
    tpu.enqueue_dma source(%dma_start3A_7 : memref<80x128xi32, #tpu.memory_space<hbm>>) target(%arg6 : memref<80x128xi32, #tpu.memory_space<vmem>>) target_semaphore(%arg11 : memref<!tpu.dma_semaphore, #tpu.memory_space<semaphore_mem>>)
    %dma_start3A_8 = arith.constant 0 : i32
    %dma_start3A_9 = arith.constant 0 : i32
    %dma_start3A_10 = tpu.memref_slice %arg4[%add3A, %dma_start3A_8, %dma_start3A_9] : memref<32x80x128xi32, #tpu.memory_space<hbm>> -> memref<1x80x128xi32, #tpu.memory_space<hbm>>
    %dma_start3A_11 = tpu.memref_squeeze %dma_start3A_10 : memref<1x80x128xi32, #tpu.memory_space<hbm>> -> memref<80x128xi32, #tpu.memory_space<hbm>>
    %dma_start3A_12 = arith.constant 0 : i32
    %dma_start3A_13 = arith.constant 0 : i32
    %dma_start3A_14 = tpu.memref_slice %arg4[%add3A, %dma_start3A_12, %dma_start3A_13] : memref<32x80x128xi32, #tpu.memory_space<hbm>> -> memref<1x80x128xi32, #tpu.memory_space<hbm>>
    %dma_start3A_15 = tpu.memref_squeeze %dma_start3A_14 : memref<1x80x128xi32, #tpu.memory_space<hbm>> -> memref<80x128xi32, #tpu.memory_space<hbm>>
    tpu.enqueue_dma source(%dma_start3A_15 : memref<80x128xi32, #tpu.memory_space<hbm>>) target(%arg7 : memref<80x128xi32, #tpu.memory_space<vmem>>) target_semaphore(%arg19 : memref<!tpu.dma_semaphore, #tpu.memory_space<semaphore_mem>>)
    %scan3A = arith.constant 0 : i32
    %scan3A_16 = arith.constant 640 : i32
    %scan3A_17 = arith.addi %scan3A, %scan3A_16 : i32
    %scan3A_18 = arith.constant 1 : i32
    scf.for %scan3A_47 = %scan3A to %scan3A_17 step %scan3A_18  : i32 {
      %mul3A_48 = arith.constant 1 : i32
      %mul3A_49 = arith.muli %scan3A_47, %mul3A_48 : i32
      %add3A_50 = arith.constant 0 : i32
      %add3A_51 = arith.addi %add3A_50, %mul3A_49 : i32
      %broadcast_in_dim3A = arith.constant 0.000000e+00 : f32
      %broadcast_in_dim3A_52 = vector.broadcast %broadcast_in_dim3A : f32 to vector<16xf32>
      %swap3A = arith.index_cast %add3A_51 : i32 to index
      %swap3A_53 = arith.constant 0 : index
      %swap3A_54 = tpu.vector_load %arg9[%swap3A, %swap3A_53] {strides = array<i32>} : memref<640x32xf32, #tpu.memory_space<vmem>>, vector<1x16xf32>,
      %swap3A_55 = vector.shape_cast %swap3A_54 : vector<1x16xf32> to vector<16xf32>
      %swap3A_56 = vector.shape_cast %broadcast_in_dim3A_52 : vector<16xf32> to vector<1x16xf32>
      tpu.vector_store %arg9[%swap3A, %swap3A_53], %swap3A_56 {strides = array<i32>} : memref<640x32xf32, #tpu.memory_space<vmem>>, vector<1x16xf32>,
      %broadcast_in_dim3A_57 = arith.constant 0.000000e+00 : f32
      %broadcast_in_dim3A_58 = vector.broadcast %broadcast_in_dim3A_57 : f32 to vector<16xf32>
      %swap3A_59 = arith.index_cast %add3A_51 : i32 to index
      %swap3A_60 = arith.constant 16 : index
      %swap3A_61 = tpu.vector_load %arg9[%swap3A_59, %swap3A_60] {strides = array<i32>} : memref<640x32xf32, #tpu.memory_space<vmem>>, vector<1x16xf32>,
      %swap3A_62 = vector.shape_cast %swap3A_61 : vector<1x16xf32> to vector<16xf32>
      %swap3A_63 = vector.shape_cast %broadcast_in_dim3A_58 : vector<16xf32> to vector<1x16xf32>
      tpu.vector_store %arg9[%swap3A_59, %swap3A_60], %swap3A_63 {strides = array<i32>} : memref<640x32xf32, #tpu.memory_space<vmem>>, vector<1x16xf32>,
    }
    %scan3A_19 = arith.constant 640 : i32
    %mul3A_20 = arith.constant 640 : i32
    %mul3A_21 = arith.muli %arg1, %mul3A_20 : i32
    "tpu.region"() ({
      %run_scoped3A = tpu.sem_alloc : memref<!tpu.dma_semaphore, #tpu.memory_space<semaphore_mem>>
      %dma_start3A_47 = arith.constant 0 : i32
      %dma_start3A_48 = tpu.memref_slice %arg10[%mul3A_21, %dma_start3A_47] : memref<10240x32xf32, #tpu.memory_space<vmem_shared>> -> memref<640x32xf32, #tpu.memory_space<vmem_shared>>
      %dma_start3A_49 = arith.constant 0 : i32
      %dma_start3A_50 = tpu.memref_slice %arg10[%mul3A_21, %dma_start3A_49] : memref<10240x32xf32, #tpu.memory_space<vmem_shared>> -> memref<640x32xf32, #tpu.memory_space<vmem_shared>>
      tpu.enqueue_dma source(%arg9 : memref<640x32xf32, #tpu.memory_space<vmem>>) target(%dma_start3A_50 : memref<640x32xf32, #tpu.memory_space<vmem_shared>>) target_semaphore(%run_scoped3A : memref<!tpu.dma_semaphore, #tpu.memory_space<semaphore_mem>>)
      %dma_wait3A_51 = arith.constant 0 : i32
      %dma_wait3A_52 = tpu.memref_slice %arg10[%mul3A_21, %dma_wait3A_51] : memref<10240x32xf32, #tpu.memory_space<vmem_shared>> -> memref<640x32xf32, #tpu.memory_space<vmem_shared>>
      %dma_wait3A_53 = arith.constant 0 : i32
      %dma_wait3A_54 = tpu.memref_slice %arg10[%mul3A_21, %dma_wait3A_53] : memref<10240x32xf32, #tpu.memory_space<vmem_shared>> -> memref<640x32xf32, #tpu.memory_space<vmem_shared>>
      tpu.wait_dma2 semaphore(%run_scoped3A : memref<!tpu.dma_semaphore, #tpu.memory_space<semaphore_mem>>) src(%arg9 : memref<640x32xf32, #tpu.memory_space<vmem>>) dst(%dma_wait3A_54 : memref<640x32xf32, #tpu.memory_space<vmem_shared>>)
      tpu.yield
    }) : () -> ()
    %barrier3A = arith.constant 0 : index
    tpu.barrier barrier_id(%barrier3A)
    %dma_wait3A = arith.constant 0 : i32
    %dma_wait3A_22 = arith.constant 0 : i32
    %dma_wait3A_23 = tpu.memref_slice %arg3[%add3A, %dma_wait3A, %dma_wait3A_22] : memref<32x80x128xi32, #tpu.memory_space<hbm>> -> memref<1x80x128xi32, #tpu.memory_space<hbm>>
    %dma_wait3A_24 = tpu.memref_squeeze %dma_wait3A_23 : memref<1x80x128xi32, #tpu.memory_space<hbm>> -> memref<80x128xi32, #tpu.memory_space<hbm>>
    %dma_wait3A_25 = arith.constant 0 : i32
    %dma_wait3A_26 = arith.constant 0 : i32
    %dma_wait3A_27 = tpu.memref_slice %arg3[%add3A, %dma_wait3A_25, %dma_wait3A_26] : memref<32x80x128xi32, #tpu.memory_space<hbm>> -> memref<1x80x128xi32, #tpu.memory_space<hbm>>
    %dma_wait3A_28 = tpu.memref_squeeze %dma_wait3A_27 : memref<1x80x128xi32, #tpu.memory_space<hbm>> -> memref<80x128xi32, #tpu.memory_space<hbm>>
    tpu.wait_dma2 semaphore(%arg11 : memref<!tpu.dma_semaphore, #tpu.memory_space<semaphore_mem>>) src(%dma_wait3A_28 : memref<80x128xi32, #tpu.memory_space<hbm>>) dst(%arg6 : memref<80x128xi32, #tpu.memory_space<vmem>>)
    %dma_wait3A_29 = arith.constant 0 : i32
    %dma_wait3A_30 = arith.constant 0 : i32
    %dma_wait3A_31 = tpu.memref_slice %arg4[%add3A, %dma_wait3A_29, %dma_wait3A_30] : memref<32x80x128xi32, #tpu.memory_space<hbm>> -> memref<1x80x128xi32, #tpu.memory_space<hbm>>
    %dma_wait3A_32 = tpu.memref_squeeze %dma_wait3A_31 : memref<1x80x128xi32, #tpu.memory_space<hbm>> -> memref<80x128xi32, #tpu.memory_space<hbm>>
    %dma_wait3A_33 = arith.constant 0 : i32
    %dma_wait3A_34 = arith.constant 0 : i32
    %dma_wait3A_35 = tpu.memref_slice %arg4[%add3A, %dma_wait3A_33, %dma_wait3A_34] : memref<32x80x128xi32, #tpu.memory_space<hbm>> -> memref<1x80x128xi32, #tpu.memory_space<hbm>>
    %dma_wait3A_36 = tpu.memref_squeeze %dma_wait3A_35 : memref<1x80x128xi32, #tpu.memory_space<hbm>> -> memref<80x128xi32, #tpu.memory_space<hbm>>
    tpu.wait_dma2 semaphore(%arg19 : memref<!tpu.dma_semaphore, #tpu.memory_space<semaphore_mem>>) src(%dma_wait3A_36 : memref<80x128xi32, #tpu.memory_space<hbm>>) dst(%arg7 : memref<80x128xi32, #tpu.memory_space<vmem>>)
    %scan3A_37 = arith.constant 0 : i32
    %scan3A_38 = arith.constant 10 : i32
    %scan3A_39 = arith.addi %scan3A_37, %scan3A_38 : i32
    %scan3A_40 = arith.constant 1 : i32
    scf.for %scan3A_47 = %scan3A_37 to %scan3A_39 step %scan3A_40  : i32 {
      %mul3A_48 = arith.constant 8 : i32
      %mul3A_49 = arith.muli %scan3A_47, %mul3A_48 : i32
      %add3A_50 = arith.constant 0 : i32
      %add3A_51 = arith.addi %add3A_50, %mul3A_49 : i32
      %add3A_52 = arith.constant 0 : i32
      %add3A_53 = arith.addi %add3A_51, %add3A_52 : i32
      %dma_start3A_54 = arith.constant 0 : i32
      %dma_start3A_55 = arith.constant 0 : i32
      %dma_start3A_56 = arith.constant 0 : i32
      %dma_start3A_57 = tpu.memref_slice %arg8[%dma_start3A_54, %dma_start3A_55, %dma_start3A_56] : memref<8x128x32xf32, #tpu.memory_space<vmem>> -> memref<1x128x32xf32, #tpu.memory_space<vmem>>
      %dma_start3A_58 = tpu.memref_squeeze %dma_start3A_57 : memref<1x128x32xf32, #tpu.memory_space<vmem>> -> memref<128x32xf32, #tpu.memory_space<vmem>>
      %dma_start3A_59 = arith.constant 0 : i32
      %dma_start3A_60 = tpu.memref_slice %arg6[%add3A_53, %dma_start3A_59] : memref<80x128xi32, #tpu.memory_space<vmem>> -> memref<1x128xi32, #tpu.memory_space<vmem>>
      %dma_start3A_61 = tpu.memref_squeeze %dma_start3A_60 : memref<1x128xi32, #tpu.memory_space<vmem>> -> memref<128xi32, #tpu.memory_space<vmem>>
      %dma_start3A_62 = arith.constant 0 : i32
      %dma_start3A_63 = arith.constant 0 : i32
      %dma_start3A_64 = tpu.memref_slice %arg2[%dma_start3A_62, %dma_start3A_63] : memref<10240x32xf32, #tpu.memory_space<hbm>> -> memref<10240x32xf32, #tpu.memory_space<hbm>>
      tpu.enqueue_indirect_dma source(%dma_start3A_64 : memref<10240x32xf32, #tpu.memory_space<hbm>>) target(%dma_start3A_58 : memref<128x32xf32, #tpu.memory_space<vmem>>) offsets(%dma_start3A_61 : memref<128xi32, #tpu.memory_space<vmem>>) semaphore(%arg11 : memref<!tpu.dma_semaphore, #tpu.memory_space<semaphore_mem>>)
      %add3A_65 = arith.constant 1 : i32
      %add3A_66 = arith.addi %add3A_51, %add3A_65 : i32
      %dma_start3A_67 = arith.constant 1 : i32
      %dma_start3A_68 = arith.constant 0 : i32
      %dma_start3A_69 = arith.constant 0 : i32
      %dma_start3A_70 = tpu.memref_slice %arg8[%dma_start3A_67, %dma_start3A_68, %dma_start3A_69] : memref<8x128x32xf32, #tpu.memory_space<vmem>> -> memref<1x128x32xf32, #tpu.memory_space<vmem>>
      %dma_start3A_71 = tpu.memref_squeeze %dma_start3A_70 : memref<1x128x32xf32, #tpu.memory_space<vmem>> -> memref<128x32xf32, #tpu.memory_space<vmem>>
      %dma_start3A_72 = arith.constant 0 : i32
      %dma_start3A_73 = tpu.memref_slice %arg6[%add3A_66, %dma_start3A_72] : memref<80x128xi32, #tpu.memory_space<vmem>> -> memref<1x128xi32, #tpu.memory_space<vmem>>
      %dma_start3A_74 = tpu.memref_squeeze %dma_start3A_73 : memref<1x128xi32, #tpu.memory_space<vmem>> -> memref<128xi32, #tpu.memory_space<vmem>>
      %dma_start3A_75 = arith.constant 0 : i32
      %dma_start3A_76 = arith.constant 0 : i32
      %dma_start3A_77 = tpu.memref_slice %arg2[%dma_start3A_75, %dma_start3A_76] : memref<10240x32xf32, #tpu.memory_space<hbm>> -> memref<10240x32xf32, #tpu.memory_space<hbm>>
      tpu.enqueue_indirect_dma source(%dma_start3A_77 : memref<10240x32xf32, #tpu.memory_space<hbm>>) target(%dma_start3A_71 : memref<128x32xf32, #tpu.memory_space<vmem>>) offsets(%dma_start3A_74 : memref<128xi32, #tpu.memory_space<vmem>>) semaphore(%arg12 : memref<!tpu.dma_semaphore, #tpu.memory_space<semaphore_mem>>)
      %add3A_78 = arith.constant 2 : i32
      %add3A_79 = arith.addi %add3A_51, %add3A_78 : i32
      %dma_start3A_80 = arith.constant 2 : i32
      %dma_start3A_81 = arith.constant 0 : i32
      %dma_start3A_82 = arith.constant 0 : i32
      %dma_start3A_83 = tpu.memref_slice %arg8[%dma_start3A_80, %dma_start3A_81, %dma_start3A_82] : memref<8x128x32xf32, #tpu.memory_space<vmem>> -> memref<1x128x32xf32, #tpu.memory_space<vmem>>
      %dma_start3A_84 = tpu.memref_squeeze %dma_start3A_83 : memref<1x128x32xf32, #tpu.memory_space<vmem>> -> memref<128x32xf32, #tpu.memory_space<vmem>>
      %dma_start3A_85 = arith.constant 0 : i32
      %dma_start3A_86 = tpu.memref_slice %arg6[%add3A_79, %dma_start3A_85] : memref<80x128xi32, #tpu.memory_space<vmem>> -> memref<1x128xi32, #tpu.memory_space<vmem>>
      %dma_start3A_87 = tpu.memref_squeeze %dma_start3A_86 : memref<1x128xi32, #tpu.memory_space<vmem>> -> memref<128xi32, #tpu.memory_space<vmem>>
      %dma_start3A_88 = arith.constant 0 : i32
      %dma_start3A_89 = arith.constant 0 : i32
      %dma_start3A_90 = tpu.memref_slice %arg2[%dma_start3A_88, %dma_start3A_89] : memref<10240x32xf32, #tpu.memory_space<hbm>> -> memref<10240x32xf32, #tpu.memory_space<hbm>>
      tpu.enqueue_indirect_dma source(%dma_start3A_90 : memref<10240x32xf32, #tpu.memory_space<hbm>>) target(%dma_start3A_84 : memref<128x32xf32, #tpu.memory_space<vmem>>) offsets(%dma_start3A_87 : memref<128xi32, #tpu.memory_space<vmem>>) semaphore(%arg13 : memref<!tpu.dma_semaphore, #tpu.memory_space<semaphore_mem>>)
      %add3A_91 = arith.constant 3 : i32
      %add3A_92 = arith.addi %add3A_51, %add3A_91 : i32
      %dma_start3A_93 = arith.constant 3 : i32
      %dma_start3A_94 = arith.constant 0 : i32
      %dma_start3A_95 = arith.constant 0 : i32
      %dma_start3A_96 = tpu.memref_slice %arg8[%dma_start3A_93, %dma_start3A_94, %dma_start3A_95] : memref<8x128x32xf32, #tpu.memory_space<vmem>> -> memref<1x128x32xf32, #tpu.memory_space<vmem>>
      %dma_start3A_97 = tpu.memref_squeeze %dma_start3A_96 : memref<1x128x32xf32, #tpu.memory_space<vmem>> -> memref<128x32xf32, #tpu.memory_space<vmem>>
      %dma_start3A_98 = arith.constant 0 : i32
      %dma_start3A_99 = tpu.memref_slice %arg6[%add3A_92, %dma_start3A_98] : memref<80x128xi32, #tpu.memory_space<vmem>> -> memref<1x128xi32, #tpu.memory_space<vmem>>
      %dma_start3A_100 = tpu.memref_squeeze %dma_start3A_99 : memref<1x128xi32, #tpu.memory_space<vmem>> -> memref<128xi32, #tpu.memory_space<vmem>>
      %dma_start3A_101 = arith.constant 0 : i32
      %dma_start3A_102 = arith.constant 0 : i32
      %dma_start3A_103 = tpu.memref_slice %arg2[%dma_start3A_101, %dma_start3A_102] : memref<10240x32xf32, #tpu.memory_space<hbm>> -> memref<10240x32xf32, #tpu.memory_space<hbm>>
      tpu.enqueue_indirect_dma source(%dma_start3A_103 : memref<10240x32xf32, #tpu.memory_space<hbm>>) target(%dma_start3A_97 : memref<128x32xf32, #tpu.memory_space<vmem>>) offsets(%dma_start3A_100 : memref<128xi32, #tpu.memory_space<vmem>>) semaphore(%arg14 : memref<!tpu.dma_semaphore, #tpu.memory_space<semaphore_mem>>)
      %add3A_104 = arith.constant 4 : i32
      %add3A_105 = arith.addi %add3A_51, %add3A_104 : i32
      %dma_start3A_106 = arith.constant 4 : i32
      %dma_start3A_107 = arith.constant 0 : i32
      %dma_start3A_108 = arith.constant 0 : i32
      %dma_start3A_109 = tpu.memref_slice %arg8[%dma_start3A_106, %dma_start3A_107, %dma_start3A_108] : memref<8x128x32xf32, #tpu.memory_space<vmem>> -> memref<1x128x32xf32, #tpu.memory_space<vmem>>
      %dma_start3A_110 = tpu.memref_squeeze %dma_start3A_109 : memref<1x128x32xf32, #tpu.memory_space<vmem>> -> memref<128x32xf32, #tpu.memory_space<vmem>>
      %dma_start3A_111 = arith.constant 0 : i32
      %dma_start3A_112 = tpu.memref_slice %arg6[%add3A_105, %dma_start3A_111] : memref<80x128xi32, #tpu.memory_space<vmem>> -> memref<1x128xi32, #tpu.memory_space<vmem>>
      %dma_start3A_113 = tpu.memref_squeeze %dma_start3A_112 : memref<1x128xi32, #tpu.memory_space<vmem>> -> memref<128xi32, #tpu.memory_space<vmem>>
      %dma_start3A_114 = arith.constant 0 : i32
      %dma_start3A_115 = arith.constant 0 : i32
      %dma_start3A_116 = tpu.memref_slice %arg2[%dma_start3A_114, %dma_start3A_115] : memref<10240x32xf32, #tpu.memory_space<hbm>> -> memref<10240x32xf32, #tpu.memory_space<hbm>>
      tpu.enqueue_indirect_dma source(%dma_start3A_116 : memref<10240x32xf32, #tpu.memory_space<hbm>>) target(%dma_start3A_110 : memref<128x32xf32, #tpu.memory_space<vmem>>) offsets(%dma_start3A_113 : memref<128xi32, #tpu.memory_space<vmem>>) semaphore(%arg15 : memref<!tpu.dma_semaphore, #tpu.memory_space<semaphore_mem>>)
      %add3A_117 = arith.constant 5 : i32
      %add3A_118 = arith.addi %add3A_51, %add3A_117 : i32
      %dma_start3A_119 = arith.constant 5 : i32
      %dma_start3A_120 = arith.constant 0 : i32
      %dma_start3A_121 = arith.constant 0 : i32
      %dma_start3A_122 = tpu.memref_slice %arg8[%dma_start3A_119, %dma_start3A_120, %dma_start3A_121] : memref<8x128x32xf32, #tpu.memory_space<vmem>> -> memref<1x128x32xf32, #tpu.memory_space<vmem>>
      %dma_start3A_123 = tpu.memref_squeeze %dma_start3A_122 : memref<1x128x32xf32, #tpu.memory_space<vmem>> -> memref<128x32xf32, #tpu.memory_space<vmem>>
      %dma_start3A_124 = arith.constant 0 : i32
      %dma_start3A_125 = tpu.memref_slice %arg6[%add3A_118, %dma_start3A_124] : memref<80x128xi32, #tpu.memory_space<vmem>> -> memref<1x128xi32, #tpu.memory_space<vmem>>
      %dma_start3A_126 = tpu.memref_squeeze %dma_start3A_125 : memref<1x128xi32, #tpu.memory_space<vmem>> -> memref<128xi32, #tpu.memory_space<vmem>>
      %dma_start3A_127 = arith.constant 0 : i32
      %dma_start3A_128 = arith.constant 0 : i32
      %dma_start3A_129 = tpu.memref_slice %arg2[%dma_start3A_127, %dma_start3A_128] : memref<10240x32xf32, #tpu.memory_space<hbm>> -> memref<10240x32xf32, #tpu.memory_space<hbm>>
      tpu.enqueue_indirect_dma source(%dma_start3A_129 : memref<10240x32xf32, #tpu.memory_space<hbm>>) target(%dma_start3A_123 : memref<128x32xf32, #tpu.memory_space<vmem>>) offsets(%dma_start3A_126 : memref<128xi32, #tpu.memory_space<vmem>>) semaphore(%arg16 : memref<!tpu.dma_semaphore, #tpu.memory_space<semaphore_mem>>)
      %add3A_130 = arith.constant 6 : i32
      %add3A_131 = arith.addi %add3A_51, %add3A_130 : i32
      %dma_start3A_132 = arith.constant 6 : i32
      %dma_start3A_133 = arith.constant 0 : i32
      %dma_start3A_134 = arith.constant 0 : i32
      %dma_start3A_135 = tpu.memref_slice %arg8[%dma_start3A_132, %dma_start3A_133, %dma_start3A_134] : memref<8x128x32xf32, #tpu.memory_space<vmem>> -> memref<1x128x32xf32, #tpu.memory_space<vmem>>
      %dma_start3A_136 = tpu.memref_squeeze %dma_start3A_135 : memref<1x128x32xf32, #tpu.memory_space<vmem>> -> memref<128x32xf32, #tpu.memory_space<vmem>>
      %dma_start3A_137 = arith.constant 0 : i32
      %dma_start3A_138 = tpu.memref_slice %arg6[%add3A_131, %dma_start3A_137] : memref<80x128xi32, #tpu.memory_space<vmem>> -> memref<1x128xi32, #tpu.memory_space<vmem>>
      %dma_start3A_139 = tpu.memref_squeeze %dma_start3A_138 : memref<1x128xi32, #tpu.memory_space<vmem>> -> memref<128xi32, #tpu.memory_space<vmem>>
      %dma_start3A_140 = arith.constant 0 : i32
      %dma_start3A_141 = arith.constant 0 : i32
      %dma_start3A_142 = tpu.memref_slice %arg2[%dma_start3A_140, %dma_start3A_141] : memref<10240x32xf32, #tpu.memory_space<hbm>> -> memref<10240x32xf32, #tpu.memory_space<hbm>>
      tpu.enqueue_indirect_dma source(%dma_start3A_142 : memref<10240x32xf32, #tpu.memory_space<hbm>>) target(%dma_start3A_136 : memref<128x32xf32, #tpu.memory_space<vmem>>) offsets(%dma_start3A_139 : memref<128xi32, #tpu.memory_space<vmem>>) semaphore(%arg17 : memref<!tpu.dma_semaphore, #tpu.memory_space<semaphore_mem>>)
      %add3A_143 = arith.constant 7 : i32
      %add3A_144 = arith.addi %add3A_51, %add3A_143 : i32
      %dma_start3A_145 = arith.constant 7 : i32
      %dma_start3A_146 = arith.constant 0 : i32
      %dma_start3A_147 = arith.constant 0 : i32
      %dma_start3A_148 = tpu.memref_slice %arg8[%dma_start3A_145, %dma_start3A_146, %dma_start3A_147] : memref<8x128x32xf32, #tpu.memory_space<vmem>> -> memref<1x128x32xf32, #tpu.memory_space<vmem>>
      %dma_start3A_149 = tpu.memref_squeeze %dma_start3A_148 : memref<1x128x32xf32, #tpu.memory_space<vmem>> -> memref<128x32xf32, #tpu.memory_space<vmem>>
      %dma_start3A_150 = arith.constant 0 : i32
      %dma_start3A_151 = tpu.memref_slice %arg6[%add3A_144, %dma_start3A_150] : memref<80x128xi32, #tpu.memory_space<vmem>> -> memref<1x128xi32, #tpu.memory_space<vmem>>
      %dma_start3A_152 = tpu.memref_squeeze %dma_start3A_151 : memref<1x128xi32, #tpu.memory_space<vmem>> -> memref<128xi32, #tpu.memory_space<vmem>>
      %dma_start3A_153 = arith.constant 0 : i32
      %dma_start3A_154 = arith.constant 0 : i32
      %dma_start3A_155 = tpu.memref_slice %arg2[%dma_start3A_153, %dma_start3A_154] : memref<10240x32xf32, #tpu.memory_space<hbm>> -> memref<10240x32xf32, #tpu.memory_space<hbm>>
      tpu.enqueue_indirect_dma source(%dma_start3A_155 : memref<10240x32xf32, #tpu.memory_space<hbm>>) target(%dma_start3A_149 : memref<128x32xf32, #tpu.memory_space<vmem>>) offsets(%dma_start3A_152 : memref<128xi32, #tpu.memory_space<vmem>>) semaphore(%arg18 : memref<!tpu.dma_semaphore, #tpu.memory_space<semaphore_mem>>)
      %dma_wait3A_156 = arith.constant 0 : i32
      %dma_wait3A_157 = arith.constant 0 : i32
      %dma_wait3A_158 = arith.constant 0 : i32
      %dma_wait3A_159 = tpu.memref_slice %arg8[%dma_wait3A_156, %dma_wait3A_157, %dma_wait3A_158] : memref<8x128x32xf32, #tpu.memory_space<vmem>> -> memref<1x128x32xf32, #tpu.memory_space<vmem>>
      %dma_wait3A_160 = tpu.memref_squeeze %dma_wait3A_159 : memref<1x128x32xf32, #tpu.memory_space<vmem>> -> memref<128x32xf32, #tpu.memory_space<vmem>>
      %dma_wait3A_161 = arith.constant 0 : i32
      %dma_wait3A_162 = tpu.memref_slice %arg6[%add3A_53, %dma_wait3A_161] : memref<80x128xi32, #tpu.memory_space<vmem>> -> memref<1x128xi32, #tpu.memory_space<vmem>>
      %dma_wait3A_163 = tpu.memref_squeeze %dma_wait3A_162 : memref<1x128xi32, #tpu.memory_space<vmem>> -> memref<128xi32, #tpu.memory_space<vmem>>
      %dma_wait3A_164 = arith.constant 0 : i32
      %dma_wait3A_165 = arith.constant 0 : i32
      %dma_wait3A_166 = tpu.memref_slice %arg2[%dma_wait3A_164, %dma_wait3A_165] : memref<10240x32xf32, #tpu.memory_space<hbm>> -> memref<10240x32xf32, #tpu.memory_space<hbm>>
      tpu.wait_indirect_dma semaphore(%arg11 : memref<!tpu.dma_semaphore, #tpu.memory_space<semaphore_mem>>) src(%dma_wait3A_166 : memref<10240x32xf32, #tpu.memory_space<hbm>>) dst(%dma_wait3A_160 : memref<128x32xf32, #tpu.memory_space<vmem>>)
      %add3A_167 = arith.constant 0 : i32
      %add3A_168 = arith.addi %add3A_51, %add3A_167 : i32
      %dma_start3A_169 = arith.constant 0 : i32
      %dma_start3A_170 = arith.constant 0 : i32
      %dma_start3A_171 = arith.constant 0 : i32
      %dma_start3A_172 = tpu.memref_slice %arg8[%dma_start3A_169, %dma_start3A_170, %dma_start3A_171] : memref<8x128x32xf32, #tpu.memory_space<vmem>> -> memref<1x128x32xf32, #tpu.memory_space<vmem>>
      %dma_start3A_173 = tpu.memref_squeeze %dma_start3A_172 : memref<1x128x32xf32, #tpu.memory_space<vmem>> -> memref<128x32xf32, #tpu.memory_space<vmem>>
      %dma_start3A_174 = arith.constant 0 : i32
      %dma_start3A_175 = tpu.memref_slice %arg7[%add3A_168, %dma_start3A_174] : memref<80x128xi32, #tpu.memory_space<vmem>> -> memref<1x128xi32, #tpu.memory_space<vmem>>
      %dma_start3A_176 = tpu.memref_squeeze %dma_start3A_175 : memref<1x128xi32, #tpu.memory_space<vmem>> -> memref<128xi32, #tpu.memory_space<vmem>>
      %dma_start3A_177 = arith.constant 0 : i32
      %dma_start3A_178 = arith.constant 0 : i32
      %dma_start3A_179 = tpu.memref_slice %arg10[%dma_start3A_177, %dma_start3A_178] : memref<10240x32xf32, #tpu.memory_space<vmem_shared>> -> memref<10240x32xf32, #tpu.memory_space<vmem_shared>>
      tpu.enqueue_indirect_dma source(%dma_start3A_173 : memref<128x32xf32, #tpu.memory_space<vmem>>) target(%dma_start3A_179 : memref<10240x32xf32, #tpu.memory_space<vmem_shared>>) offsets(%dma_start3A_176 : memref<128xi32, #tpu.memory_space<vmem>>) semaphore(%arg19 : memref<!tpu.dma_semaphore, #tpu.memory_space<semaphore_mem>>) {add = true}
      %dma_wait3A_180 = arith.constant 1 : i32
      %dma_wait3A_181 = arith.constant 0 : i32
      %dma_wait3A_182 = arith.constant 0 : i32
      %dma_wait3A_183 = tpu.memref_slice %arg8[%dma_wait3A_180, %dma_wait3A_181, %dma_wait3A_182] : memref<8x128x32xf32, #tpu.memory_space<vmem>> -> memref<1x128x32xf32, #tpu.memory_space<vmem>>
      %dma_wait3A_184 = tpu.memref_squeeze %dma_wait3A_183 : memref<1x128x32xf32, #tpu.memory_space<vmem>> -> memref<128x32xf32, #tpu.memory_space<vmem>>
      %dma_wait3A_185 = arith.constant 0 : i32
      %dma_wait3A_186 = tpu.memref_slice %arg6[%add3A_66, %dma_wait3A_185] : memref<80x128xi32, #tpu.memory_space<vmem>> -> memref<1x128xi32, #tpu.memory_space<vmem>>
      %dma_wait3A_187 = tpu.memref_squeeze %dma_wait3A_186 : memref<1x128xi32, #tpu.memory_space<vmem>> -> memref<128xi32, #tpu.memory_space<vmem>>
      %dma_wait3A_188 = arith.constant 0 : i32
      %dma_wait3A_189 = arith.constant 0 : i32
      %dma_wait3A_190 = tpu.memref_slice %arg2[%dma_wait3A_188, %dma_wait3A_189] : memref<10240x32xf32, #tpu.memory_space<hbm>> -> memref<10240x32xf32, #tpu.memory_space<hbm>>
      tpu.wait_indirect_dma semaphore(%arg12 : memref<!tpu.dma_semaphore, #tpu.memory_space<semaphore_mem>>) src(%dma_wait3A_190 : memref<10240x32xf32, #tpu.memory_space<hbm>>) dst(%dma_wait3A_184 : memref<128x32xf32, #tpu.memory_space<vmem>>)
      %add3A_191 = arith.constant 1 : i32
      %add3A_192 = arith.addi %add3A_51, %add3A_191 : i32
      %dma_start3A_193 = arith.constant 1 : i32
      %dma_start3A_194 = arith.constant 0 : i32
      %dma_start3A_195 = arith.constant 0 : i32
      %dma_start3A_196 = tpu.memref_slice %arg8[%dma_start3A_193, %dma_start3A_194, %dma_start3A_195] : memref<8x128x32xf32, #tpu.memory_space<vmem>> -> memref<1x128x32xf32, #tpu.memory_space<vmem>>
      %dma_start3A_197 = tpu.memref_squeeze %dma_start3A_196 : memref<1x128x32xf32, #tpu.memory_space<vmem>> -> memref<128x32xf32, #tpu.memory_space<vmem>>
      %dma_start3A_198 = arith.constant 0 : i32
      %dma_start3A_199 = tpu.memref_slice %arg7[%add3A_192, %dma_start3A_198] : memref<80x128xi32, #tpu.memory_space<vmem>> -> memref<1x128xi32, #tpu.memory_space<vmem>>
      %dma_start3A_200 = tpu.memref_squeeze %dma_start3A_199 : memref<1x128xi32, #tpu.memory_space<vmem>> -> memref<128xi32, #tpu.memory_space<vmem>>
      %dma_start3A_201 = arith.constant 0 : i32
      %dma_start3A_202 = arith.constant 0 : i32
      %dma_start3A_203 = tpu.memref_slice %arg10[%dma_start3A_201, %dma_start3A_202] : memref<10240x32xf32, #tpu.memory_space<vmem_shared>> -> memref<10240x32xf32, #tpu.memory_space<vmem_shared>>
      tpu.enqueue_indirect_dma source(%dma_start3A_197 : memref<128x32xf32, #tpu.memory_space<vmem>>) target(%dma_start3A_203 : memref<10240x32xf32, #tpu.memory_space<vmem_shared>>) offsets(%dma_start3A_200 : memref<128xi32, #tpu.memory_space<vmem>>) semaphore(%arg20 : memref<!tpu.dma_semaphore, #tpu.memory_space<semaphore_mem>>) {add = true}
      %dma_wait3A_204 = arith.constant 2 : i32
      %dma_wait3A_205 = arith.constant 0 : i32
      %dma_wait3A_206 = arith.constant 0 : i32
      %dma_wait3A_207 = tpu.memref_slice %arg8[%dma_wait3A_204, %dma_wait3A_205, %dma_wait3A_206] : memref<8x128x32xf32, #tpu.memory_space<vmem>> -> memref<1x128x32xf32, #tpu.memory_space<vmem>>
      %dma_wait3A_208 = tpu.memref_squeeze %dma_wait3A_207 : memref<1x128x32xf32, #tpu.memory_space<vmem>> -> memref<128x32xf32, #tpu.memory_space<vmem>>
      %dma_wait3A_209 = arith.constant 0 : i32
      %dma_wait3A_210 = tpu.memref_slice %arg6[%add3A_79, %dma_wait3A_209] : memref<80x128xi32, #tpu.memory_space<vmem>> -> memref<1x128xi32, #tpu.memory_space<vmem>>
      %dma_wait3A_211 = tpu.memref_squeeze %dma_wait3A_210 : memref<1x128xi32, #tpu.memory_space<vmem>> -> memref<128xi32, #tpu.memory_space<vmem>>
      %dma_wait3A_212 = arith.constant 0 : i32
      %dma_wait3A_213 = arith.constant 0 : i32
      %dma_wait3A_214 = tpu.memref_slice %arg2[%dma_wait3A_212, %dma_wait3A_213] : memref<10240x32xf32, #tpu.memory_space<hbm>> -> memref<10240x32xf32, #tpu.memory_space<hbm>>
      tpu.wait_indirect_dma semaphore(%arg13 : memref<!tpu.dma_semaphore, #tpu.memory_space<semaphore_mem>>) src(%dma_wait3A_214 : memref<10240x32xf32, #tpu.memory_space<hbm>>) dst(%dma_wait3A_208 : memref<128x32xf32, #tpu.memory_space<vmem>>)
      %add3A_215 = arith.constant 2 : i32
      %add3A_216 = arith.addi %add3A_51, %add3A_215 : i32
      %dma_start3A_217 = arith.constant 2 : i32
      %dma_start3A_218 = arith.constant 0 : i32
      %dma_start3A_219 = arith.constant 0 : i32
      %dma_start3A_220 = tpu.memref_slice %arg8[%dma_start3A_217, %dma_start3A_218, %dma_start3A_219] : memref<8x128x32xf32, #tpu.memory_space<vmem>> -> memref<1x128x32xf32, #tpu.memory_space<vmem>>
      %dma_start3A_221 = tpu.memref_squeeze %dma_start3A_220 : memref<1x128x32xf32, #tpu.memory_space<vmem>> -> memref<128x32xf32, #tpu.memory_space<vmem>>
      %dma_start3A_222 = arith.constant 0 : i32
      %dma_start3A_223 = tpu.memref_slice %arg7[%add3A_216, %dma_start3A_222] : memref<80x128xi32, #tpu.memory_space<vmem>> -> memref<1x128xi32, #tpu.memory_space<vmem>>
      %dma_start3A_224 = tpu.memref_squeeze %dma_start3A_223 : memref<1x128xi32, #tpu.memory_space<vmem>> -> memref<128xi32, #tpu.memory_space<vmem>>
      %dma_start3A_225 = arith.constant 0 : i32
      %dma_start3A_226 = arith.constant 0 : i32
      %dma_start3A_227 = tpu.memref_slice %arg10[%dma_start3A_225, %dma_start3A_226] : memref<10240x32xf32, #tpu.memory_space<vmem_shared>> -> memref<10240x32xf32, #tpu.memory_space<vmem_shared>>
      tpu.enqueue_indirect_dma source(%dma_start3A_221 : memref<128x32xf32, #tpu.memory_space<vmem>>) target(%dma_start3A_227 : memref<10240x32xf32, #tpu.memory_space<vmem_shared>>) offsets(%dma_start3A_224 : memref<128xi32, #tpu.memory_space<vmem>>) semaphore(%arg21 : memref<!tpu.dma_semaphore, #tpu.memory_space<semaphore_mem>>) {add = true}
      %dma_wait3A_228 = arith.constant 3 : i32
      %dma_wait3A_229 = arith.constant 0 : i32
      %dma_wait3A_230 = arith.constant 0 : i32
      %dma_wait3A_231 = tpu.memref_slice %arg8[%dma_wait3A_228, %dma_wait3A_229, %dma_wait3A_230] : memref<8x128x32xf32, #tpu.memory_space<vmem>> -> memref<1x128x32xf32, #tpu.memory_space<vmem>>
      %dma_wait3A_232 = tpu.memref_squeeze %dma_wait3A_231 : memref<1x128x32xf32, #tpu.memory_space<vmem>> -> memref<128x32xf32, #tpu.memory_space<vmem>>
      %dma_wait3A_233 = arith.constant 0 : i32
      %dma_wait3A_234 = tpu.memref_slice %arg6[%add3A_92, %dma_wait3A_233] : memref<80x128xi32, #tpu.memory_space<vmem>> -> memref<1x128xi32, #tpu.memory_space<vmem>>
      %dma_wait3A_235 = tpu.memref_squeeze %dma_wait3A_234 : memref<1x128xi32, #tpu.memory_space<vmem>> -> memref<128xi32, #tpu.memory_space<vmem>>
      %dma_wait3A_236 = arith.constant 0 : i32
      %dma_wait3A_237 = arith.constant 0 : i32
      %dma_wait3A_238 = tpu.memref_slice %arg2[%dma_wait3A_236, %dma_wait3A_237] : memref<10240x32xf32, #tpu.memory_space<hbm>> -> memref<10240x32xf32, #tpu.memory_space<hbm>>
      tpu.wait_indirect_dma semaphore(%arg14 : memref<!tpu.dma_semaphore, #tpu.memory_space<semaphore_mem>>) src(%dma_wait3A_238 : memref<10240x32xf32, #tpu.memory_space<hbm>>) dst(%dma_wait3A_232 : memref<128x32xf32, #tpu.memory_space<vmem>>)
      %add3A_239 = arith.constant 3 : i32
      %add3A_240 = arith.addi %add3A_51, %add3A_239 : i32
      %dma_start3A_241 = arith.constant 3 : i32
      %dma_start3A_242 = arith.constant 0 : i32
      %dma_start3A_243 = arith.constant 0 : i32
      %dma_start3A_244 = tpu.memref_slice %arg8[%dma_start3A_241, %dma_start3A_242, %dma_start3A_243] : memref<8x128x32xf32, #tpu.memory_space<vmem>> -> memref<1x128x32xf32, #tpu.memory_space<vmem>>
      %dma_start3A_245 = tpu.memref_squeeze %dma_start3A_244 : memref<1x128x32xf32, #tpu.memory_space<vmem>> -> memref<128x32xf32, #tpu.memory_space<vmem>>
      %dma_start3A_246 = arith.constant 0 : i32
      %dma_start3A_247 = tpu.memref_slice %arg7[%add3A_240, %dma_start3A_246] : memref<80x128xi32, #tpu.memory_space<vmem>> -> memref<1x128xi32, #tpu.memory_space<vmem>>
      %dma_start3A_248 = tpu.memref_squeeze %dma_start3A_247 : memref<1x128xi32, #tpu.memory_space<vmem>> -> memref<128xi32, #tpu.memory_space<vmem>>
      %dma_start3A_249 = arith.constant 0 : i32
      %dma_start3A_250 = arith.constant 0 : i32
      %dma_start3A_251 = tpu.memref_slice %arg10[%dma_start3A_249, %dma_start3A_250] : memref<10240x32xf32, #tpu.memory_space<vmem_shared>> -> memref<10240x32xf32, #tpu.memory_space<vmem_shared>>
      tpu.enqueue_indirect_dma source(%dma_start3A_245 : memref<128x32xf32, #tpu.memory_space<vmem>>) target(%dma_start3A_251 : memref<10240x32xf32, #tpu.memory_space<vmem_shared>>) offsets(%dma_start3A_248 : memref<128xi32, #tpu.memory_space<vmem>>) semaphore(%arg22 : memref<!tpu.dma_semaphore, #tpu.memory_space<semaphore_mem>>) {add = true}
      %dma_wait3A_252 = arith.constant 4 : i32
      %dma_wait3A_253 = arith.constant 0 : i32
      %dma_wait3A_254 = arith.constant 0 : i32
      %dma_wait3A_255 = tpu.memref_slice %arg8[%dma_wait3A_252, %dma_wait3A_253, %dma_wait3A_254] : memref<8x128x32xf32, #tpu.memory_space<vmem>> -> memref<1x128x32xf32, #tpu.memory_space<vmem>>
      %dma_wait3A_256 = tpu.memref_squeeze %dma_wait3A_255 : memref<1x128x32xf32, #tpu.memory_space<vmem>> -> memref<128x32xf32, #tpu.memory_space<vmem>>
      %dma_wait3A_257 = arith.constant 0 : i32
      %dma_wait3A_258 = tpu.memref_slice %arg6[%add3A_105, %dma_wait3A_257] : memref<80x128xi32, #tpu.memory_space<vmem>> -> memref<1x128xi32, #tpu.memory_space<vmem>>
      %dma_wait3A_259 = tpu.memref_squeeze %dma_wait3A_258 : memref<1x128xi32, #tpu.memory_space<vmem>> -> memref<128xi32, #tpu.memory_space<vmem>>
      %dma_wait3A_260 = arith.constant 0 : i32
      %dma_wait3A_261 = arith.constant 0 : i32
      %dma_wait3A_262 = tpu.memref_slice %arg2[%dma_wait3A_260, %dma_wait3A_261] : memref<10240x32xf32, #tpu.memory_space<hbm>> -> memref<10240x32xf32, #tpu.memory_space<hbm>>
      tpu.wait_indirect_dma semaphore(%arg15 : memref<!tpu.dma_semaphore, #tpu.memory_space<semaphore_mem>>) src(%dma_wait3A_262 : memref<10240x32xf32, #tpu.memory_space<hbm>>) dst(%dma_wait3A_256 : memref<128x32xf32, #tpu.memory_space<vmem>>)
      %add3A_263 = arith.constant 4 : i32
      %add3A_264 = arith.addi %add3A_51, %add3A_263 : i32
      %dma_start3A_265 = arith.constant 4 : i32
      %dma_start3A_266 = arith.constant 0 : i32
      %dma_start3A_267 = arith.constant 0 : i32
      %dma_start3A_268 = tpu.memref_slice %arg8[%dma_start3A_265, %dma_start3A_266, %dma_start3A_267] : memref<8x128x32xf32, #tpu.memory_space<vmem>> -> memref<1x128x32xf32, #tpu.memory_space<vmem>>
      %dma_start3A_269 = tpu.memref_squeeze %dma_start3A_268 : memref<1x128x32xf32, #tpu.memory_space<vmem>> -> memref<128x32xf32, #tpu.memory_space<vmem>>
      %dma_start3A_270 = arith.constant 0 : i32
      %dma_start3A_271 = tpu.memref_slice %arg7[%add3A_264, %dma_start3A_270] : memref<80x128xi32, #tpu.memory_space<vmem>> -> memref<1x128xi32, #tpu.memory_space<vmem>>
      %dma_start3A_272 = tpu.memref_squeeze %dma_start3A_271 : memref<1x128xi32, #tpu.memory_space<vmem>> -> memref<128xi32, #tpu.memory_space<vmem>>
      %dma_start3A_273 = arith.constant 0 : i32
      %dma_start3A_274 = arith.constant 0 : i32
      %dma_start3A_275 = tpu.memref_slice %arg10[%dma_start3A_273, %dma_start3A_274] : memref<10240x32xf32, #tpu.memory_space<vmem_shared>> -> memref<10240x32xf32, #tpu.memory_space<vmem_shared>>
      tpu.enqueue_indirect_dma source(%dma_start3A_269 : memref<128x32xf32, #tpu.memory_space<vmem>>) target(%dma_start3A_275 : memref<10240x32xf32, #tpu.memory_space<vmem_shared>>) offsets(%dma_start3A_272 : memref<128xi32, #tpu.memory_space<vmem>>) semaphore(%arg23 : memref<!tpu.dma_semaphore, #tpu.memory_space<semaphore_mem>>) {add = true}
      %dma_wait3A_276 = arith.constant 5 : i32
      %dma_wait3A_277 = arith.constant 0 : i32
      %dma_wait3A_278 = arith.constant 0 : i32
      %dma_wait3A_279 = tpu.memref_slice %arg8[%dma_wait3A_276, %dma_wait3A_277, %dma_wait3A_278] : memref<8x128x32xf32, #tpu.memory_space<vmem>> -> memref<1x128x32xf32, #tpu.memory_space<vmem>>
      %dma_wait3A_280 = tpu.memref_squeeze %dma_wait3A_279 : memref<1x128x32xf32, #tpu.memory_space<vmem>> -> memref<128x32xf32, #tpu.memory_space<vmem>>
      %dma_wait3A_281 = arith.constant 0 : i32
      %dma_wait3A_282 = tpu.memref_slice %arg6[%add3A_118, %dma_wait3A_281] : memref<80x128xi32, #tpu.memory_space<vmem>> -> memref<1x128xi32, #tpu.memory_space<vmem>>
      %dma_wait3A_283 = tpu.memref_squeeze %dma_wait3A_282 : memref<1x128xi32, #tpu.memory_space<vmem>> -> memref<128xi32, #tpu.memory_space<vmem>>
      %dma_wait3A_284 = arith.constant 0 : i32
      %dma_wait3A_285 = arith.constant 0 : i32
      %dma_wait3A_286 = tpu.memref_slice %arg2[%dma_wait3A_284, %dma_wait3A_285] : memref<10240x32xf32, #tpu.memory_space<hbm>> -> memref<10240x32xf32, #tpu.memory_space<hbm>>
      tpu.wait_indirect_dma semaphore(%arg16 : memref<!tpu.dma_semaphore, #tpu.memory_space<semaphore_mem>>) src(%dma_wait3A_286 : memref<10240x32xf32, #tpu.memory_space<hbm>>) dst(%dma_wait3A_280 : memref<128x32xf32, #tpu.memory_space<vmem>>)
      %add3A_287 = arith.constant 5 : i32
      %add3A_288 = arith.addi %add3A_51, %add3A_287 : i32
      %dma_start3A_289 = arith.constant 5 : i32
      %dma_start3A_290 = arith.constant 0 : i32
      %dma_start3A_291 = arith.constant 0 : i32
      %dma_start3A_292 = tpu.memref_slice %arg8[%dma_start3A_289, %dma_start3A_290, %dma_start3A_291] : memref<8x128x32xf32, #tpu.memory_space<vmem>> -> memref<1x128x32xf32, #tpu.memory_space<vmem>>
      %dma_start3A_293 = tpu.memref_squeeze %dma_start3A_292 : memref<1x128x32xf32, #tpu.memory_space<vmem>> -> memref<128x32xf32, #tpu.memory_space<vmem>>
      %dma_start3A_294 = arith.constant 0 : i32
      %dma_start3A_295 = tpu.memref_slice %arg7[%add3A_288, %dma_start3A_294] : memref<80x128xi32, #tpu.memory_space<vmem>> -> memref<1x128xi32, #tpu.memory_space<vmem>>
      %dma_start3A_296 = tpu.memref_squeeze %dma_start3A_295 : memref<1x128xi32, #tpu.memory_space<vmem>> -> memref<128xi32, #tpu.memory_space<vmem>>
      %dma_start3A_297 = arith.constant 0 : i32
      %dma_start3A_298 = arith.constant 0 : i32
      %dma_start3A_299 = tpu.memref_slice %arg10[%dma_start3A_297, %dma_start3A_298] : memref<10240x32xf32, #tpu.memory_space<vmem_shared>> -> memref<10240x32xf32, #tpu.memory_space<vmem_shared>>
      tpu.enqueue_indirect_dma source(%dma_start3A_293 : memref<128x32xf32, #tpu.memory_space<vmem>>) target(%dma_start3A_299 : memref<10240x32xf32, #tpu.memory_space<vmem_shared>>) offsets(%dma_start3A_296 : memref<128xi32, #tpu.memory_space<vmem>>) semaphore(%arg24 : memref<!tpu.dma_semaphore, #tpu.memory_space<semaphore_mem>>) {add = true}
      %dma_wait3A_300 = arith.constant 6 : i32
      %dma_wait3A_301 = arith.constant 0 : i32
      %dma_wait3A_302 = arith.constant 0 : i32
      %dma_wait3A_303 = tpu.memref_slice %arg8[%dma_wait3A_300, %dma_wait3A_301, %dma_wait3A_302] : memref<8x128x32xf32, #tpu.memory_space<vmem>> -> memref<1x128x32xf32, #tpu.memory_space<vmem>>
      %dma_wait3A_304 = tpu.memref_squeeze %dma_wait3A_303 : memref<1x128x32xf32, #tpu.memory_space<vmem>> -> memref<128x32xf32, #tpu.memory_space<vmem>>
      %dma_wait3A_305 = arith.constant 0 : i32
      %dma_wait3A_306 = tpu.memref_slice %arg6[%add3A_131, %dma_wait3A_305] : memref<80x128xi32, #tpu.memory_space<vmem>> -> memref<1x128xi32, #tpu.memory_space<vmem>>
      %dma_wait3A_307 = tpu.memref_squeeze %dma_wait3A_306 : memref<1x128xi32, #tpu.memory_space<vmem>> -> memref<128xi32, #tpu.memory_space<vmem>>
      %dma_wait3A_308 = arith.constant 0 : i32
      %dma_wait3A_309 = arith.constant 0 : i32
      %dma_wait3A_310 = tpu.memref_slice %arg2[%dma_wait3A_308, %dma_wait3A_309] : memref<10240x32xf32, #tpu.memory_space<hbm>> -> memref<10240x32xf32, #tpu.memory_space<hbm>>
      tpu.wait_indirect_dma semaphore(%arg17 : memref<!tpu.dma_semaphore, #tpu.memory_space<semaphore_mem>>) src(%dma_wait3A_310 : memref<10240x32xf32, #tpu.memory_space<hbm>>) dst(%dma_wait3A_304 : memref<128x32xf32, #tpu.memory_space<vmem>>)
      %add3A_311 = arith.constant 6 : i32
      %add3A_312 = arith.addi %add3A_51, %add3A_311 : i32
      %dma_start3A_313 = arith.constant 6 : i32
      %dma_start3A_314 = arith.constant 0 : i32
      %dma_start3A_315 = arith.constant 0 : i32
      %dma_start3A_316 = tpu.memref_slice %arg8[%dma_start3A_313, %dma_start3A_314, %dma_start3A_315] : memref<8x128x32xf32, #tpu.memory_space<vmem>> -> memref<1x128x32xf32, #tpu.memory_space<vmem>>
      %dma_start3A_317 = tpu.memref_squeeze %dma_start3A_316 : memref<1x128x32xf32, #tpu.memory_space<vmem>> -> memref<128x32xf32, #tpu.memory_space<vmem>>
      %dma_start3A_318 = arith.constant 0 : i32
      %dma_start3A_319 = tpu.memref_slice %arg7[%add3A_312, %dma_start3A_318] : memref<80x128xi32, #tpu.memory_space<vmem>> -> memref<1x128xi32, #tpu.memory_space<vmem>>
      %dma_start3A_320 = tpu.memref_squeeze %dma_start3A_319 : memref<1x128xi32, #tpu.memory_space<vmem>> -> memref<128xi32, #tpu.memory_space<vmem>>
      %dma_start3A_321 = arith.constant 0 : i32
      %dma_start3A_322 = arith.constant 0 : i32
      %dma_start3A_323 = tpu.memref_slice %arg10[%dma_start3A_321, %dma_start3A_322] : memref<10240x32xf32, #tpu.memory_space<vmem_shared>> -> memref<10240x32xf32, #tpu.memory_space<vmem_shared>>
      tpu.enqueue_indirect_dma source(%dma_start3A_317 : memref<128x32xf32, #tpu.memory_space<vmem>>) target(%dma_start3A_323 : memref<10240x32xf32, #tpu.memory_space<vmem_shared>>) offsets(%dma_start3A_320 : memref<128xi32, #tpu.memory_space<vmem>>) semaphore(%arg25 : memref<!tpu.dma_semaphore, #tpu.memory_space<semaphore_mem>>) {add = true}
      %dma_wait3A_324 = arith.constant 7 : i32
      %dma_wait3A_325 = arith.constant 0 : i32
      %dma_wait3A_326 = arith.constant 0 : i32
      %dma_wait3A_327 = tpu.memref_slice %arg8[%dma_wait3A_324, %dma_wait3A_325, %dma_wait3A_326] : memref<8x128x32xf32, #tpu.memory_space<vmem>> -> memref<1x128x32xf32, #tpu.memory_space<vmem>>
      %dma_wait3A_328 = tpu.memref_squeeze %dma_wait3A_327 : memref<1x128x32xf32, #tpu.memory_space<vmem>> -> memref<128x32xf32, #tpu.memory_space<vmem>>
      %dma_wait3A_329 = arith.constant 0 : i32
      %dma_wait3A_330 = tpu.memref_slice %arg6[%add3A_144, %dma_wait3A_329] : memref<80x128xi32, #tpu.memory_space<vmem>> -> memref<1x128xi32, #tpu.memory_space<vmem>>
      %dma_wait3A_331 = tpu.memref_squeeze %dma_wait3A_330 : memref<1x128xi32, #tpu.memory_space<vmem>> -> memref<128xi32, #tpu.memory_space<vmem>>
      %dma_wait3A_332 = arith.constant 0 : i32
      %dma_wait3A_333 = arith.constant 0 : i32
      %dma_wait3A_334 = tpu.memref_slice %arg2[%dma_wait3A_332, %dma_wait3A_333] : memref<10240x32xf32, #tpu.memory_space<hbm>> -> memref<10240x32xf32, #tpu.memory_space<hbm>>
      tpu.wait_indirect_dma semaphore(%arg18 : memref<!tpu.dma_semaphore, #tpu.memory_space<semaphore_mem>>) src(%dma_wait3A_334 : memref<10240x32xf32, #tpu.memory_space<hbm>>) dst(%dma_wait3A_328 : memref<128x32xf32, #tpu.memory_space<vmem>>)
      %add3A_335 = arith.constant 7 : i32
      %add3A_336 = arith.addi %add3A_51, %add3A_335 : i32
      %dma_start3A_337 = arith.constant 7 : i32
      %dma_start3A_338 = arith.constant 0 : i32
      %dma_start3A_339 = arith.constant 0 : i32
      %dma_start3A_340 = tpu.memref_slice %arg8[%dma_start3A_337, %dma_start3A_338, %dma_start3A_339] : memref<8x128x32xf32, #tpu.memory_space<vmem>> -> memref<1x128x32xf32, #tpu.memory_space<vmem>>
      %dma_start3A_341 = tpu.memref_squeeze %dma_start3A_340 : memref<1x128x32xf32, #tpu.memory_space<vmem>> -> memref<128x32xf32, #tpu.memory_space<vmem>>
      %dma_start3A_342 = arith.constant 0 : i32
      %dma_start3A_343 = tpu.memref_slice %arg7[%add3A_336, %dma_start3A_342] : memref<80x128xi32, #tpu.memory_space<vmem>> -> memref<1x128xi32, #tpu.memory_space<vmem>>
      %dma_start3A_344 = tpu.memref_squeeze %dma_start3A_343 : memref<1x128xi32, #tpu.memory_space<vmem>> -> memref<128xi32, #tpu.memory_space<vmem>>
      %dma_start3A_345 = arith.constant 0 : i32
      %dma_start3A_346 = arith.constant 0 : i32
      %dma_start3A_347 = tpu.memref_slice %arg10[%dma_start3A_345, %dma_start3A_346] : memref<10240x32xf32, #tpu.memory_space<vmem_shared>> -> memref<10240x32xf32, #tpu.memory_space<vmem_shared>>
      tpu.enqueue_indirect_dma source(%dma_start3A_341 : memref<128x32xf32, #tpu.memory_space<vmem>>) target(%dma_start3A_347 : memref<10240x32xf32, #tpu.memory_space<vmem_shared>>) offsets(%dma_start3A_344 : memref<128xi32, #tpu.memory_space<vmem>>) semaphore(%arg26 : memref<!tpu.dma_semaphore, #tpu.memory_space<semaphore_mem>>) {add = true}
      %dma_wait3A_348 = arith.constant 0 : i32
      %dma_wait3A_349 = arith.constant 0 : i32
      %dma_wait3A_350 = arith.constant 0 : i32
      %dma_wait3A_351 = tpu.memref_slice %arg8[%dma_wait3A_348, %dma_wait3A_349, %dma_wait3A_350] : memref<8x128x32xf32, #tpu.memory_space<vmem>> -> memref<1x128x32xf32, #tpu.memory_space<vmem>>
      %dma_wait3A_352 = tpu.memref_squeeze %dma_wait3A_351 : memref<1x128x32xf32, #tpu.memory_space<vmem>> -> memref<128x32xf32, #tpu.memory_space<vmem>>
      %dma_wait3A_353 = arith.constant 0 : i32
      %dma_wait3A_354 = tpu.memref_slice %arg7[%add3A_168, %dma_wait3A_353] : memref<80x128xi32, #tpu.memory_space<vmem>> -> memref<1x128xi32, #tpu.memory_space<vmem>>
      %dma_wait3A_355 = tpu.memref_squeeze %dma_wait3A_354 : memref<1x128xi32, #tpu.memory_space<vmem>> -> memref<128xi32, #tpu.memory_space<vmem>>
      %dma_wait3A_356 = arith.constant 0 : i32
      %dma_wait3A_357 = arith.constant 0 : i32
      %dma_wait3A_358 = tpu.memref_slice %arg10[%dma_wait3A_356, %dma_wait3A_357] : memref<10240x32xf32, #tpu.memory_space<vmem_shared>> -> memref<10240x32xf32, #tpu.memory_space<vmem_shared>>
      tpu.wait_indirect_dma semaphore(%arg19 : memref<!tpu.dma_semaphore, #tpu.memory_space<semaphore_mem>>) src(%dma_wait3A_352 : memref<128x32xf32, #tpu.memory_space<vmem>>) dst(%dma_wait3A_358 : memref<10240x32xf32, #tpu.memory_space<vmem_shared>>)
      %dma_wait3A_359 = arith.constant 1 : i32
      %dma_wait3A_360 = arith.constant 0 : i32
      %dma_wait3A_361 = arith.constant 0 : i32
      %dma_wait3A_362 = tpu.memref_slice %arg8[%dma_wait3A_359, %dma_wait3A_360, %dma_wait3A_361] : memref<8x128x32xf32, #tpu.memory_space<vmem>> -> memref<1x128x32xf32, #tpu.memory_space<vmem>>
      %dma_wait3A_363 = tpu.memref_squeeze %dma_wait3A_362 : memref<1x128x32xf32, #tpu.memory_space<vmem>> -> memref<128x32xf32, #tpu.memory_space<vmem>>
      %dma_wait3A_364 = arith.constant 0 : i32
      %dma_wait3A_365 = tpu.memref_slice %arg7[%add3A_192, %dma_wait3A_364] : memref<80x128xi32, #tpu.memory_space<vmem>> -> memref<1x128xi32, #tpu.memory_space<vmem>>
      %dma_wait3A_366 = tpu.memref_squeeze %dma_wait3A_365 : memref<1x128xi32, #tpu.memory_space<vmem>> -> memref<128xi32, #tpu.memory_space<vmem>>
      %dma_wait3A_367 = arith.constant 0 : i32
      %dma_wait3A_368 = arith.constant 0 : i32
      %dma_wait3A_369 = tpu.memref_slice %arg10[%dma_wait3A_367, %dma_wait3A_368] : memref<10240x32xf32, #tpu.memory_space<vmem_shared>> -> memref<10240x32xf32, #tpu.memory_space<vmem_shared>>
      tpu.wait_indirect_dma semaphore(%arg20 : memref<!tpu.dma_semaphore, #tpu.memory_space<semaphore_mem>>) src(%dma_wait3A_363 : memref<128x32xf32, #tpu.memory_space<vmem>>) dst(%dma_wait3A_369 : memref<10240x32xf32, #tpu.memory_space<vmem_shared>>)
      %dma_wait3A_370 = arith.constant 2 : i32
      %dma_wait3A_371 = arith.constant 0 : i32
      %dma_wait3A_372 = arith.constant 0 : i32
      %dma_wait3A_373 = tpu.memref_slice %arg8[%dma_wait3A_370, %dma_wait3A_371, %dma_wait3A_372] : memref<8x128x32xf32, #tpu.memory_space<vmem>> -> memref<1x128x32xf32, #tpu.memory_space<vmem>>
      %dma_wait3A_374 = tpu.memref_squeeze %dma_wait3A_373 : memref<1x128x32xf32, #tpu.memory_space<vmem>> -> memref<128x32xf32, #tpu.memory_space<vmem>>
      %dma_wait3A_375 = arith.constant 0 : i32
      %dma_wait3A_376 = tpu.memref_slice %arg7[%add3A_216, %dma_wait3A_375] : memref<80x128xi32, #tpu.memory_space<vmem>> -> memref<1x128xi32, #tpu.memory_space<vmem>>
      %dma_wait3A_377 = tpu.memref_squeeze %dma_wait3A_376 : memref<1x128xi32, #tpu.memory_space<vmem>> -> memref<128xi32, #tpu.memory_space<vmem>>
      %dma_wait3A_378 = arith.constant 0 : i32
      %dma_wait3A_379 = arith.constant 0 : i32
      %dma_wait3A_380 = tpu.memref_slice %arg10[%dma_wait3A_378, %dma_wait3A_379] : memref<10240x32xf32, #tpu.memory_space<vmem_shared>> -> memref<10240x32xf32, #tpu.memory_space<vmem_shared>>
      tpu.wait_indirect_dma semaphore(%arg21 : memref<!tpu.dma_semaphore, #tpu.memory_space<semaphore_mem>>) src(%dma_wait3A_374 : memref<128x32xf32, #tpu.memory_space<vmem>>) dst(%dma_wait3A_380 : memref<10240x32xf32, #tpu.memory_space<vmem_shared>>)
      %dma_wait3A_381 = arith.constant 3 : i32
      %dma_wait3A_382 = arith.constant 0 : i32
      %dma_wait3A_383 = arith.constant 0 : i32
      %dma_wait3A_384 = tpu.memref_slice %arg8[%dma_wait3A_381, %dma_wait3A_382, %dma_wait3A_383] : memref<8x128x32xf32, #tpu.memory_space<vmem>> -> memref<1x128x32xf32, #tpu.memory_space<vmem>>
      %dma_wait3A_385 = tpu.memref_squeeze %dma_wait3A_384 : memref<1x128x32xf32, #tpu.memory_space<vmem>> -> memref<128x32xf32, #tpu.memory_space<vmem>>
      %dma_wait3A_386 = arith.constant 0 : i32
      %dma_wait3A_387 = tpu.memref_slice %arg7[%add3A_240, %dma_wait3A_386] : memref<80x128xi32, #tpu.memory_space<vmem>> -> memref<1x128xi32, #tpu.memory_space<vmem>>
      %dma_wait3A_388 = tpu.memref_squeeze %dma_wait3A_387 : memref<1x128xi32, #tpu.memory_space<vmem>> -> memref<128xi32, #tpu.memory_space<vmem>>
      %dma_wait3A_389 = arith.constant 0 : i32
      %dma_wait3A_390 = arith.constant 0 : i32
      %dma_wait3A_391 = tpu.memref_slice %arg10[%dma_wait3A_389, %dma_wait3A_390] : memref<10240x32xf32, #tpu.memory_space<vmem_shared>> -> memref<10240x32xf32, #tpu.memory_space<vmem_shared>>
      tpu.wait_indirect_dma semaphore(%arg22 : memref<!tpu.dma_semaphore, #tpu.memory_space<semaphore_mem>>) src(%dma_wait3A_385 : memref<128x32xf32, #tpu.memory_space<vmem>>) dst(%dma_wait3A_391 : memref<10240x32xf32, #tpu.memory_space<vmem_shared>>)
      %dma_wait3A_392 = arith.constant 4 : i32
      %dma_wait3A_393 = arith.constant 0 : i32
      %dma_wait3A_394 = arith.constant 0 : i32
      %dma_wait3A_395 = tpu.memref_slice %arg8[%dma_wait3A_392, %dma_wait3A_393, %dma_wait3A_394] : memref<8x128x32xf32, #tpu.memory_space<vmem>> -> memref<1x128x32xf32, #tpu.memory_space<vmem>>
      %dma_wait3A_396 = tpu.memref_squeeze %dma_wait3A_395 : memref<1x128x32xf32, #tpu.memory_space<vmem>> -> memref<128x32xf32, #tpu.memory_space<vmem>>
      %dma_wait3A_397 = arith.constant 0 : i32
      %dma_wait3A_398 = tpu.memref_slice %arg7[%add3A_264, %dma_wait3A_397] : memref<80x128xi32, #tpu.memory_space<vmem>> -> memref<1x128xi32, #tpu.memory_space<vmem>>
      %dma_wait3A_399 = tpu.memref_squeeze %dma_wait3A_398 : memref<1x128xi32, #tpu.memory_space<vmem>> -> memref<128xi32, #tpu.memory_space<vmem>>
      %dma_wait3A_400 = arith.constant 0 : i32
      %dma_wait3A_401 = arith.constant 0 : i32
      %dma_wait3A_402 = tpu.memref_slice %arg10[%dma_wait3A_400, %dma_wait3A_401] : memref<10240x32xf32, #tpu.memory_space<vmem_shared>> -> memref<10240x32xf32, #tpu.memory_space<vmem_shared>>
      tpu.wait_indirect_dma semaphore(%arg23 : memref<!tpu.dma_semaphore, #tpu.memory_space<semaphore_mem>>) src(%dma_wait3A_396 : memref<128x32xf32, #tpu.memory_space<vmem>>) dst(%dma_wait3A_402 : memref<10240x32xf32, #tpu.memory_space<vmem_shared>>)
      %dma_wait3A_403 = arith.constant 5 : i32
      %dma_wait3A_404 = arith.constant 0 : i32
      %dma_wait3A_405 = arith.constant 0 : i32
      %dma_wait3A_406 = tpu.memref_slice %arg8[%dma_wait3A_403, %dma_wait3A_404, %dma_wait3A_405] : memref<8x128x32xf32, #tpu.memory_space<vmem>> -> memref<1x128x32xf32, #tpu.memory_space<vmem>>
      %dma_wait3A_407 = tpu.memref_squeeze %dma_wait3A_406 : memref<1x128x32xf32, #tpu.memory_space<vmem>> -> memref<128x32xf32, #tpu.memory_space<vmem>>
      %dma_wait3A_408 = arith.constant 0 : i32
      %dma_wait3A_409 = tpu.memref_slice %arg7[%add3A_288, %dma_wait3A_408] : memref<80x128xi32, #tpu.memory_space<vmem>> -> memref<1x128xi32, #tpu.memory_space<vmem>>
      %dma_wait3A_410 = tpu.memref_squeeze %dma_wait3A_409 : memref<1x128xi32, #tpu.memory_space<vmem>> -> memref<128xi32, #tpu.memory_space<vmem>>
      %dma_wait3A_411 = arith.constant 0 : i32
      %dma_wait3A_412 = arith.constant 0 : i32
      %dma_wait3A_413 = tpu.memref_slice %arg10[%dma_wait3A_411, %dma_wait3A_412] : memref<10240x32xf32, #tpu.memory_space<vmem_shared>> -> memref<10240x32xf32, #tpu.memory_space<vmem_shared>>
      tpu.wait_indirect_dma semaphore(%arg24 : memref<!tpu.dma_semaphore, #tpu.memory_space<semaphore_mem>>) src(%dma_wait3A_407 : memref<128x32xf32, #tpu.memory_space<vmem>>) dst(%dma_wait3A_413 : memref<10240x32xf32, #tpu.memory_space<vmem_shared>>)
      %dma_wait3A_414 = arith.constant 6 : i32
      %dma_wait3A_415 = arith.constant 0 : i32
      %dma_wait3A_416 = arith.constant 0 : i32
      %dma_wait3A_417 = tpu.memref_slice %arg8[%dma_wait3A_414, %dma_wait3A_415, %dma_wait3A_416] : memref<8x128x32xf32, #tpu.memory_space<vmem>> -> memref<1x128x32xf32, #tpu.memory_space<vmem>>
      %dma_wait3A_418 = tpu.memref_squeeze %dma_wait3A_417 : memref<1x128x32xf32, #tpu.memory_space<vmem>> -> memref<128x32xf32, #tpu.memory_space<vmem>>
      %dma_wait3A_419 = arith.constant 0 : i32
      %dma_wait3A_420 = tpu.memref_slice %arg7[%add3A_312, %dma_wait3A_419] : memref<80x128xi32, #tpu.memory_space<vmem>> -> memref<1x128xi32, #tpu.memory_space<vmem>>
      %dma_wait3A_421 = tpu.memref_squeeze %dma_wait3A_420 : memref<1x128xi32, #tpu.memory_space<vmem>> -> memref<128xi32, #tpu.memory_space<vmem>>
      %dma_wait3A_422 = arith.constant 0 : i32
      %dma_wait3A_423 = arith.constant 0 : i32
      %dma_wait3A_424 = tpu.memref_slice %arg10[%dma_wait3A_422, %dma_wait3A_423] : memref<10240x32xf32, #tpu.memory_space<vmem_shared>> -> memref<10240x32xf32, #tpu.memory_space<vmem_shared>>
      tpu.wait_indirect_dma semaphore(%arg25 : memref<!tpu.dma_semaphore, #tpu.memory_space<semaphore_mem>>) src(%dma_wait3A_418 : memref<128x32xf32, #tpu.memory_space<vmem>>) dst(%dma_wait3A_424 : memref<10240x32xf32, #tpu.memory_space<vmem_shared>>)
      %dma_wait3A_425 = arith.constant 7 : i32
      %dma_wait3A_426 = arith.constant 0 : i32
      %dma_wait3A_427 = arith.constant 0 : i32
      %dma_wait3A_428 = tpu.memref_slice %arg8[%dma_wait3A_425, %dma_wait3A_426, %dma_wait3A_427] : memref<8x128x32xf32, #tpu.memory_space<vmem>> -> memref<1x128x32xf32, #tpu.memory_space<vmem>>
      %dma_wait3A_429 = tpu.memref_squeeze %dma_wait3A_428 : memref<1x128x32xf32, #tpu.memory_space<vmem>> -> memref<128x32xf32, #tpu.memory_space<vmem>>
      %dma_wait3A_430 = arith.constant 0 : i32
      %dma_wait3A_431 = tpu.memref_slice %arg7[%add3A_336, %dma_wait3A_430] : memref<80x128xi32, #tpu.memory_space<vmem>> -> memref<1x128xi32, #tpu.memory_space<vmem>>
      %dma_wait3A_432 = tpu.memref_squeeze %dma_wait3A_431 : memref<1x128xi32, #tpu.memory_space<vmem>> -> memref<128xi32, #tpu.memory_space<vmem>>
      %dma_wait3A_433 = arith.constant 0 : i32
      %dma_wait3A_434 = arith.constant 0 : i32
      %dma_wait3A_435 = tpu.memref_slice %arg10[%dma_wait3A_433, %dma_wait3A_434] : memref<10240x32xf32, #tpu.memory_space<vmem_shared>> -> memref<10240x32xf32, #tpu.memory_space<vmem_shared>>
      tpu.wait_indirect_dma semaphore(%arg26 : memref<!tpu.dma_semaphore, #tpu.memory_space<semaphore_mem>>) src(%dma_wait3A_429 : memref<128x32xf32, #tpu.memory_space<vmem>>) dst(%dma_wait3A_435 : memref<10240x32xf32, #tpu.memory_space<vmem_shared>>)
    }
    %scan3A_41 = arith.constant 10 : i32
    %barrier3A_42 = arith.constant 0 : index
    tpu.barrier barrier_id(%barrier3A_42)
    %mul3A_43 = arith.constant 640 : i32
    %mul3A_44 = arith.muli %arg1, %mul3A_43 : i32
    "tpu.region"() ({
      %run_scoped3A = tpu.sem_alloc : memref<!tpu.dma_semaphore, #tpu.memory_space<semaphore_mem>>
      %dma_start3A_47 = arith.constant 0 : i32
      %dma_start3A_48 = tpu.memref_slice %arg10[%mul3A_44, %dma_start3A_47] : memref<10240x32xf32, #tpu.memory_space<vmem_shared>> -> memref<640x32xf32, #tpu.memory_space<vmem_shared>>
      %dma_start3A_49 = arith.constant 0 : i32
      %dma_start3A_50 = tpu.memref_slice %arg10[%mul3A_44, %dma_start3A_49] : memref<10240x32xf32, #tpu.memory_space<vmem_shared>> -> memref<640x32xf32, #tpu.memory_space<vmem_shared>>
      tpu.enqueue_dma source(%dma_start3A_50 : memref<640x32xf32, #tpu.memory_space<vmem_shared>>) target(%arg9 : memref<640x32xf32, #tpu.memory_space<vmem>>) target_semaphore(%run_scoped3A : memref<!tpu.dma_semaphore, #tpu.memory_space<semaphore_mem>>)
      %dma_wait3A_51 = arith.constant 0 : i32
      %dma_wait3A_52 = tpu.memref_slice %arg10[%mul3A_44, %dma_wait3A_51] : memref<10240x32xf32, #tpu.memory_space<vmem_shared>> -> memref<640x32xf32, #tpu.memory_space<vmem_shared>>
      %dma_wait3A_53 = arith.constant 0 : i32
      %dma_wait3A_54 = tpu.memref_slice %arg10[%mul3A_44, %dma_wait3A_53] : memref<10240x32xf32, #tpu.memory_space<vmem_shared>> -> memref<640x32xf32, #tpu.memory_space<vmem_shared>>
      tpu.wait_dma2 semaphore(%run_scoped3A : memref<!tpu.dma_semaphore, #tpu.memory_space<semaphore_mem>>) src(%dma_wait3A_54 : memref<640x32xf32, #tpu.memory_space<vmem_shared>>) dst(%arg9 : memref<640x32xf32, #tpu.memory_space<vmem>>)
      tpu.yield
    }) : () -> ()
    %mul3A_45 = arith.constant 640 : i32
    %mul3A_46 = arith.muli %arg1, %mul3A_45 : i32
    "tpu.region"() ({
      %run_scoped3A = tpu.sem_alloc : memref<!tpu.dma_semaphore, #tpu.memory_space<semaphore_mem>>
      %dma_start3A_47 = arith.constant 0 : i32
      %dma_start3A_48 = tpu.memref_slice %arg5[%arg0, %mul3A_46, %dma_start3A_47] : memref<2x10240x32xf32, #tpu.memory_space<hbm>> -> memref<1x640x32xf32, #tpu.memory_space<hbm>>
      %dma_start3A_49 = tpu.memref_squeeze %dma_start3A_48 : memref<1x640x32xf32, #tpu.memory_space<hbm>> -> memref<640x32xf32, #tpu.memory_space<hbm>>
      %dma_start3A_50 = arith.constant 0 : i32
      %dma_start3A_51 = tpu.memref_slice %arg5[%arg0, %mul3A_46, %dma_start3A_50] : memref<2x10240x32xf32, #tpu.memory_space<hbm>> -> memref<1x640x32xf32, #tpu.memory_space<hbm>>
      %dma_start3A_52 = tpu.memref_squeeze %dma_start3A_51 : memref<1x640x32xf32, #tpu.memory_space<hbm>> -> memref<640x32xf32, #tpu.memory_space<hbm>>
      tpu.enqueue_dma source(%arg9 : memref<640x32xf32, #tpu.memory_space<vmem>>) target(%dma_start3A_52 : memref<640x32xf32, #tpu.memory_space<hbm>>) target_semaphore(%run_scoped3A : memref<!tpu.dma_semaphore, #tpu.memory_space<semaphore_mem>>)
      %dma_wait3A_53 = arith.constant 0 : i32
      %dma_wait3A_54 = tpu.memref_slice %arg5[%arg0, %mul3A_46, %dma_wait3A_53] : memref<2x10240x32xf32, #tpu.memory_space<hbm>> -> memref<1x640x32xf32, #tpu.memory_space<hbm>>
      %dma_wait3A_55 = tpu.memref_squeeze %dma_wait3A_54 : memref<1x640x32xf32, #tpu.memory_space<hbm>> -> memref<640x32xf32, #tpu.memory_space<hbm>>
      %dma_wait3A_56 = arith.constant 0 : i32
      %dma_wait3A_57 = tpu.memref_slice %arg5[%arg0, %mul3A_46, %dma_wait3A_56] : memref<2x10240x32xf32, #tpu.memory_space<hbm>> -> memref<1x640x32xf32, #tpu.memory_space<hbm>>
      %dma_wait3A_58 = tpu.memref_squeeze %dma_wait3A_57 : memref<1x640x32xf32, #tpu.memory_space<hbm>> -> memref<640x32xf32, #tpu.memory_space<hbm>>
      tpu.wait_dma2 semaphore(%run_scoped3A : memref<!tpu.dma_semaphore, #tpu.memory_space<semaphore_mem>>) src(%arg9 : memref<640x32xf32, #tpu.memory_space<vmem>>) dst(%dma_wait3A_58 : memref<640x32xf32, #tpu.memory_space<hbm>>)
      tpu.yield
    }) : () -> ()
    return
  }
}

module attributes {stable_mosaic.version = 14 : i64} {
  func.func @_layer_body(%arg0: memref<2x1280x128xf32, #tpu.memory_space<vmem>>, %arg1: memref<1280x128xf32, #tpu.memory_space<vmem>>, %arg2: memref<1250x128xf32, #tpu.memory_space<vmem>>, %arg3: memref<2500x128xf32, #tpu.memory_space<vmem>>, %arg4: memref<16x32xf32, #tpu.memory_space<vmem>>, %arg5: memref<1x16xf32, #tpu.memory_space<vmem>>, %arg6: memref<2560x128xf32, #tpu.memory_space<vmem>>) attributes {dimension_semantics = [], scalar_prefetch = 0 : i64, scratch_operands = 0 : i64, tpu.core_type = #tpu.core_type<tc>} {
    %get3A = arith.constant 0 : index
    %get3A_0 = arith.constant 0 : index
    %get3A_1 = arith.constant 0 : index
    %get3A_2 = vector.load %arg0[%get3A, %get3A_0, %get3A_1] : memref<2x1280x128xf32, #tpu.memory_space<vmem>>, vector<1x1250x128xf32>
    %get3A_3 = vector.shape_cast %get3A_2 : vector<1x1250x128xf32> to vector<1250x128xf32>
    %get3A_4 = arith.constant 1 : index
    %get3A_5 = arith.constant 0 : index
    %get3A_6 = arith.constant 0 : index
    %get3A_7 = vector.load %arg0[%get3A_4, %get3A_5, %get3A_6] : memref<2x1280x128xf32, #tpu.memory_space<vmem>>, vector<1x1250x128xf32>
    %get3A_8 = vector.shape_cast %get3A_7 : vector<1x1250x128xf32> to vector<1250x128xf32>
    %add3A = arith.addf %get3A_3, %get3A_8 : vector<1250x128xf32>
    %get3A_9 = arith.constant 0 : index
    %get3A_10 = arith.constant 0 : index
    %get3A_11 = vector.load %arg1[%get3A_9, %get3A_10] : memref<1280x128xf32, #tpu.memory_space<vmem>>, vector<1250x128xf32>
    %add3A_12 = arith.addf %add3A, %get3A_11 : vector<1250x128xf32>
    %get3A_13 = arith.constant 0 : index
    %get3A_14 = arith.constant 0 : index
    %get3A_15 = vector.load %arg5[%get3A_13, %get3A_14] : memref<1x16xf32, #tpu.memory_space<vmem>>, vector<1x16xf32>
    %broadcast_in_dim3A = vector.shape_cast %get3A_15 : vector<1x16xf32> to vector<1x1x16xf32>
    %broadcast_in_dim3A_16 = vector.shape_cast %broadcast_in_dim3A : vector<1x1x16xf32> to vector<1x1x16xf32>
    %broadcast_in_dim3A_17 = vector.broadcast %broadcast_in_dim3A_16 : vector<1x1x16xf32> to vector<1x8x16xf32>
    %reshape3A = vector.shape_cast %broadcast_in_dim3A_17 : vector<1x8x16xf32> to vector<1x128xf32>
    %get3A_18 = arith.constant 0 : index
    %get3A_19 = arith.constant 0 : index
    %get3A_20 = vector.load %arg2[%get3A_18, %get3A_19] : memref<1250x128xf32, #tpu.memory_space<vmem>>, vector<1250x128xf32>
    %mul3A = arith.mulf %add3A_12, %get3A_20 : vector<1250x128xf32>
    %add3A_21 = vector.broadcast %reshape3A : vector<1x128xf32> to vector<1250x128xf32>
    %add3A_22 = arith.addf %mul3A, %add3A_21 : vector<1250x128xf32>
    %max3A = arith.constant 0.000000e+00 : f32
    %max3A_23 = vector.broadcast %max3A : f32 to vector<1250x128xf32>
    %max3A_24 = arith.maximumf %add3A_22, %max3A_23 : vector<1250x128xf32>
    %get3A_25 = arith.constant 0 : index
    %get3A_26 = arith.constant 0 : index
    %get3A_27 = vector.load %arg4[%get3A_25, %get3A_26] : memref<16x32xf32, #tpu.memory_space<vmem>>, vector<16x32xf32>
    %broadcast_in_dim3A_28 = vector.shape_cast %get3A_27 : vector<16x32xf32> to vector<16x1x32xf32>
    %broadcast_in_dim3A_29 = vector.shape_cast %broadcast_in_dim3A_28 : vector<16x1x32xf32> to vector<16x1x32xf32>
    %broadcast_in_dim3A_30 = vector.broadcast %broadcast_in_dim3A_29 : vector<16x1x32xf32> to vector<16x8x32xf32>
    %reshape3A_31 = vector.shape_cast %broadcast_in_dim3A_30 : vector<16x8x32xf32> to vector<16x256xf32>
    %concatenate3A = tpu.concatenate %reshape3A_31, %reshape3A_31, %reshape3A_31, %reshape3A_31, %reshape3A_31, %reshape3A_31, %reshape3A_31, %reshape3A_31 in 0 : vector<16x256xf32>, vector<16x256xf32>, vector<16x256xf32>, vector<16x256xf32>, vector<16x256xf32>, vector<16x256xf32>, vector<16x256xf32>, vector<16x256xf32> -> vector<128x256xf32>
    %iota3A = tpu.iota {dimensions = array<i32: 0>} : vector<128x256xi32>
    %iota3A_32 = tpu.iota {dimensions = array<i32: 1>} : vector<128x256xi32>
    %jit3A = arith.constant 16 : i32
    %div3A = vector.broadcast %jit3A : i32 to vector<128x256xi32>
    %div3A_33 = arith.divsi %iota3A, %div3A : vector<128x256xi32>
    %sign3A = arith.constant 0 : i32
    %sign3A_34 = vector.broadcast %sign3A : i32 to vector<128x256xi32>
    %sign3A_35 = arith.cmpi sgt, %iota3A, %sign3A_34 : vector<128x256xi32>
    %sign3A_36 = arith.extui %sign3A_35 : vector<128x256xi1> to vector<128x256xi32>
    %sign3A_37 = arith.constant 0 : i32
    %sign3A_38 = vector.broadcast %sign3A_37 : i32 to vector<128x256xi32>
    %sign3A_39 = arith.cmpi slt, %iota3A, %sign3A_38 : vector<128x256xi32>
    %sign3A_40 = arith.extui %sign3A_39 : vector<128x256xi1> to vector<128x256xi32>
    %sign3A_41 = arith.subi %sign3A_36, %sign3A_40 : vector<128x256xi32>
    %sign3A_42 = arith.constant 0 : i32
    %sign3A_43 = arith.cmpi sgt, %jit3A, %sign3A_42 : i32
    %sign3A_44 = arith.extui %sign3A_43 : i1 to i32
    %sign3A_45 = arith.constant 0 : i32
    %sign3A_46 = arith.cmpi slt, %jit3A, %sign3A_45 : i32
    %sign3A_47 = arith.extui %sign3A_46 : i1 to i32
    %sign3A_48 = arith.subi %sign3A_44, %sign3A_47 : i32
    %ne3A = vector.broadcast %sign3A_48 : i32 to vector<128x256xi32>
    %ne3A_49 = arith.cmpi ne, %sign3A_41, %ne3A : vector<128x256xi32>
    %rem3A = vector.broadcast %jit3A : i32 to vector<128x256xi32>
    %rem3A_50 = arith.remsi %iota3A, %rem3A : vector<128x256xi32>
    %ne3A_51 = arith.constant 0 : i32
    %ne3A_52 = vector.broadcast %ne3A_51 : i32 to vector<128x256xi32>
    %ne3A_53 = arith.cmpi ne, %rem3A_50, %ne3A_52 : vector<128x256xi32>
    %and3A = arith.andi %ne3A_49, %ne3A_53 : vector<128x256xi1>
    %sub3A = arith.constant 1 : i32
    %sub3A_54 = vector.broadcast %sub3A : i32 to vector<128x256xi32>
    %sub3A_55 = arith.subi %div3A_33, %sub3A_54 : vector<128x256xi32>
    %select_n3A = arith.select %and3A, %sub3A_55, %div3A_33 : vector<128x256xi1>, vector<128x256xi32>
    %jit3A_56 = arith.constant 32 : i32
    %div3A_57 = vector.broadcast %jit3A_56 : i32 to vector<128x256xi32>
    %div3A_58 = arith.divsi %iota3A_32, %div3A_57 : vector<128x256xi32>
    %sign3A_59 = arith.constant 0 : i32
    %sign3A_60 = vector.broadcast %sign3A_59 : i32 to vector<128x256xi32>
    %sign3A_61 = arith.cmpi sgt, %iota3A_32, %sign3A_60 : vector<128x256xi32>
    %sign3A_62 = arith.extui %sign3A_61 : vector<128x256xi1> to vector<128x256xi32>
    %sign3A_63 = arith.constant 0 : i32
    %sign3A_64 = vector.broadcast %sign3A_63 : i32 to vector<128x256xi32>
    %sign3A_65 = arith.cmpi slt, %iota3A_32, %sign3A_64 : vector<128x256xi32>
    %sign3A_66 = arith.extui %sign3A_65 : vector<128x256xi1> to vector<128x256xi32>
    %sign3A_67 = arith.subi %sign3A_62, %sign3A_66 : vector<128x256xi32>
    %sign3A_68 = arith.constant 0 : i32
    %sign3A_69 = arith.cmpi sgt, %jit3A_56, %sign3A_68 : i32
    %sign3A_70 = arith.extui %sign3A_69 : i1 to i32
    %sign3A_71 = arith.constant 0 : i32
    %sign3A_72 = arith.cmpi slt, %jit3A_56, %sign3A_71 : i32
    %sign3A_73 = arith.extui %sign3A_72 : i1 to i32
    %sign3A_74 = arith.subi %sign3A_70, %sign3A_73 : i32
    %ne3A_75 = vector.broadcast %sign3A_74 : i32 to vector<128x256xi32>
    %ne3A_76 = arith.cmpi ne, %sign3A_67, %ne3A_75 : vector<128x256xi32>
    %rem3A_77 = vector.broadcast %jit3A_56 : i32 to vector<128x256xi32>
    %rem3A_78 = arith.remsi %iota3A_32, %rem3A_77 : vector<128x256xi32>
    %ne3A_79 = arith.constant 0 : i32
    %ne3A_80 = vector.broadcast %ne3A_79 : i32 to vector<128x256xi32>
    %ne3A_81 = arith.cmpi ne, %rem3A_78, %ne3A_80 : vector<128x256xi32>
    %and3A_82 = arith.andi %ne3A_76, %ne3A_81 : vector<128x256xi1>
    %sub3A_83 = arith.constant 1 : i32
    %sub3A_84 = vector.broadcast %sub3A_83 : i32 to vector<128x256xi32>
    %sub3A_85 = arith.subi %div3A_58, %sub3A_84 : vector<128x256xi32>
    %select_n3A_86 = arith.select %and3A_82, %sub3A_85, %div3A_58 : vector<128x256xi1>, vector<128x256xi32>
    %eq3A = arith.cmpi eq, %select_n3A, %select_n3A_86 : vector<128x256xi32>
    %jit3A_87 = arith.constant 0.000000e+00 : f32
    %broadcast_in_dim3A_88 = vector.broadcast %jit3A_87 : f32 to vector<128x256xf32>
    %select_n3A_89 = arith.select %eq3A, %concatenate3A, %broadcast_in_dim3A_88 : vector<128x256xi1>, vector<128x256xf32>
    %dot_general3A = arith.constant dense<0.000000e+00> : vector<1250x256xf32>
    %dot_general3A_90 = tpu.matmul %max3A_24, %select_n3A_89, %dot_general3A {dimension_numbers = #tpu.dot_dimension_numbers<[1], [0], [0], [1], [0, 0, 1, 1], [], []>, transpose_lhs_hint = false} : vector<1250x128xf32>, vector<128x256xf32>, vector<1250x256xf32> -> vector<1250x256xf32>
    %reshape3A_91 = vector.shape_cast %dot_general3A_90 : vector<1250x256xf32> to vector<2500x128xf32>
    %get3A_92 = arith.constant 0 : index
    %get3A_93 = arith.constant 0 : index
    %get3A_94 = vector.load %arg3[%get3A_92, %get3A_93] : memref<2500x128xf32, #tpu.memory_space<vmem>>, vector<2500x128xf32>
    %mul3A_95 = arith.mulf %reshape3A_91, %get3A_94 : vector<2500x128xf32>
    %swap3A = arith.constant 0 : index
    %swap3A_96 = arith.constant 0 : index
    %swap3A_97 = vector.load %arg6[%swap3A, %swap3A_96] : memref<2560x128xf32, #tpu.memory_space<vmem>>, vector<2500x128xf32>
    tpu.vector_store %arg6[%swap3A, %swap3A_96], %mul3A_95 {strides = array<i32>} : memref<2560x128xf32, #tpu.memory_space<vmem>>, vector<2500x128xf32>,
    %broadcast_in_dim3A_98 = arith.constant 0.000000e+00 : f32
    %broadcast_in_dim3A_99 = vector.broadcast %broadcast_in_dim3A_98 : f32 to vector<60x128xf32>
    %swap3A_100 = arith.constant 2500 : index
    %swap3A_101 = arith.constant 0 : index
    %swap3A_102 = vector.load %arg6[%swap3A_100, %swap3A_101] : memref<2560x128xf32, #tpu.memory_space<vmem>>, vector<60x128xf32>
    tpu.vector_store %arg6[%swap3A_100, %swap3A_101], %broadcast_in_dim3A_99 {strides = array<i32>} : memref<2560x128xf32, #tpu.memory_space<vmem>>, vector<60x128xf32>,
    return
  }
}

module attributes {stable_mosaic.version = 14 : i64} {
  func.func @_pre_body(%arg0: memref<2x80x128xf32, #tpu.memory_space<vmem>>, %arg1: memref<10000x128xf32, #tpu.memory_space<vmem>>, %arg2: memref<128x16xf32, #tpu.memory_space<vmem>>, %arg3: memref<1280x128xf32, #tpu.memory_space<vmem>>, %arg4: memref<1250x128xf32, #tpu.memory_space<vmem>>, %arg5: memref<2500x128xf32, #tpu.memory_space<vmem>>) attributes {dimension_semantics = [], scalar_prefetch = 0 : i64, scratch_operands = 0 : i64, tpu.core_type = #tpu.core_type<tc>} {
    %get3A = arith.constant 0 : index
    %get3A_0 = arith.constant 0 : index
    %get3A_1 = arith.constant 0 : index
    %get3A_2 = vector.load %arg0[%get3A, %get3A_0, %get3A_1] : memref<2x80x128xf32, #tpu.memory_space<vmem>>, vector<1x80x128xf32>
    %get3A_3 = vector.shape_cast %get3A_2 : vector<1x80x128xf32> to vector<80x128xf32>
    %get3A_4 = arith.constant 1 : index
    %get3A_5 = arith.constant 0 : index
    %get3A_6 = arith.constant 0 : index
    %get3A_7 = vector.load %arg0[%get3A_4, %get3A_5, %get3A_6] : memref<2x80x128xf32, #tpu.memory_space<vmem>>, vector<1x80x128xf32>
    %get3A_8 = vector.shape_cast %get3A_7 : vector<1x80x128xf32> to vector<80x128xf32>
    %add3A = arith.addf %get3A_3, %get3A_8 : vector<80x128xf32>
    %add3A_9 = arith.constant 1.000000e+00 : f32
    %add3A_10 = vector.broadcast %add3A_9 : f32 to vector<80x128xf32>
    %add3A_11 = arith.addf %add3A, %add3A_10 : vector<80x128xf32>
    %rsqrt3A = math.rsqrt %add3A_11 : vector<80x128xf32>
    %iota3A = tpu.iota {dimensions = array<i32: 0>} : vector<128x2048xi32>
    %iota3A_12 = tpu.iota {dimensions = array<i32: 1>} : vector<128x2048xi32>
    %jit3A = arith.constant 16 : i32
    %div3A = vector.broadcast %jit3A : i32 to vector<128x2048xi32>
    %div3A_13 = arith.divsi %iota3A_12, %div3A : vector<128x2048xi32>
    %sign3A = arith.constant 0 : i32
    %sign3A_14 = vector.broadcast %sign3A : i32 to vector<128x2048xi32>
    %sign3A_15 = arith.cmpi sgt, %iota3A_12, %sign3A_14 : vector<128x2048xi32>
    %sign3A_16 = arith.extui %sign3A_15 : vector<128x2048xi1> to vector<128x2048xi32>
    %sign3A_17 = arith.constant 0 : i32
    %sign3A_18 = vector.broadcast %sign3A_17 : i32 to vector<128x2048xi32>
    %sign3A_19 = arith.cmpi slt, %iota3A_12, %sign3A_18 : vector<128x2048xi32>
    %sign3A_20 = arith.extui %sign3A_19 : vector<128x2048xi1> to vector<128x2048xi32>
    %sign3A_21 = arith.subi %sign3A_16, %sign3A_20 : vector<128x2048xi32>
    %sign3A_22 = arith.constant 0 : i32
    %sign3A_23 = arith.cmpi sgt, %jit3A, %sign3A_22 : i32
    %sign3A_24 = arith.extui %sign3A_23 : i1 to i32
    %sign3A_25 = arith.constant 0 : i32
    %sign3A_26 = arith.cmpi slt, %jit3A, %sign3A_25 : i32
    %sign3A_27 = arith.extui %sign3A_26 : i1 to i32
    %sign3A_28 = arith.subi %sign3A_24, %sign3A_27 : i32
    %ne3A = vector.broadcast %sign3A_28 : i32 to vector<128x2048xi32>
    %ne3A_29 = arith.cmpi ne, %sign3A_21, %ne3A : vector<128x2048xi32>
    %rem3A = vector.broadcast %jit3A : i32 to vector<128x2048xi32>
    %rem3A_30 = arith.remsi %iota3A_12, %rem3A : vector<128x2048xi32>
    %ne3A_31 = arith.constant 0 : i32
    %ne3A_32 = vector.broadcast %ne3A_31 : i32 to vector<128x2048xi32>
    %ne3A_33 = arith.cmpi ne, %rem3A_30, %ne3A_32 : vector<128x2048xi32>
    %and3A = arith.andi %ne3A_29, %ne3A_33 : vector<128x2048xi1>
    %sub3A = arith.constant 1 : i32
    %sub3A_34 = vector.broadcast %sub3A : i32 to vector<128x2048xi32>
    %sub3A_35 = arith.subi %div3A_13, %sub3A_34 : vector<128x2048xi32>
    %select_n3A = arith.select %and3A, %sub3A_35, %div3A_13 : vector<128x2048xi1>, vector<128x2048xi32>
    %eq3A = arith.cmpi eq, %iota3A, %select_n3A : vector<128x2048xi32>
    %convert_element_type3A = arith.extui %eq3A : vector<128x2048xi1> to vector<128x2048xi32>
    %convert_element_type3A_36 = arith.sitofp %convert_element_type3A : vector<128x2048xi32> to vector<128x2048xf32>
    %dot_general3A = arith.constant dense<0.000000e+00> : vector<80x2048xf32>
    %dot_general3A_37 = tpu.matmul %rsqrt3A, %convert_element_type3A_36, %dot_general3A {dimension_numbers = #tpu.dot_dimension_numbers<[1], [0], [0], [1], [0, 0, 1, 1], [], []>, transpose_lhs_hint = false} : vector<80x128xf32>, vector<128x2048xf32>, vector<80x2048xf32> -> vector<80x2048xf32>
    %reshape3A = vector.shape_cast %dot_general3A_37 : vector<80x2048xf32> to vector<1280x128xf32>
    %slice3A = vector.extract_strided_slice %reshape3A {offsets = [0, 0], sizes = [1250, 128], strides = [1, 1]} : vector<1280x128xf32> to vector<1250x128xf32>
    %iota3A_38 = tpu.iota {dimensions = array<i32: 0>} : vector<128x4096xi32>
    %iota3A_39 = tpu.iota {dimensions = array<i32: 1>} : vector<128x4096xi32>
    %jit3A_40 = arith.constant 32 : i32
    %div3A_41 = vector.broadcast %jit3A_40 : i32 to vector<128x4096xi32>
    %div3A_42 = arith.divsi %iota3A_39, %div3A_41 : vector<128x4096xi32>
    %sign3A_43 = arith.constant 0 : i32
    %sign3A_44 = vector.broadcast %sign3A_43 : i32 to vector<128x4096xi32>
    %sign3A_45 = arith.cmpi sgt, %iota3A_39, %sign3A_44 : vector<128x4096xi32>
    %sign3A_46 = arith.extui %sign3A_45 : vector<128x4096xi1> to vector<128x4096xi32>
    %sign3A_47 = arith.constant 0 : i32
    %sign3A_48 = vector.broadcast %sign3A_47 : i32 to vector<128x4096xi32>
    %sign3A_49 = arith.cmpi slt, %iota3A_39, %sign3A_48 : vector<128x4096xi32>
    %sign3A_50 = arith.extui %sign3A_49 : vector<128x4096xi1> to vector<128x4096xi32>
    %sign3A_51 = arith.subi %sign3A_46, %sign3A_50 : vector<128x4096xi32>
    %sign3A_52 = arith.constant 0 : i32
    %sign3A_53 = arith.cmpi sgt, %jit3A_40, %sign3A_52 : i32
    %sign3A_54 = arith.extui %sign3A_53 : i1 to i32
    %sign3A_55 = arith.constant 0 : i32
    %sign3A_56 = arith.cmpi slt, %jit3A_40, %sign3A_55 : i32
    %sign3A_57 = arith.extui %sign3A_56 : i1 to i32
    %sign3A_58 = arith.subi %sign3A_54, %sign3A_57 : i32
    %ne3A_59 = vector.broadcast %sign3A_58 : i32 to vector<128x4096xi32>
    %ne3A_60 = arith.cmpi ne, %sign3A_51, %ne3A_59 : vector<128x4096xi32>
    %rem3A_61 = vector.broadcast %jit3A_40 : i32 to vector<128x4096xi32>
    %rem3A_62 = arith.remsi %iota3A_39, %rem3A_61 : vector<128x4096xi32>
    %ne3A_63 = arith.constant 0 : i32
    %ne3A_64 = vector.broadcast %ne3A_63 : i32 to vector<128x4096xi32>
    %ne3A_65 = arith.cmpi ne, %rem3A_62, %ne3A_64 : vector<128x4096xi32>
    %and3A_66 = arith.andi %ne3A_60, %ne3A_65 : vector<128x4096xi1>
    %sub3A_67 = arith.constant 1 : i32
    %sub3A_68 = vector.broadcast %sub3A_67 : i32 to vector<128x4096xi32>
    %sub3A_69 = arith.subi %div3A_42, %sub3A_68 : vector<128x4096xi32>
    %select_n3A_70 = arith.select %and3A_66, %sub3A_69, %div3A_42 : vector<128x4096xi1>, vector<128x4096xi32>
    %eq3A_71 = arith.cmpi eq, %iota3A_38, %select_n3A_70 : vector<128x4096xi32>
    %convert_element_type3A_72 = arith.extui %eq3A_71 : vector<128x4096xi1> to vector<128x4096xi32>
    %convert_element_type3A_73 = arith.sitofp %convert_element_type3A_72 : vector<128x4096xi32> to vector<128x4096xf32>
    %dot_general3A_74 = arith.constant dense<0.000000e+00> : vector<80x4096xf32>
    %dot_general3A_75 = tpu.matmul %rsqrt3A, %convert_element_type3A_73, %dot_general3A_74 {dimension_numbers = #tpu.dot_dimension_numbers<[1], [0], [0], [1], [0, 0, 1, 1], [], []>, transpose_lhs_hint = false} : vector<80x128xf32>, vector<128x4096xf32>, vector<80x4096xf32> -> vector<80x4096xf32>
    %reshape3A_76 = vector.shape_cast %dot_general3A_75 : vector<80x4096xf32> to vector<2560x128xf32>
    %slice3A_77 = vector.extract_strided_slice %reshape3A_76 {offsets = [0, 0], sizes = [2500, 128], strides = [1, 1]} : vector<2560x128xf32> to vector<2500x128xf32>
    %swap3A = arith.constant 0 : index
    %swap3A_78 = arith.constant 0 : index
    %swap3A_79 = vector.load %arg4[%swap3A, %swap3A_78] : memref<1250x128xf32, #tpu.memory_space<vmem>>, vector<1250x128xf32>
    tpu.vector_store %arg4[%swap3A, %swap3A_78], %slice3A {strides = array<i32>} : memref<1250x128xf32, #tpu.memory_space<vmem>>, vector<1250x128xf32>,
    %swap3A_80 = arith.constant 0 : index
    %swap3A_81 = arith.constant 0 : index
    %swap3A_82 = vector.load %arg5[%swap3A_80, %swap3A_81] : memref<2500x128xf32, #tpu.memory_space<vmem>>, vector<2500x128xf32>
    tpu.vector_store %arg5[%swap3A_80, %swap3A_81], %slice3A_77 {strides = array<i32>} : memref<2500x128xf32, #tpu.memory_space<vmem>>, vector<2500x128xf32>,
    %get3A_83 = arith.constant 0 : index
    %get3A_84 = arith.constant 0 : index
    %get3A_85 = vector.load %arg1[%get3A_83, %get3A_84] : memref<10000x128xf32, #tpu.memory_space<vmem>>, vector<10000x128xf32>
    %reshape3A_86 = vector.shape_cast %get3A_85 : vector<10000x128xf32> to vector<1250x1024xf32>
    %get3A_87 = arith.constant 0 : index
    %get3A_88 = arith.constant 0 : index
    %get3A_89 = vector.load %arg2[%get3A_87, %get3A_88] : memref<128x16xf32, #tpu.memory_space<vmem>>, vector<128x16xf32>
    %broadcast_in_dim3A = vector.shape_cast %get3A_89 : vector<128x16xf32> to vector<128x1x16xf32>
    %broadcast_in_dim3A_90 = vector.shape_cast %broadcast_in_dim3A : vector<128x1x16xf32> to vector<128x1x16xf32>
    %broadcast_in_dim3A_91 = vector.broadcast %broadcast_in_dim3A_90 : vector<128x1x16xf32> to vector<128x8x16xf32>
    %reshape3A_92 = vector.shape_cast %broadcast_in_dim3A_91 : vector<128x8x16xf32> to vector<128x128xf32>
    %concatenate3A = tpu.concatenate %reshape3A_92, %reshape3A_92, %reshape3A_92, %reshape3A_92, %reshape3A_92, %reshape3A_92, %reshape3A_92, %reshape3A_92 in 0 : vector<128x128xf32>, vector<128x128xf32>, vector<128x128xf32>, vector<128x128xf32>, vector<128x128xf32>, vector<128x128xf32>, vector<128x128xf32>, vector<128x128xf32> -> vector<1024x128xf32>
    %iota3A_93 = tpu.iota {dimensions = array<i32: 0>} : vector<1024x128xi32>
    %iota3A_94 = tpu.iota {dimensions = array<i32: 1>} : vector<1024x128xi32>
    %jit3A_95 = arith.constant 128 : i32
    %div3A_96 = vector.broadcast %jit3A_95 : i32 to vector<1024x128xi32>
    %div3A_97 = arith.divsi %iota3A_93, %div3A_96 : vector<1024x128xi32>
    %sign3A_98 = arith.constant 0 : i32
    %sign3A_99 = vector.broadcast %sign3A_98 : i32 to vector<1024x128xi32>
    %sign3A_100 = arith.cmpi sgt, %iota3A_93, %sign3A_99 : vector<1024x128xi32>
    %sign3A_101 = arith.extui %sign3A_100 : vector<1024x128xi1> to vector<1024x128xi32>
    %sign3A_102 = arith.constant 0 : i32
    %sign3A_103 = vector.broadcast %sign3A_102 : i32 to vector<1024x128xi32>
    %sign3A_104 = arith.cmpi slt, %iota3A_93, %sign3A_103 : vector<1024x128xi32>
    %sign3A_105 = arith.extui %sign3A_104 : vector<1024x128xi1> to vector<1024x128xi32>
    %sign3A_106 = arith.subi %sign3A_101, %sign3A_105 : vector<1024x128xi32>
    %sign3A_107 = arith.constant 0 : i32
    %sign3A_108 = arith.cmpi sgt, %jit3A_95, %sign3A_107 : i32
    %sign3A_109 = arith.extui %sign3A_108 : i1 to i32
    %sign3A_110 = arith.constant 0 : i32
    %sign3A_111 = arith.cmpi slt, %jit3A_95, %sign3A_110 : i32
    %sign3A_112 = arith.extui %sign3A_111 : i1 to i32
    %sign3A_113 = arith.subi %sign3A_109, %sign3A_112 : i32
    %ne3A_114 = vector.broadcast %sign3A_113 : i32 to vector<1024x128xi32>
    %ne3A_115 = arith.cmpi ne, %sign3A_106, %ne3A_114 : vector<1024x128xi32>
    %rem3A_116 = vector.broadcast %jit3A_95 : i32 to vector<1024x128xi32>
    %rem3A_117 = arith.remsi %iota3A_93, %rem3A_116 : vector<1024x128xi32>
    %ne3A_118 = arith.constant 0 : i32
    %ne3A_119 = vector.broadcast %ne3A_118 : i32 to vector<1024x128xi32>
    %ne3A_120 = arith.cmpi ne, %rem3A_117, %ne3A_119 : vector<1024x128xi32>
    %and3A_121 = arith.andi %ne3A_115, %ne3A_120 : vector<1024x128xi1>
    %sub3A_122 = arith.constant 1 : i32
    %sub3A_123 = vector.broadcast %sub3A_122 : i32 to vector<1024x128xi32>
    %sub3A_124 = arith.subi %div3A_97, %sub3A_123 : vector<1024x128xi32>
    %select_n3A_125 = arith.select %and3A_121, %sub3A_124, %div3A_97 : vector<1024x128xi1>, vector<1024x128xi32>
    %jit3A_126 = arith.constant 16 : i32
    %div3A_127 = vector.broadcast %jit3A_126 : i32 to vector<1024x128xi32>
    %div3A_128 = arith.divsi %iota3A_94, %div3A_127 : vector<1024x128xi32>
    %sign3A_129 = arith.constant 0 : i32
    %sign3A_130 = vector.broadcast %sign3A_129 : i32 to vector<1024x128xi32>
    %sign3A_131 = arith.cmpi sgt, %iota3A_94, %sign3A_130 : vector<1024x128xi32>
    %sign3A_132 = arith.extui %sign3A_131 : vector<1024x128xi1> to vector<1024x128xi32>
    %sign3A_133 = arith.constant 0 : i32
    %sign3A_134 = vector.broadcast %sign3A_133 : i32 to vector<1024x128xi32>
    %sign3A_135 = arith.cmpi slt, %iota3A_94, %sign3A_134 : vector<1024x128xi32>
    %sign3A_136 = arith.extui %sign3A_135 : vector<1024x128xi1> to vector<1024x128xi32>
    %sign3A_137 = arith.subi %sign3A_132, %sign3A_136 : vector<1024x128xi32>
    %sign3A_138 = arith.constant 0 : i32
    %sign3A_139 = arith.cmpi sgt, %jit3A_126, %sign3A_138 : i32
    %sign3A_140 = arith.extui %sign3A_139 : i1 to i32
    %sign3A_141 = arith.constant 0 : i32
    %sign3A_142 = arith.cmpi slt, %jit3A_126, %sign3A_141 : i32
    %sign3A_143 = arith.extui %sign3A_142 : i1 to i32
    %sign3A_144 = arith.subi %sign3A_140, %sign3A_143 : i32
    %ne3A_145 = vector.broadcast %sign3A_144 : i32 to vector<1024x128xi32>
    %ne3A_146 = arith.cmpi ne, %sign3A_137, %ne3A_145 : vector<1024x128xi32>
    %rem3A_147 = vector.broadcast %jit3A_126 : i32 to vector<1024x128xi32>
    %rem3A_148 = arith.remsi %iota3A_94, %rem3A_147 : vector<1024x128xi32>
    %ne3A_149 = arith.constant 0 : i32
    %ne3A_150 = vector.broadcast %ne3A_149 : i32 to vector<1024x128xi32>
    %ne3A_151 = arith.cmpi ne, %rem3A_148, %ne3A_150 : vector<1024x128xi32>
    %and3A_152 = arith.andi %ne3A_146, %ne3A_151 : vector<1024x128xi1>
    %sub3A_153 = arith.constant 1 : i32
    %sub3A_154 = vector.broadcast %sub3A_153 : i32 to vector<1024x128xi32>
    %sub3A_155 = arith.subi %div3A_128, %sub3A_154 : vector<1024x128xi32>
    %select_n3A_156 = arith.select %and3A_152, %sub3A_155, %div3A_128 : vector<1024x128xi1>, vector<1024x128xi32>
    %eq3A_157 = arith.cmpi eq, %select_n3A_125, %select_n3A_156 : vector<1024x128xi32>
    %jit3A_158 = arith.constant 0.000000e+00 : f32
    %broadcast_in_dim3A_159 = vector.broadcast %jit3A_158 : f32 to vector<1024x128xf32>
    %select_n3A_160 = arith.select %eq3A_157, %concatenate3A, %broadcast_in_dim3A_159 : vector<1024x128xi1>, vector<1024x128xf32>
    %dot_general3A_161 = arith.constant dense<0.000000e+00> : vector<1250x128xf32>
    %dot_general3A_162 = tpu.matmul %reshape3A_86, %select_n3A_160, %dot_general3A_161 {dimension_numbers = #tpu.dot_dimension_numbers<[1], [0], [0], [1], [0, 0, 1, 1], [], []>, transpose_lhs_hint = false} : vector<1250x1024xf32>, vector<1024x128xf32>, vector<1250x128xf32> -> vector<1250x128xf32>
    %mul3A = arith.mulf %dot_general3A_162, %slice3A : vector<1250x128xf32>
    %swap3A_163 = arith.constant 0 : index
    %swap3A_164 = arith.constant 0 : index
    %swap3A_165 = vector.load %arg3[%swap3A_163, %swap3A_164] : memref<1280x128xf32, #tpu.memory_space<vmem>>, vector<1250x128xf32>
    tpu.vector_store %arg3[%swap3A_163, %swap3A_164], %mul3A {strides = array<i32>} : memref<1280x128xf32, #tpu.memory_space<vmem>>, vector<1250x128xf32>,
    %broadcast_in_dim3A_166 = arith.constant 0.000000e+00 : f32
    %broadcast_in_dim3A_167 = vector.broadcast %broadcast_in_dim3A_166 : f32 to vector<30x128xf32>
    %swap3A_168 = arith.constant 1250 : index
    %swap3A_169 = arith.constant 0 : index
    %swap3A_170 = vector.load %arg3[%swap3A_168, %swap3A_169] : memref<1280x128xf32, #tpu.memory_space<vmem>>, vector<30x128xf32>
    tpu.vector_store %arg3[%swap3A_168, %swap3A_169], %broadcast_in_dim3A_167 {strides = array<i32>} : memref<1280x128xf32, #tpu.memory_space<vmem>>, vector<30x128xf32>,
    return
  }
}

module attributes {stable_mosaic.version = 14 : i64} {
  func.func @_edges_body(%arg0: memref<2x320000xi32, #tpu.memory_space<vmem>>, %arg1: memref<2560x128xi32, #tpu.memory_space<vmem>>, %arg2: memref<2560x128xi32, #tpu.memory_space<vmem>>) attributes {dimension_semantics = [], scalar_prefetch = 0 : i64, scratch_operands = 0 : i64, tpu.core_type = #tpu.core_type<tc>} {
    %get3A = arith.constant 0 : index
    %get3A_0 = arith.constant 0 : index
    %get3A_1 = vector.load %arg0[%get3A, %get3A_0] : memref<2x320000xi32, #tpu.memory_space<vmem>>, vector<1x320000xi32>
    %reshape3A = vector.shape_cast %get3A_1 : vector<1x320000xi32> to vector<2500x128xi32>
    %swap3A = arith.constant 0 : index
    %swap3A_2 = arith.constant 0 : index
    %swap3A_3 = vector.load %arg1[%swap3A, %swap3A_2] : memref<2560x128xi32, #tpu.memory_space<vmem>>, vector<2500x128xi32>
    tpu.vector_store %arg1[%swap3A, %swap3A_2], %reshape3A {strides = array<i32>} : memref<2560x128xi32, #tpu.memory_space<vmem>>, vector<2500x128xi32>,
    %get3A_4 = arith.constant 1 : index
    %get3A_5 = arith.constant 0 : index
    %get3A_6 = vector.load %arg0[%get3A_4, %get3A_5] : memref<2x320000xi32, #tpu.memory_space<vmem>>, vector<1x320000xi32>
    %reshape3A_7 = vector.shape_cast %get3A_6 : vector<1x320000xi32> to vector<2500x128xi32>
    %swap3A_8 = arith.constant 0 : index
    %swap3A_9 = arith.constant 0 : index
    %swap3A_10 = vector.load %arg2[%swap3A_8, %swap3A_9] : memref<2560x128xi32, #tpu.memory_space<vmem>>, vector<2500x128xi32>
    tpu.vector_store %arg2[%swap3A_8, %swap3A_9], %reshape3A_7 {strides = array<i32>} : memref<2560x128xi32, #tpu.memory_space<vmem>>, vector<2500x128xi32>,
    %iota3A = tpu.iota {dimensions = array<i32: 0>} : vector<60x128xi32>
    %mul3A = arith.constant 128 : i32
    %mul3A_11 = vector.broadcast %mul3A : i32 to vector<60x128xi32>
    %mul3A_12 = arith.muli %iota3A, %mul3A_11 : vector<60x128xi32>
    %iota3A_13 = tpu.iota {dimensions = array<i32: 1>} : vector<60x128xi32>
    %add3A = arith.addi %mul3A_12, %iota3A_13 : vector<60x128xi32>
    %jit3A = arith.constant 240 : i32
    %eq3A = arith.constant 0 : i32
    %eq3A_14 = arith.cmpi eq, %jit3A, %eq3A : i32
    %jit3A_15 = arith.constant 1 : i32
    %select_n3A = arith.select %eq3A_14, %jit3A_15, %jit3A : i32
    %rem3A = vector.broadcast %select_n3A : i32 to vector<60x128xi32>
    %rem3A_16 = arith.remsi %add3A, %rem3A : vector<60x128xi32>
    %ne3A = arith.constant 0 : i32
    %ne3A_17 = vector.broadcast %ne3A : i32 to vector<60x128xi32>
    %ne3A_18 = arith.cmpi ne, %rem3A_16, %ne3A_17 : vector<60x128xi32>
    %lt3A = arith.constant 0 : i32
    %lt3A_19 = vector.broadcast %lt3A : i32 to vector<60x128xi32>
    %lt3A_20 = arith.cmpi slt, %rem3A_16, %lt3A_19 : vector<60x128xi32>
    %lt3A_21 = arith.constant 0 : i32
    %lt3A_22 = arith.cmpi slt, %select_n3A, %lt3A_21 : i32
    %ne3A_23 = vector.broadcast %lt3A_22 : i1 to vector<60x128xi1>
    %ne3A_24 = vector.broadcast %ne3A_23 : vector<60x128xi1> to vector<60x128xi1>
    %ne3A_25 = arith.xori %lt3A_20, %ne3A_24 : vector<60x128xi1>
    %and3A = arith.andi %ne3A_25, %ne3A_18 : vector<60x128xi1>
    %add3A_26 = vector.broadcast %select_n3A : i32 to vector<60x128xi32>
    %add3A_27 = arith.addi %rem3A_16, %add3A_26 : vector<60x128xi32>
    %select_n3A_28 = arith.select %and3A, %add3A_27, %rem3A_16 : vector<60x128xi1>, vector<60x128xi32>
    %add3A_29 = arith.constant 10000 : i32
    %add3A_30 = vector.broadcast %add3A_29 : i32 to vector<60x128xi32>
    %add3A_31 = arith.addi %add3A_30, %select_n3A_28 : vector<60x128xi32>
    %swap3A_32 = arith.constant 2500 : index
    %swap3A_33 = arith.constant 0 : index
    %swap3A_34 = vector.load %arg1[%swap3A_32, %swap3A_33] : memref<2560x128xi32, #tpu.memory_space<vmem>>, vector<60x128xi32>
    tpu.vector_store %arg1[%swap3A_32, %swap3A_33], %add3A_31 {strides = array<i32>} : memref<2560x128xi32, #tpu.memory_space<vmem>>, vector<60x128xi32>,
    %swap3A_35 = arith.constant 2500 : index
    %swap3A_36 = arith.constant 0 : index
    %swap3A_37 = vector.load %arg2[%swap3A_35, %swap3A_36] : memref<2560x128xi32, #tpu.memory_space<vmem>>, vector<60x128xi32>
    tpu.vector_store %arg2[%swap3A_35, %swap3A_36], %add3A_31 {strides = array<i32>} : memref<2560x128xi32, #tpu.memory_space<vmem>>, vector<60x128xi32>,
    return
  }
}

module attributes {stable_mosaic.version = 14 : i64} {
  func.func @_final_body(%arg0: memref<2x2560x128xf32, #tpu.memory_space<vmem>>, %arg1: memref<2560x128xf32, #tpu.memory_space<vmem>>, %arg2: memref<2500x128xf32, #tpu.memory_space<vmem>>, %arg3: memref<1x32xf32, #tpu.memory_space<vmem>>, %arg4: memref<4x2500xi32, #tpu.memory_space<vmem>>, %arg5: memref<32x10xf32, #tpu.memory_space<vmem>>, %arg6: memref<1x10xf32, #tpu.memory_space<vmem>>, %arg7: memref<16x10xf32, #tpu.memory_space<vmem>>) attributes {dimension_semantics = [], scalar_prefetch = 0 : i64, scratch_operands = 0 : i64, tpu.core_type = #tpu.core_type<tc>} {
    %get3A = arith.constant 0 : index
    %get3A_0 = arith.constant 0 : index
    %get3A_1 = arith.constant 0 : index
    %get3A_2 = vector.load %arg0[%get3A, %get3A_0, %get3A_1] : memref<2x2560x128xf32, #tpu.memory_space<vmem>>, vector<1x2500x128xf32>
    %get3A_3 = vector.shape_cast %get3A_2 : vector<1x2500x128xf32> to vector<2500x128xf32>
    %get3A_4 = arith.constant 1 : index
    %get3A_5 = arith.constant 0 : index
    %get3A_6 = arith.constant 0 : index
    %get3A_7 = vector.load %arg0[%get3A_4, %get3A_5, %get3A_6] : memref<2x2560x128xf32, #tpu.memory_space<vmem>>, vector<1x2500x128xf32>
    %get3A_8 = vector.shape_cast %get3A_7 : vector<1x2500x128xf32> to vector<2500x128xf32>
    %add3A = arith.addf %get3A_3, %get3A_8 : vector<2500x128xf32>
    %get3A_9 = arith.constant 0 : index
    %get3A_10 = arith.constant 0 : index
    %get3A_11 = vector.load %arg1[%get3A_9, %get3A_10] : memref<2560x128xf32, #tpu.memory_space<vmem>>, vector<2500x128xf32>
    %add3A_12 = arith.addf %add3A, %get3A_11 : vector<2500x128xf32>
    %get3A_13 = arith.constant 0 : index
    %get3A_14 = arith.constant 0 : index
    %get3A_15 = vector.load %arg3[%get3A_13, %get3A_14] : memref<1x32xf32, #tpu.memory_space<vmem>>, vector<1x32xf32>
    %broadcast_in_dim3A = vector.shape_cast %get3A_15 : vector<1x32xf32> to vector<1x1x32xf32>
    %broadcast_in_dim3A_16 = vector.shape_cast %broadcast_in_dim3A : vector<1x1x32xf32> to vector<1x1x32xf32>
    %broadcast_in_dim3A_17 = vector.broadcast %broadcast_in_dim3A_16 : vector<1x1x32xf32> to vector<1x4x32xf32>
    %reshape3A = vector.shape_cast %broadcast_in_dim3A_17 : vector<1x4x32xf32> to vector<1x128xf32>
    %get3A_18 = arith.constant 0 : index
    %get3A_19 = arith.constant 0 : index
    %get3A_20 = vector.load %arg2[%get3A_18, %get3A_19] : memref<2500x128xf32, #tpu.memory_space<vmem>>, vector<2500x128xf32>
    %mul3A = arith.mulf %add3A_12, %get3A_20 : vector<2500x128xf32>
    %add3A_21 = vector.broadcast %reshape3A : vector<1x128xf32> to vector<2500x128xf32>
    %add3A_22 = arith.addf %mul3A, %add3A_21 : vector<2500x128xf32>
    %max3A = arith.constant 0.000000e+00 : f32
    %max3A_23 = vector.broadcast %max3A : f32 to vector<2500x128xf32>
    %max3A_24 = arith.maximumf %add3A_22, %max3A_23 : vector<2500x128xf32>
    %iota3A = tpu.iota {dimensions = array<i32: 0>} : vector<16x2500xi32>
    %broadcast_in_dim3A_25 = arith.constant 0.000000e+00 : f32
    %broadcast_in_dim3A_26 = vector.broadcast %broadcast_in_dim3A_25 : f32 to vector<16x32xf32>
    %broadcast_in_dim3A_27 = arith.constant 0.000000e+00 : f32
    %broadcast_in_dim3A_28 = vector.broadcast %broadcast_in_dim3A_27 : f32 to vector<16x1xf32>
    %get3A_29 = arith.constant 0 : index
    %get3A_30 = arith.constant 0 : index
    %get3A_31 = vector.load %arg4[%get3A_29, %get3A_30] : memref<4x2500xi32, #tpu.memory_space<vmem>>, vector<1x2500xi32>
    %eq3A = vector.broadcast %get3A_31 : vector<1x2500xi32> to vector<16x2500xi32>
    %eq3A_32 = arith.cmpi eq, %eq3A, %iota3A : vector<16x2500xi32>
    %convert_element_type3A = arith.extui %eq3A_32 : vector<16x2500xi1> to vector<16x2500xi32>
    %convert_element_type3A_33 = arith.sitofp %convert_element_type3A : vector<16x2500xi32> to vector<16x2500xf32>
    %dot_general3A = arith.constant dense<0.000000e+00> : vector<16x128xf32>
    %dot_general3A_34 = tpu.matmul %convert_element_type3A_33, %max3A_24, %dot_general3A {dimension_numbers = #tpu.dot_dimension_numbers<[1], [0], [0], [1], [0, 0, 1, 1], [], []>, transpose_lhs_hint = false} : vector<16x2500xf32>, vector<2500x128xf32>, vector<16x128xf32> -> vector<16x128xf32>
    %slice3A = vector.extract_strided_slice %dot_general3A_34 {offsets = [0, 0], sizes = [16, 32], strides = [1, 1]} : vector<16x128xf32> to vector<16x32xf32>
    %add3A_35 = arith.addf %broadcast_in_dim3A_26, %slice3A : vector<16x32xf32>
    %reduce_sum3A = arith.constant dense<0.000000e+00> : vector<16xf32>
    %reduce_sum3A_36 = vector.multi_reduction <add>, %convert_element_type3A_33, %reduce_sum3A [1] : vector<16x2500xf32> to vector<16xf32>
    %broadcast_in_dim3A_37 = vector.shape_cast %reduce_sum3A_36 : vector<16xf32> to vector<16x1xf32>
    %add3A_38 = arith.addf %broadcast_in_dim3A_28, %broadcast_in_dim3A_37 : vector<16x1xf32>
    %get3A_39 = arith.constant 1 : index
    %get3A_40 = arith.constant 0 : index
    %get3A_41 = vector.load %arg4[%get3A_39, %get3A_40] : memref<4x2500xi32, #tpu.memory_space<vmem>>, vector<1x2500xi32>
    %eq3A_42 = vector.broadcast %get3A_41 : vector<1x2500xi32> to vector<16x2500xi32>
    %eq3A_43 = arith.cmpi eq, %eq3A_42, %iota3A : vector<16x2500xi32>
    %convert_element_type3A_44 = arith.extui %eq3A_43 : vector<16x2500xi1> to vector<16x2500xi32>
    %convert_element_type3A_45 = arith.sitofp %convert_element_type3A_44 : vector<16x2500xi32> to vector<16x2500xf32>
    %dot_general3A_46 = arith.constant dense<0.000000e+00> : vector<16x128xf32>
    %dot_general3A_47 = tpu.matmul %convert_element_type3A_45, %max3A_24, %dot_general3A_46 {dimension_numbers = #tpu.dot_dimension_numbers<[1], [0], [0], [1], [0, 0, 1, 1], [], []>, transpose_lhs_hint = false} : vector<16x2500xf32>, vector<2500x128xf32>, vector<16x128xf32> -> vector<16x128xf32>
    %slice3A_48 = vector.extract_strided_slice %dot_general3A_47 {offsets = [0, 32], sizes = [16, 32], strides = [1, 1]} : vector<16x128xf32> to vector<16x32xf32>
    %add3A_49 = arith.addf %add3A_35, %slice3A_48 : vector<16x32xf32>
    %reduce_sum3A_50 = arith.constant dense<0.000000e+00> : vector<16xf32>
    %reduce_sum3A_51 = vector.multi_reduction <add>, %convert_element_type3A_45, %reduce_sum3A_50 [1] : vector<16x2500xf32> to vector<16xf32>
    %broadcast_in_dim3A_52 = vector.shape_cast %reduce_sum3A_51 : vector<16xf32> to vector<16x1xf32>
    %add3A_53 = arith.addf %add3A_38, %broadcast_in_dim3A_52 : vector<16x1xf32>
    %get3A_54 = arith.constant 2 : index
    %get3A_55 = arith.constant 0 : index
    %get3A_56 = vector.load %arg4[%get3A_54, %get3A_55] : memref<4x2500xi32, #tpu.memory_space<vmem>>, vector<1x2500xi32>
    %eq3A_57 = vector.broadcast %get3A_56 : vector<1x2500xi32> to vector<16x2500xi32>
    %eq3A_58 = arith.cmpi eq, %eq3A_57, %iota3A : vector<16x2500xi32>
    %convert_element_type3A_59 = arith.extui %eq3A_58 : vector<16x2500xi1> to vector<16x2500xi32>
    %convert_element_type3A_60 = arith.sitofp %convert_element_type3A_59 : vector<16x2500xi32> to vector<16x2500xf32>
    %dot_general3A_61 = arith.constant dense<0.000000e+00> : vector<16x128xf32>
    %dot_general3A_62 = tpu.matmul %convert_element_type3A_60, %max3A_24, %dot_general3A_61 {dimension_numbers = #tpu.dot_dimension_numbers<[1], [0], [0], [1], [0, 0, 1, 1], [], []>, transpose_lhs_hint = false} : vector<16x2500xf32>, vector<2500x128xf32>, vector<16x128xf32> -> vector<16x128xf32>
    %slice3A_63 = vector.extract_strided_slice %dot_general3A_62 {offsets = [0, 64], sizes = [16, 32], strides = [1, 1]} : vector<16x128xf32> to vector<16x32xf32>
    %add3A_64 = arith.addf %add3A_49, %slice3A_63 : vector<16x32xf32>
    %reduce_sum3A_65 = arith.constant dense<0.000000e+00> : vector<16xf32>
    %reduce_sum3A_66 = vector.multi_reduction <add>, %convert_element_type3A_60, %reduce_sum3A_65 [1] : vector<16x2500xf32> to vector<16xf32>
    %broadcast_in_dim3A_67 = vector.shape_cast %reduce_sum3A_66 : vector<16xf32> to vector<16x1xf32>
    %add3A_68 = arith.addf %add3A_53, %broadcast_in_dim3A_67 : vector<16x1xf32>
    %get3A_69 = arith.constant 3 : index
    %get3A_70 = arith.constant 0 : index
    %get3A_71 = vector.load %arg4[%get3A_69, %get3A_70] : memref<4x2500xi32, #tpu.memory_space<vmem>>, vector<1x2500xi32>
    %eq3A_72 = vector.broadcast %get3A_71 : vector<1x2500xi32> to vector<16x2500xi32>
    %eq3A_73 = arith.cmpi eq, %eq3A_72, %iota3A : vector<16x2500xi32>
    %convert_element_type3A_74 = arith.extui %eq3A_73 : vector<16x2500xi1> to vector<16x2500xi32>
    %convert_element_type3A_75 = arith.sitofp %convert_element_type3A_74 : vector<16x2500xi32> to vector<16x2500xf32>
    %dot_general3A_76 = arith.constant dense<0.000000e+00> : vector<16x128xf32>
    %dot_general3A_77 = tpu.matmul %convert_element_type3A_75, %max3A_24, %dot_general3A_76 {dimension_numbers = #tpu.dot_dimension_numbers<[1], [0], [0], [1], [0, 0, 1, 1], [], []>, transpose_lhs_hint = false} : vector<16x2500xf32>, vector<2500x128xf32>, vector<16x128xf32> -> vector<16x128xf32>
    %slice3A_78 = vector.extract_strided_slice %dot_general3A_77 {offsets = [0, 96], sizes = [16, 32], strides = [1, 1]} : vector<16x128xf32> to vector<16x32xf32>
    %add3A_79 = arith.addf %add3A_64, %slice3A_78 : vector<16x32xf32>
    %reduce_sum3A_80 = arith.constant dense<0.000000e+00> : vector<16xf32>
    %reduce_sum3A_81 = vector.multi_reduction <add>, %convert_element_type3A_75, %reduce_sum3A_80 [1] : vector<16x2500xf32> to vector<16xf32>
    %broadcast_in_dim3A_82 = vector.shape_cast %reduce_sum3A_81 : vector<16xf32> to vector<16x1xf32>
    %add3A_83 = arith.addf %add3A_68, %broadcast_in_dim3A_82 : vector<16x1xf32>
    %max3A_84 = arith.constant 1.000000e+00 : f32
    %max3A_85 = vector.broadcast %max3A_84 : f32 to vector<16x1xf32>
    %max3A_86 = arith.maximumf %add3A_83, %max3A_85 : vector<16x1xf32>
    %div3A = vector.broadcast %max3A_86 : vector<16x1xf32> to vector<16x32xf32>
    %div3A_87 = arith.divf %add3A_79, %div3A : vector<16x32xf32>
    %get3A_88 = arith.constant 0 : index
    %get3A_89 = arith.constant 0 : index
    %get3A_90 = vector.load %arg5[%get3A_88, %get3A_89] : memref<32x10xf32, #tpu.memory_space<vmem>>, vector<32x10xf32>
    %dot_general3A_91 = arith.constant dense<0.000000e+00> : vector<16x10xf32>
    %dot_general3A_92 = tpu.matmul %div3A_87, %get3A_90, %dot_general3A_91 {dimension_numbers = #tpu.dot_dimension_numbers<[1], [0], [0], [1], [0, 0, 1, 1], [], []>, transpose_lhs_hint = false} : vector<16x32xf32>, vector<32x10xf32>, vector<16x10xf32> -> vector<16x10xf32>
    %get3A_93 = arith.constant 0 : index
    %get3A_94 = arith.constant 0 : index
    %get3A_95 = vector.load %arg6[%get3A_93, %get3A_94] : memref<1x10xf32, #tpu.memory_space<vmem>>, vector<1x10xf32>
    %add3A_96 = vector.broadcast %get3A_95 : vector<1x10xf32> to vector<16x10xf32>
    %add3A_97 = arith.addf %dot_general3A_92, %add3A_96 : vector<16x10xf32>
    %swap3A = arith.constant 0 : index
    %swap3A_98 = arith.constant 0 : index
    %swap3A_99 = vector.load %arg7[%swap3A, %swap3A_98] : memref<16x10xf32, #tpu.memory_space<vmem>>, vector<16x10xf32>
    tpu.vector_store %arg7[%swap3A, %swap3A_98], %add3A_97 {strides = array<i32>} : memref<16x10xf32, #tpu.memory_space<vmem>>, vector<16x10xf32>,
    return
  }
}

</mosaic_0001>

<sc_bundles>
// kernel: kernel.12.cloned.1.call-start
scs
__scs_entry_jumppad:
0x0: {  	(pc) =	sbr.rel $0x88, $3  }
0x1: {  	(tag) =	ssettag $0x0;
	lr =	simm.s32 $0x1  }
0x2: {  	[smem:$0x3F98] =	sst lr;
	_ =	strace $0xD0000000  }
0x3: {  	_ = 	snop  }
0x4: {  	_ = 	snop  }
0x5: {  	_ = 	snop  }
0x6: {  	_ = 	snop  }
0x7: {  	_ = 	snop  }
__scs_overlays_trampoline_lowered:
0x8: {  	[smem:$0x3FA7] =	sst s0  }
0x9: {  	[smem:$0x3FA8] =	sst s1  }
0xa: {  	[smem:$0x3FA9] =	sst s2  }
0xb: {  	[smem:$0x3FAA] =	sst s3  }
0xc: {  	[smem:$0x3FAB] =	sst s4  }
0xd: {  	[smem:$0x3FAC] =	sst s5  }
0xe: {  	[smem:$0x3FAD] =	sst s6  }
0xf: {  	[smem:$0x3FAE] =	sst s7  }
0x10: {  	[smem:$0x3FAF] =	sst s8  }
0x11: {  	[smem:$0x3FB0] =	sst s9;
	s0 =	simm.s32 @!p0 $0x0  }
0x12: {  	s1 =	sld [smem:$0x3F96];
	s0 =	simm.s32 @p0 $0x1  }
0x13: {  	[smem:$0x3FB1] =	sst s0;
	s0 =	simm.s32 @!p1 $0x0  }
0x14: {  	s2 =	sld [smem:$0x3F95];
	s0 =	simm.s32 @p1 $0x1  }
0x15: {  	[smem:$0x3FB2] =	sst s0;
	s0 =	simm.s32 @!p2 $0x0  }
0x16: {  	s3 =	sld [smem:$0x3FDB];
	s0 =	simm.s32 @p2 $0x1  }
0x17: {  	s4 =	simm.s32 $0x1BF5;
	[smem:$0x3FB4] =	sst s0  }
0x18: {  	s0 =	sld [smem:$0x3F97];
	_ =	swait.ge [sflag:s4], $0x0  }
0x19: {  	s7 =	sld [smem:$0x3F98]  }
0x1a: {  	s8 =	sadd.s32 $0xFFFFE003, lr  }
0x1b: {  	s9 =	sadd.s32 $0xFFFFFEF7, lr;
	s5 =	simm.s32 $0xFFFFFFFF;
	p2 =	slt.u32 s8, $0xFFFFF086  }
0x1c: {  	p1 =	slt.u32 s9, $0xF7A;
	s5 =	simm.s32 @!p2 $0x0  }
0x1d: {  	s5 =	simm.s32 @p1 $0x1;
	p0 =	seq.s32 s7, s2  }
0x1e: {  	s7 =	smul.u32 @!p0 $0xF7A, s2;
	p2 =	seq.s32 @!p0 s5, $0x0  }
0x1f: {  	s9 =	smul.u32 $0xF7A, s1;
	s8 =	simm.s32 @!p0 $0x1BF5;
	p2 =	por !p2, p0  }
0x20: {  	[sflag:s8] =	ssyncset.s32 @!p0 $0xFFFFF086;
	s6 =	sadd.s32 @!p0 s3, s7;
	s7 =	simm.s32 @!p0 $0x108  }
0x21: {  	s3 =	sadd.s32 s3, s9;
	s6 =	sadd.s32 @!p0 $0x88, s6;
	s7 =	simm.s32 @p2 $0x1082  }
0x22: {  	[simem:s7], [sflag:s8] =	dma.local @!p0 [hbm:s6], $0xF7A  }
0x23: {  	s9 =	sor.u32 $0xD0000000, s2;
	s6 =	simm.s32 $0x108;
	_ =	swait.ge @!p0 [sflag:s8], $0x0  }
0x24: {  	s3 =	sadd.s32 $0x88, s3;
	s6 =	simm.s32 @!p1 $0x1082;
	[sflag:s4] =	ssyncset.s32 $0xFFFFF086  }
0x25: {  	[simem:s6], [sflag:s4] =	dma.local [hbm:s3], $0xF7A  }
0x26: {  	[smem:$0x3F98] =	sst s1;
	(tag) =	ssettag s2;
	_ =	strace s9  }
0x27: {  	s1 =	sld [smem:$0x3FA8]  }
0x28: {  	s2 =	sld [smem:$0x3FA9]  }
0x29: {  	s4 =	sld [smem:$0x3FAB]  }
0x2a: {  	p0 =	seq.s32 s5, $0x0;
	s5 =	sld [smem:$0x3FAC]  }
0x2b: {  	s6 =	sld [smem:$0x3FAD]  }
0x2c: {  	s7 =	sld [smem:$0x3FAE]  }
0x2d: {  	s3 =	simm.s32 $0x108;
	s8 =	sld [smem:$0x3FAF]  }
0x2e: {  	s3 =	simm.s32 @!p0 $0x1082;
	s9 =	sld [smem:$0x3FB0]  }
0x2f: {  	lr =	sadd.s32 s0, s3;
	s0 =	sld [smem:$0x3FA7]  }
0x30: {  	s3 =	sld [smem:$0x3FAA]  }
0x31: {  	[smem:$0x3FB3] =	sst s10  }
0x32: {  	s10 =	sld [smem:$0x3FB1];
	_ =	sdelay $0x3  }
0x33: {  	p0 =	seq.s32 s10, $0x1;
	s10 =	sld [smem:$0x3FB3];
	_ =	sdelay $0x3  }
0x34: {  	[smem:$0x3FB3] =	sst s10  }
0x35: {  	s10 =	sld [smem:$0x3FB2];
	_ =	sdelay $0x3  }
0x36: {  	p1 =	seq.s32 s10, $0x1;
	s10 =	sld [smem:$0x3FB3];
	_ =	sdelay $0x3  }
0x37: {  	[smem:$0x3FB3] =	sst s10  }
0x38: {  	s10 =	sld [smem:$0x3FB4]  }
0x39: {  	_ = 	snop;
	(pc) =	sbr.ind lr, $3  }
0x3a: {  	_ = 	snop  }
0x3b: {  	_ = 	snop  }
0x3c: {  	p2 =	seq.s32 s10, $0x1;
	s10 =	sld [smem:$0x3FB3]  }
0x3d: {  	_ =	shalt  }
0x3e: {  	_ =	shalt  }
0x3f: {  	_ =	shalt  }
0x40: {  	_ =	shalt  }
0x41: {  	_ =	shalt  }
0x42: {  	_ =	shalt  }
0x43: {  	_ =	shalt  }
0x44: {  	_ =	shalt  }
0x45: {  	_ =	shalt  }
0x46: {  	_ =	shalt  }
0x47: {  	_ =	shalt  }
0x48: {  	_ =	shalt  }
0x49: {  	_ =	shalt  }
0x4a: {  	_ =	shalt  }
0x4b: {  	_ =	shalt  }
0x4c: {  	_ =	shalt  }
0x4d: {  	_ =	shalt  }
0x4e: {  	_ =	shalt  }
0x4f: {  	_ =	shalt  }
0x50: {  	_ =	shalt  }
0x51: {  	_ =	shalt  }
0x52: {  	_ =	shalt  }
0x53: {  	_ =	shalt  }
0x54: {  	_ =	shalt  }
0x55: {  	_ =	shalt  }
0x56: {  	_ =	shalt  }
0x57: {  	_ =	shalt  }
0x58: {  	_ =	shalt  }
0x59: {  	_ =	shalt  }
0x5a: {  	_ =	shalt  }
0x5b: {  	_ =	shalt  }
0x5c: {  	_ =	shalt  }
0x5d: {  	_ =	shalt  }
0x5e: {  	_ =	shalt  }
0x5f: {  	_ =	shalt  }
0x60: {  	_ =	shalt  }
0x61: {  	_ =	shalt  }
0x62: {  	_ =	shalt  }
0x63: {  	_ =	shalt  }
0x64: {  	_ =	shalt  }
0x65: {  	_ =	shalt  }
0x66: {  	_ =	shalt  }
0x67: {  	_ =	shalt  }
0x68: {  	_ =	shalt  }
0x69: {  	_ =	shalt  }
0x6a: {  	_ =	shalt  }
0x6b: {  	_ =	shalt  }
0x6c: {  	_ =	shalt  }
0x6d: {  	_ =	shalt  }
0x6e: {  	_ =	shalt  }
0x6f: {  	_ =	shalt  }
0x70: {  	_ =	shalt  }
0x71: {  	_ =	shalt  }
0x72: {  	_ =	shalt  }
0x73: {  	_ =	shalt  }
0x74: {  	_ =	shalt  }
0x75: {  	_ =	shalt  }
0x76: {  	_ =	shalt  }
0x77: {  	_ =	shalt  }
0x78: {  	_ =	shalt  }
0x79: {  	_ =	shalt  }
0x7a: {  	_ =	shalt  }
0x7b: {  	_ =	shalt  }
0x7c: {  	_ =	shalt  }
0x7d: {  	_ =	shalt  }
0x7e: {  	_ =	shalt  }
0x7f: {  	_ =	shalt  }
0x80: {  	_ =	shalt  }
0x81: {  	_ =	shalt  }
0x82: {  	_ =	shalt  }
0x83: {  	_ =	shalt  }
0x84: {  	_ =	shalt  }
0x85: {  	_ =	shalt  }
0x86: {  	_ =	shalt  }
0x87: {  	_ =	shalt  }
.Lfunc_end0:
.L_simem_size_0:
called_computation.1_lowered:
.L_overlay_start_0:
0x88: {  	s2 =	sld [smem:$0x3FD9]  }
0x89: {  	s3 =	sld [smem:$0x3FFE];
	_ =	sdelay $0x1  }
0x8a: {  	s1 =	srdreg.scid  }
0x8b: {  	s0 =	sand.u32 $0x1, s1  }
0x8c: {  	s16 =	sshll.u32 s0, $0xA;
	s2 =	sadd.s32 s3, s2  }
0x8d: {  	s2 =	sadd.s32 s2, s16  }
0x8e: {  	[smem:$0x3FBF] =	sst s2  }
0x8f: {  	_ = 	snop  }
0x90: {  	(tm) =	ssettm $0x1  }
0x91: {  	s17 =	sld [smem:$0x3FFB];
	_ =	sdelay $0x3  }
0x92: {  	_ =	strace s17  }
0x93: {  	s2 =	sld [smem:$0x3FFC];
	_ =	sdelay $0x3  }
0x94: {  	_ =	strace s2  }
0x95: {  	s2 =	sld [smem:$0x3FFD];
	_ =	sdelay $0x3  }
0x96: {  	_ =	strace s2  }
0x97: {  	_ =	strace $0x8FFFFFFF  }
0x98: {  	s18 =	sld [smem:$0x3FDB];
	_ =	sdelay $0x1  }
0x99: {  	s19 =	simm.s32 $_scs_section_size  }
0x9a: {  	s4 =	simm.s32 $_size__tile_overlayer_lowered;
	s5 =	simm.s32 $_tile_overlayer_lowered  }
0x9b: {  	s22 =	simm.s32 $0x1BFF;
	s21 =	sshll.u32 s5, $0x1;
	s2 =	sadd.s32 s19, s18  }
0x9c: {  	s6 =	simm.s32 $0x0;
	s20 =	sshll.u32 s4, $0x1;
	s4 =	sadd.s32 s21, s2  }
0x9d: {  	[timem:s6], [sflag:s22] =	dma.local [hbm:s4], s20  }
0x9e: {  	_ =	swait.ge [sflag:s22], s20  }
0x9f: {  	s3 =	ssub.s32 $0x0, s20;
	[sflag:s22] =	ssyncset.done $0x0  }
0xa0: {  	[sflag:s22] =	ssyncadd.s32 s3;
	_ =	sdelay $0x1  }
0xa1: {  	s23 =	simm.s32 $0x1B8B  }
0xa2: {  	_ =	swait.ge [sflag:s23], $0x1  }
0xa3: {  	[sflag:s23] =	ssyncset.done $0x0  }
0xa4: {  	s25 =	simm.s32 $0x1B8E;
	s24 =	sld [smem:$0x3FFE];
	[sflag:s23] =	ssyncadd.s32 $0xFFFFFFFF  }
0xa5: {  	s26 =	simm.s32 $execute0_lowered;
	[smem:$0x3FD2] =	sst s25  }
0xa6: {  	s4 =	sshll.u32 s26, $0x1;
	_ =	strace $0x80000049;
	[dreg:$0x1] =	wrdreg $0xFFFFFFFF  }
0xa7: {  	s28 =	simm.s32 $_size_execute0_lowered;
	s2 =	sadd.s32 s2, s4;
	[dreg:$0x0] =	wrdreg $0x0  }
0xa8: {  	s4 =	sshll.u32 s28, $0x1;
	[dreg:$0x2] =	wrdreg s2  }
0xa9: {  	[dreg:$0x3] =	wrdreg s4  }
0xaa: {  	[dreg:$0x4] =	wrdreg $0xC0  }
0xab: {  	_ =	task [dreg:s6], $0x5FFFF  }
0xac: {  	[dreg:$0x1] =	wrdreg $0xFFFFFFFF  }
0xad: {  	[dreg:$0x0] =	wrdreg $0x60  }
0xae: {  	[dreg:$0x2] =	wrdreg s24  }
0xaf: {  	[dreg:$0x3] =	wrdreg $0xB8000  }
0xb0: {  	[dreg:$0x4] =	wrdreg $0x9  }
0xb1: {  	_ =	task.clear_ibuf [dreg:s6], $0x5FFFF;
	_ =	strace $0x90000049  }
0xb2: {  	s29 =	simm.s32 $0x9;
	_ =	strace $0x8000004B  }
0xb3: {  	_ =	swait.ge [sflag:s29], $0x1  }
0xb4: {  	[sflag:s29] =	ssyncadd.s32 $0xFFFFFFFF  }
0xb5: {  	_ =	strace $0x9000004B  }
0xb6: {  	_ =	sfence  }
0xb7: {  	s30 =	sld [smem:$0x0];
	_ =	sdelay $0x2  }
0xb8: {  	s31 =	sshll.u32 s1, $0xD;
	s1 =	sshrl.u32 s1, $0x2  }
0xb9: {  	s3 =	sand.u32 $0x4000, s31;
	s1 =	sadd.s32 s1, s30  }
0xba: {  	s0 =	sor.u32 s3, s0;
	s1 =	sshll.u32 s1, $0x11  }
0xbb: {  	s0 =	sor.u32 s1, s0  }
0xbc: {  	s0 =	sadd.s32 $0x8F2B, s0  }
0xbd: {  	[sflag:s0] =	ssyncadd.remote.s32 $0x1  }
0xbe: {  	_ =	sfence.sel $0xFFFF  }
0xbf: {  	[dreg:$0x0] =	wrdreg $0xFFFFFFFF;
	(pc) =	sbr.abs _section_cstart, $3  }
0xc0: {  	[dreg:$0x1] =	wrdreg $0xFFFFFFFF  }
0xc1: {  	_ =	task.clear_ibuf [dreg:s6], $0x2FFFF;
	_ =	strace $0x9FFFFFFF  }
0xc2: {  	(tm) =	ssettm $0x7FFFFFFF  }
0xc3: {  	_ =	shalt  }
tec
execute0_lowered:
.L_overlay_start_1:
0x0: {  	(tag) =	ssettag $0x1  }
0x1: {  	s0 =	rddreg [dreg:$0x0]  }
0x2: {  	s2 =	rddreg [dreg:$0x1]  }
0x3: {  	s1 =	srdreg.scid;
	s4 =	stileid.u32  }
0x4: {  	s11 =	simm.s32 $0x0;
	s13 =	simm.s32 $0x1;
	s14 =	simm.s32 $0x9  }
0x5: {  	s15 =	simm.s32 $0x80;
	s16 =	simm.s32 $0x5000;
	s17 =	simm.s32 $0x5800  }
0x6: {  	s18 =	simm.s32 $0x6000;
	s19 =	simm.s32 $0x6800;
	s20 =	simm.s32 $0x7000  }
0x7: {  	s21 =	simm.s32 $0x7800;
	s22 =	simm.s32 $0x8000;
	s23 =	simm.s32 $0x8800  }
0x8: {  	s24 =	simm.s32 $0x2;
	s25 =	simm.s32 $0x3;
	s26 =	simm.s32 $0x4  }
0x9: {  	s28 =	simm.s32 $0x5;
	s29 =	simm.s32 $0x6;
	s30 =	simm.s32 $0x7  }
0xa: {  	s31 =	simm.s32 $0x8;
	s12 =	simm.s32 $0x0;
	s1 =	sand.u32 $0x1, s1  }
0xb: {  	s5 =	smul.u32 $0x2800, s4;
	[smem:$0x7FF] =	sst s11;
	s3 =	sshll.u32 s1, $0x4  }
0xc: {  	s6 =	smul.u32 $0x28000, s1;
	_ =	strace $0x8000004A;
	s1 =	ssub.s32 $0x2, s1  }
0xd: {  	[dreg:$0x8] =	wrdreg s12;
	s3 =	sor.u32 s4, s3;
	s4 =	sadd.s32 $0x17400, s0  }
0xe: {  	s7 =	sshrl.u32 s1, $0x1;
	s9 =	sadd.s32 s5, s2;
	s3 =	smul.u32 $0x500, s3  }
0xf: {  	s6 =	sadd.s32 s5, s6;
	s1 =	ssub.s32 s1, s7;
	[dreg:$0x5] =	wrdreg s9  }
0x10: {  	s5 =	simm.s32 $0xD;
	s9 =	simm.s32 $0x10;
	s6 =	sshrl.u32 s6, $0x3  }
0x11: {  	s10 =	smax.u32 s1, $0x1;
	s1 =	simm.s32 $0xB;
	s3 =	sadd.s32 s3, s0  }
0x12: {  	s0 =	sadd.s32 s6, s0;
	[dreg:$0x7] =	wrdreg s10;
	s8 =	sadd.s32 $0xD400, s3  }
0x13: {  	s10 =	simm.s32 $0xC;
	s3 =	sadd.s32 $0x3400, s3;
	[dreg:$0x3] =	wrdreg s8  }
0x14: {  	s6 =	simm.s32 $0xE;
	s0 =	sadd.s32 $0x1C400, s0;
	[dreg:$0x4] =	wrdreg s3  }
0x15: {  	v0 =	vimm.f32 $0.0e+00;
	[dreg:$0x6] =	wrdreg s0;
	s0 =	simm.s32 $0xA;
	s8 =	simm.s32 $0xF  }
.LBB2_1:
0x16: {  	s3 =	rddreg [dreg:$0x3]  }
0x17: {  	[tilespmem:s11], [sflag:$0x1] =	stream.linear.gather [hbm4b:s3+s11], $0x2800, $0x38;
	[tilespmem:$0xE000] =	vst v63  }
0x18: {  	s12 =	rddreg [dreg:$0x4];
	s7 =	simm.s32 $0x2800  }
0x19: {  	[tilespmem:s7], [sflag:$0x9] =	stream.linear.gather [hbm4b:s12+s11], $0x2800, $0x38;
	[tilespmem:$0xE000] =	vst v63  }
0x1a: {  	s3 =	simm.s32 $0x0;
	s7 =	simm.s32 $0x40  }
.LBB2_2:
0x1b: {  	p0 =	sne.s32 s7, $0x9FC0;
	[tilespmem:s3+$0x9000] =	vst v0;
	s3 =	smov.u32 s7;
	s7 =	sadd.s32 $0x40, s7  }
.Ltmp0:
0x1c: {  	(pc) =	sbr.rel @p0 .LBB2_2-.Ltmp0, $2  }
0x1d: {  	_ =	sdelay $0x2  }
0x1e: {  	s3 =	sshra.s32 s3, $0x2  }
0x1f: {  	[tilespmem:s3+$0x9000] =	vst v0;
	s7 =	rddreg [dreg:$0x5];
	s12 =	simm.s32 $0x9000;
	s11 =	simm.s32 $0x11  }
0x20: {  	[spmem:s7] =	stream.linear.scatter [tilespmem:s12], [sflag:$0x11], $0x2800, $0x38;
	[tilespmem:$0xE000] =	vst v63  }
0x21: {  	_ =	swait.ge [sflag:s11], $0x2800  }
0x22: {  	[sflag:s11] =	ssyncset.done $0x0  }
0x23: {  	[sflag:s11] =	ssyncadd.s32 $0xFFFFD800  }
0x24: {  	[bflag:$0x0] =	sbarrier.arrive $0xFFFF  }
0x25: {  	_ =	swait.ge [sflag:s13], $0x2800  }
0x26: {  	[sflag:s13] =	ssyncset.done $0x0  }
0x27: {  	[sflag:s13] =	ssyncadd.s32 $0xFFFFD800  }
0x28: {  	_ =	swait.ge [sflag:s14], $0x2800  }
0x29: {  	[sflag:s14] =	ssyncset.done $0x0  }
0x2a: {  	s12 =	simm.s32 $0x0;
	[sflag:s14] =	ssyncadd.s32 $0xFFFFD800  }
0x2b: {  	[tilespmem:s16], [sflag:$0x1] =	stream.indirect.gather [hbm4b:s4+s15], $0x10, s12, s15, $0xb8;
	[tilespmem:$0xE000] =	vst v63  }
0x2c: {  	s7 =	simm.s32 $0x80  }
0x2d: {  	[tilespmem:s17], [sflag:$0x2] =	stream.indirect.gather [hbm4b:s4+s15], $0x10, s7, s15, $0xb8;
	[tilespmem:$0xE000] =	vst v63  }
0x2e: {  	s11 =	simm.s32 $0x100  }
0x2f: {  	[tilespmem:s18], [sflag:$0x3] =	stream.indirect.gather [hbm4b:s4+s15], $0x10, s11, s15, $0xb8;
	[tilespmem:$0xE000] =	vst v63  }
0x30: {  	s12 =	simm.s32 $0x180  }
0x31: {  	[tilespmem:s19], [sflag:$0x4] =	stream.indirect.gather [hbm4b:s4+s15], $0x10, s12, s15, $0xb8;
	[tilespmem:$0xE000] =	vst v63  }
0x32: {  	s7 =	simm.s32 $0x200  }
0x33: {  	[tilespmem:s20], [sflag:$0x5] =	stream.indirect.gather [hbm4b:s4+s15], $0x10, s7, s15, $0xb8;
	[tilespmem:$0xE000] =	vst v63  }
0x34: {  	s11 =	simm.s32 $0x280  }
0x35: {  	[tilespmem:s21], [sflag:$0x6] =	stream.indirect.gather [hbm4b:s4+s15], $0x10, s11, s15, $0xb8;
	[tilespmem:$0xE000] =	vst v63  }
0x36: {  	s12 =	simm.s32 $0x300  }
0x37: {  	[tilespmem:s22], [sflag:$0x7] =	stream.indirect.gather [hbm4b:s4+s15], $0x10, s12, s15, $0xb8;
	[tilespmem:$0xE000] =	vst v63  }
0x38: {  	s7 =	simm.s32 $0x380  }
0x39: {  	[tilespmem:s23], [sflag:$0x8] =	stream.indirect.gather [hbm4b:s4+s15], $0x10, s7, s15, $0xb8;
	[tilespmem:$0xE000] =	vst v63  }
0x3a: {  	_ =	swait.ge [sflag:s13], $0x800  }
0x3b: {  	[sflag:s13] =	ssyncset.done $0x0  }
0x3c: {  	s11 =	simm.s32 $0x2800;
	[sflag:s13] =	ssyncadd.s32 $0xFFFFF800  }
0x3d: {  	[spmem:s2] =	stream.indirect.scatter.add.f32 [tilespmem:s16], [sflag:$0x9], $0x10, s11, s15, $0xb8;
	[tilespmem:$0xE000] =	vst v63  }
0x3e: {  	_ =	swait.ge [sflag:s24], $0x800  }
0x3f: {  	[sflag:s24] =	ssyncset.done $0x0  }
0x40: {  	s12 =	simm.s32 $0x2880;
	[sflag:s24] =	ssyncadd.s32 $0xFFFFF800  }
0x41: {  	[spmem:s2] =	stream.indirect.scatter.add.f32 [tilespmem:s17], [sflag:$0xA], $0x10, s12, s15, $0xb8;
	[tilespmem:$0xE000] =	vst v63  }
0x42: {  	_ =	swait.ge [sflag:s25], $0x800  }
0x43: {  	[sflag:s25] =	ssyncset.done $0x0  }
0x44: {  	s7 =	simm.s32 $0x2900;
	[sflag:s25] =	ssyncadd.s32 $0xFFFFF800  }
0x45: {  	[spmem:s2] =	stream.indirect.scatter.add.f32 [tilespmem:s18], [sflag:$0xB], $0x10, s7, s15, $0xb8;
	[tilespmem:$0xE000] =	vst v63  }
0x46: {  	_ =	swait.ge [sflag:s26], $0x800  }
0x47: {  	[sflag:s26] =	ssyncset.done $0x0  }
0x48: {  	s11 =	simm.s32 $0x2980;
	[sflag:s26] =	ssyncadd.s32 $0xFFFFF800  }
0x49: {  	[spmem:s2] =	stream.indirect.scatter.add.f32 [tilespmem:s19], [sflag:$0xC], $0x10, s11, s15, $0xb8;
	[tilespmem:$0xE000] =	vst v63  }
0x4a: {  	_ =	swait.ge [sflag:s28], $0x800  }
0x4b: {  	[sflag:s28] =	ssyncset.done $0x0  }
0x4c: {  	s12 =	simm.s32 $0x2A00;
	[sflag:s28] =	ssyncadd.s32 $0xFFFFF800  }
0x4d: {  	[spmem:s2] =	stream.indirect.scatter.add.f32 [tilespmem:s20], [sflag:$0xD], $0x10, s12, s15, $0xb8;
	[tilespmem:$0xE000] =	vst v63  }
0x4e: {  	_ =	swait.ge [sflag:s29], $0x800  }
0x4f: {  	[sflag:s29] =	ssyncset.done $0x0  }
0x50: {  	s7 =	simm.s32 $0x2A80;
	[sflag:s29] =	ssyncadd.s32 $0xFFFFF800  }
0x51: {  	[spmem:s2] =	stream.indirect.scatter.add.f32 [tilespmem:s21], [sflag:$0xE], $0x10, s7, s15, $0xb8;
	[tilespmem:$0xE000] =	vst v63  }
0x52: {  	_ =	swait.ge [sflag:s30], $0x800  }
0x53: {  	[sflag:s30] =	ssyncset.done $0x0  }
0x54: {  	s11 =	simm.s32 $0x2B00;
	[sflag:s30] =	ssyncadd.s32 $0xFFFFF800  }
0x55: {  	[spmem:s2] =	stream.indirect.scatter.add.f32 [tilespmem:s22], [sflag:$0xF], $0x10, s11, s15, $0xb8;
	[tilespmem:$0xE000] =	vst v63  }
0x56: {  	_ =	swait.ge [sflag:s31], $0x800  }
0x57: {  	[sflag:s31] =	ssyncset.done $0x0  }
0x58: {  	s12 =	simm.s32 $0x2B80;
	[sflag:s31] =	ssyncadd.s32 $0xFFFFF800  }
0x59: {  	[spmem:s2] =	stream.indirect.scatter.add.f32 [tilespmem:s23], [sflag:$0x10], $0x10, s12, s15, $0xb8;
	[tilespmem:$0xE000] =	vst v63  }
0x5a: {  	_ =	swait.ge [sflag:s14], $0x800  }
0x5b: {  	[sflag:s14] =	ssyncset.done $0x0  }
0x5c: {  	[sflag:s14] =	ssyncadd.s32 $0xFFFFF800  }
0x5d: {  	_ =	swait.ge [sflag:s0], $0x800  }
0x5e: {  	[sflag:s0] =	ssyncset.done $0x0  }
0x5f: {  	[sflag:s0] =	ssyncadd.s32 $0xFFFFF800  }
0x60: {  	_ =	swait.ge [sflag:s1], $0x800  }
0x61: {  	[sflag:s1] =	ssyncset.done $0x0  }
0x62: {  	[sflag:s1] =	ssyncadd.s32 $0xFFFFF800  }
0x63: {  	_ =	swait.ge [sflag:s10], $0x800  }
0x64: {  	[sflag:s10] =	ssyncset.done $0x0  }
0x65: {  	[sflag:s10] =	ssyncadd.s32 $0xFFFFF800  }
0x66: {  	_ =	swait.ge [sflag:s5], $0x800  }
0x67: {  	[sflag:s5] =	ssyncset.done $0x0  }
0x68: {  	[sflag:s5] =	ssyncadd.s32 $0xFFFFF800  }
0x69: {  	_ =	swait.ge [sflag:s6], $0x800  }
0x6a: {  	[sflag:s6] =	ssyncset.done $0x0  }
0x6b: {  	[sflag:s6] =	ssyncadd.s32 $0xFFFFF800  }
0x6c: {  	_ =	swait.ge [sflag:s8], $0x800  }
0x6d: {  	[sflag:s8] =	ssyncset.done $0x0  }
0x6e: {  	[sflag:s8] =	ssyncadd.s32 $0xFFFFF800  }
0x6f: {  	_ =	swait.ge [sflag:s9], $0x800  }
0x70: {  	s7 =	simm.s32 $0x2000;
	s11 =	simm.s32 $0x1000;
	[sflag:s9] =	ssyncset.done $0x0  }
.LBB2_4:
0x71: {  	s12 =	sshra.s32 s11, $0x2  }
0x72: {  	[sflag:s9] =	ssyncadd.s32 $0xFFFFF800;
	s11 =	smov.u32 s7;
	s3 =	sadd.s32 $0x1000, s7  }
0x73: {  	[tilespmem:s16], [sflag:$0x1] =	stream.indirect.gather [hbm4b:s4+s15], $0x10, s12, s15, $0xb8;
	[tilespmem:$0xE000] =	vst v63  }
0x74: {  	p0 =	sne.s32 s7, $0x9000;
	s7 =	sadd.s32 $0x80, s12  }
0x75: {  	[tilespmem:s17], [sflag:$0x2] =	stream.indirect.gather [hbm4b:s4+s15], $0x10, s7, s15, $0xb8;
	[tilespmem:$0xE000] =	vst v63  }
0x76: {  	s7 =	sadd.s32 $0x100, s12  }
0x77: {  	[tilespmem:s18], [sflag:$0x3] =	stream.indirect.gather [hbm4b:s4+s15], $0x10, s7, s15, $0xb8;
	[tilespmem:$0xE000] =	vst v63  }
0x78: {  	s7 =	sadd.s32 $0x180, s12  }
0x79: {  	[tilespmem:s19], [sflag:$0x4] =	stream.indirect.gather [hbm4b:s4+s15], $0x10, s7, s15, $0xb8;
	[tilespmem:$0xE000] =	vst v63  }
0x7a: {  	s7 =	sadd.s32 $0x200, s12  }
0x7b: {  	[tilespmem:s20], [sflag:$0x5] =	stream.indirect.gather [hbm4b:s4+s15], $0x10, s7, s15, $0xb8;
	[tilespmem:$0xE000] =	vst v63  }
0x7c: {  	s7 =	sadd.s32 $0x280, s12  }
0x7d: {  	[tilespmem:s21], [sflag:$0x6] =	stream.indirect.gather [hbm4b:s4+s15], $0x10, s7, s15, $0xb8;
	[tilespmem:$0xE000] =	vst v63  }
0x7e: {  	s7 =	sadd.s32 $0x300, s12  }
0x7f: {  	[tilespmem:s22], [sflag:$0x7] =	stream.indirect.gather [hbm4b:s4+s15], $0x10, s7, s15, $0xb8;
	[tilespmem:$0xE000] =	vst v63  }
0x80: {  	s7 =	sadd.s32 $0x380, s12  }
0x81: {  	[tilespmem:s23], [sflag:$0x8] =	stream.indirect.gather [hbm4b:s4+s15], $0x10, s7, s15, $0xb8;
	[tilespmem:$0xE000] =	vst v63  }
0x82: {  	_ =	swait.ge [sflag:s13], $0x800  }
0x83: {  	[sflag:s13] =	ssyncset.done $0x0  }
0x84: {  	s7 =	sadd.s32 $0x2800, s12;
	[sflag:s13] =	ssyncadd.s32 $0xFFFFF800  }
0x85: {  	[spmem:s2] =	stream.indirect.scatter.add.f32 [tilespmem:s16], [sflag:$0x9], $0x10, s7, s15, $0xb8;
	[tilespmem:$0xE000] =	vst v63  }
0x86: {  	_ =	swait.ge [sflag:s24], $0x800  }
0x87: {  	[sflag:s24] =	ssyncset.done $0x0  }
0x88: {  	s7 =	sadd.s32 $0x2880, s12;
	[sflag:s24] =	ssyncadd.s32 $0xFFFFF800  }
0x89: {  	[spmem:s2] =	stream.indirect.scatter.add.f32 [tilespmem:s17], [sflag:$0xA], $0x10, s7, s15, $0xb8;
	[tilespmem:$0xE000] =	vst v63  }
0x8a: {  	_ =	swait.ge [sflag:s25], $0x800  }
0x8b: {  	[sflag:s25] =	ssyncset.done $0x0  }
0x8c: {  	s7 =	sadd.s32 $0x2900, s12;
	[sflag:s25] =	ssyncadd.s32 $0xFFFFF800  }
0x8d: {  	[spmem:s2] =	stream.indirect.scatter.add.f32 [tilespmem:s18], [sflag:$0xB], $0x10, s7, s15, $0xb8;
	[tilespmem:$0xE000] =	vst v63  }
0x8e: {  	_ =	swait.ge [sflag:s26], $0x800  }
0x8f: {  	[sflag:s26] =	ssyncset.done $0x0  }
0x90: {  	s7 =	sadd.s32 $0x2980, s12;
	[sflag:s26] =	ssyncadd.s32 $0xFFFFF800  }
0x91: {  	[spmem:s2] =	stream.indirect.scatter.add.f32 [tilespmem:s19], [sflag:$0xC], $0x10, s7, s15, $0xb8;
	[tilespmem:$0xE000] =	vst v63  }
0x92: {  	_ =	swait.ge [sflag:s28], $0x800  }
0x93: {  	[sflag:s28] =	ssyncset.done $0x0  }
0x94: {  	s7 =	sadd.s32 $0x2A00, s12;
	[sflag:s28] =	ssyncadd.s32 $0xFFFFF800  }
0x95: {  	[spmem:s2] =	stream.indirect.scatter.add.f32 [tilespmem:s20], [sflag:$0xD], $0x10, s7, s15, $0xb8;
	[tilespmem:$0xE000] =	vst v63  }
0x96: {  	_ =	swait.ge [sflag:s29], $0x800  }
0x97: {  	[sflag:s29] =	ssyncset.done $0x0  }
0x98: {  	s7 =	sadd.s32 $0x2A80, s12;
	[sflag:s29] =	ssyncadd.s32 $0xFFFFF800  }
0x99: {  	[spmem:s2] =	stream.indirect.scatter.add.f32 [tilespmem:s21], [sflag:$0xE], $0x10, s7, s15, $0xb8;
	[tilespmem:$0xE000] =	vst v63  }
0x9a: {  	_ =	swait.ge [sflag:s30], $0x800  }
0x9b: {  	[sflag:s30] =	ssyncset.done $0x0  }
0x9c: {  	s7 =	sadd.s32 $0x2B00, s12;
	[sflag:s30] =	ssyncadd.s32 $0xFFFFF800  }
0x9d: {  	[spmem:s2] =	stream.indirect.scatter.add.f32 [tilespmem:s22], [sflag:$0xF], $0x10, s7, s15, $0xb8;
	[tilespmem:$0xE000] =	vst v63  }
0x9e: {  	_ =	swait.ge [sflag:s31], $0x800  }
0x9f: {  	[sflag:s31] =	ssyncset.done $0x0  }
0xa0: {  	s7 =	sadd.s32 $0x2B80, s12;
	[sflag:s31] =	ssyncadd.s32 $0xFFFFF800  }
0xa1: {  	[spmem:s2] =	stream.indirect.scatter.add.f32 [tilespmem:s23], [sflag:$0x10], $0x10, s7, s15, $0xb8;
	[tilespmem:$0xE000] =	vst v63  }
0xa2: {  	_ =	swait.ge [sflag:s14], $0x800  }
0xa3: {  	[sflag:s14] =	ssyncset.done $0x0  }
0xa4: {  	[sflag:s14] =	ssyncadd.s32 $0xFFFFF800  }
0xa5: {  	_ =	swait.ge [sflag:s0], $0x800  }
0xa6: {  	[sflag:s0] =	ssyncset.done $0x0  }
0xa7: {  	[sflag:s0] =	ssyncadd.s32 $0xFFFFF800  }
0xa8: {  	_ =	swait.ge [sflag:s1], $0x800  }
0xa9: {  	[sflag:s1] =	ssyncset.done $0x0  }
0xaa: {  	[sflag:s1] =	ssyncadd.s32 $0xFFFFF800  }
0xab: {  	_ =	swait.ge [sflag:s10], $0x800  }
0xac: {  	[sflag:s10] =	ssyncset.done $0x0  }
0xad: {  	[sflag:s10] =	ssyncadd.s32 $0xFFFFF800  }
0xae: {  	_ =	swait.ge [sflag:s5], $0x800  }
0xaf: {  	[sflag:s5] =	ssyncset.done $0x0  }
0xb0: {  	[sflag:s5] =	ssyncadd.s32 $0xFFFFF800  }
0xb1: {  	_ =	swait.ge [sflag:s6], $0x800  }
0xb2: {  	[sflag:s6] =	ssyncset.done $0x0  }
0xb3: {  	[sflag:s6] =	ssyncadd.s32 $0xFFFFF800  }
.Ltmp1:
0xb4: {  	_ =	swait.ge [sflag:s8], $0x800;
	(pc) =	sbr.rel @p0 .LBB2_4-.Ltmp1, $4  }
0xb5: {  	[sflag:s8] =	ssyncset.done $0x0  }
0xb6: {  	[sflag:s8] =	ssyncadd.s32 $0xFFFFF800  }
0xb7: {  	_ =	swait.ge [sflag:s9], $0x800  }
0xb8: {  	s7 =	smov.u32 s3;
	[sflag:s9] =	ssyncset.done $0x0  }
0xb9: {  	s3 =	sshra.s32 s11, $0x2;
	[sflag:s9] =	ssyncadd.s32 $0xFFFFF800  }
0xba: {  	[tilespmem:s16], [sflag:$0x1] =	stream.indirect.gather [hbm4b:s4+s15], $0x10, s3, s15, $0xb8;
	[tilespmem:$0xE000] =	vst v63  }
0xbb: {  	s7 =	sadd.s32 $0x80, s3  }
0xbc: {  	[tilespmem:s17], [sflag:$0x2] =	stream.indirect.gather [hbm4b:s4+s15], $0x10, s7, s15, $0xb8;
	[tilespmem:$0xE000] =	vst v63  }
0xbd: {  	s12 =	sadd.s32 $0x100, s3  }
0xbe: {  	[tilespmem:s18], [sflag:$0x3] =	stream.indirect.gather [hbm4b:s4+s15], $0x10, s12, s15, $0xb8;
	[tilespmem:$0xE000] =	vst v63  }
0xbf: {  	s11 =	sadd.s32 $0x180, s3  }
0xc0: {  	[tilespmem:s19], [sflag:$0x4] =	stream.indirect.gather [hbm4b:s4+s15], $0x10, s11, s15, $0xb8;
	[tilespmem:$0xE000] =	vst v63  }
0xc1: {  	s12 =	sadd.s32 $0x200, s3  }
0xc2: {  	[tilespmem:s20], [sflag:$0x5] =	stream.indirect.gather [hbm4b:s4+s15], $0x10, s12, s15, $0xb8;
	[tilespmem:$0xE000] =	vst v63  }
0xc3: {  	s11 =	sadd.s32 $0x280, s3  }
0xc4: {  	[tilespmem:s21], [sflag:$0x6] =	stream.indirect.gather [hbm4b:s4+s15], $0x10, s11, s15, $0xb8;
	[tilespmem:$0xE000] =	vst v63  }
0xc5: {  	s12 =	sadd.s32 $0x300, s3  }
0xc6: {  	[tilespmem:s22], [sflag:$0x7] =	stream.indirect.gather [hbm4b:s4+s15], $0x10, s12, s15, $0xb8;
	[tilespmem:$0xE000] =	vst v63  }
0xc7: {  	s11 =	sadd.s32 $0x380, s3  }
0xc8: {  	[tilespmem:s23], [sflag:$0x8] =	stream.indirect.gather [hbm4b:s4+s15], $0x10, s11, s15, $0xb8;
	[tilespmem:$0xE000] =	vst v63  }
0xc9: {  	_ =	swait.ge [sflag:s13], $0x800  }
0xca: {  	[sflag:s13] =	ssyncset.done $0x0  }
0xcb: {  	s12 =	sadd.s32 $0x2800, s3;
	[sflag:s13] =	ssyncadd.s32 $0xFFFFF800  }
0xcc: {  	[spmem:s2] =	stream.indirect.scatter.add.f32 [tilespmem:s16], [sflag:$0x9], $0x10, s12, s15, $0xb8;
	[tilespmem:$0xE000] =	vst v63  }
0xcd: {  	_ =	swait.ge [sflag:s24], $0x800  }
0xce: {  	[sflag:s24] =	ssyncset.done $0x0  }
0xcf: {  	s11 =	sadd.s32 $0x2880, s3;
	[sflag:s24] =	ssyncadd.s32 $0xFFFFF800  }
0xd0: {  	[spmem:s2] =	stream.indirect.scatter.add.f32 [tilespmem:s17], [sflag:$0xA], $0x10, s11, s15, $0xb8;
	[tilespmem:$0xE000] =	vst v63  }
0xd1: {  	_ =	swait.ge [sflag:s25], $0x800  }
0xd2: {  	[sflag:s25] =	ssyncset.done $0x0  }
0xd3: {  	s12 =	sadd.s32 $0x2900, s3;
	[sflag:s25] =	ssyncadd.s32 $0xFFFFF800  }
0xd4: {  	[spmem:s2] =	stream.indirect.scatter.add.f32 [tilespmem:s18], [sflag:$0xB], $0x10, s12, s15, $0xb8;
	[tilespmem:$0xE000] =	vst v63  }
0xd5: {  	_ =	swait.ge [sflag:s26], $0x800  }
0xd6: {  	[sflag:s26] =	ssyncset.done $0x0  }
0xd7: {  	s11 =	sadd.s32 $0x2980, s3;
	[sflag:s26] =	ssyncadd.s32 $0xFFFFF800  }
0xd8: {  	[spmem:s2] =	stream.indirect.scatter.add.f32 [tilespmem:s19], [sflag:$0xC], $0x10, s11, s15, $0xb8;
	[tilespmem:$0xE000] =	vst v63  }
0xd9: {  	_ =	swait.ge [sflag:s28], $0x800  }
0xda: {  	[sflag:s28] =	ssyncset.done $0x0  }
0xdb: {  	s12 =	sadd.s32 $0x2A00, s3;
	[sflag:s28] =	ssyncadd.s32 $0xFFFFF800  }
0xdc: {  	[spmem:s2] =	stream.indirect.scatter.add.f32 [tilespmem:s20], [sflag:$0xD], $0x10, s12, s15, $0xb8;
	[tilespmem:$0xE000] =	vst v63  }
0xdd: {  	_ =	swait.ge [sflag:s29], $0x800  }
0xde: {  	[sflag:s29] =	ssyncset.done $0x0  }
0xdf: {  	s11 =	sadd.s32 $0x2A80, s3;
	[sflag:s29] =	ssyncadd.s32 $0xFFFFF800  }
0xe0: {  	[spmem:s2] =	stream.indirect.scatter.add.f32 [tilespmem:s21], [sflag:$0xE], $0x10, s11, s15, $0xb8;
	[tilespmem:$0xE000] =	vst v63  }
0xe1: {  	_ =	swait.ge [sflag:s30], $0x800  }
0xe2: {  	[sflag:s30] =	ssyncset.done $0x0  }
0xe3: {  	s12 =	sadd.s32 $0x2B00, s3;
	[sflag:s30] =	ssyncadd.s32 $0xFFFFF800  }
0xe4: {  	[spmem:s2] =	stream.indirect.scatter.add.f32 [tilespmem:s22], [sflag:$0xF], $0x10, s12, s15, $0xb8;
	[tilespmem:$0xE000] =	vst v63  }
0xe5: {  	_ =	swait.ge [sflag:s31], $0x800  }
0xe6: {  	[sflag:s31] =	ssyncset.done $0x0  }
0xe7: {  	s3 =	sadd.s32 $0x2B80, s3;
	[sflag:s31] =	ssyncadd.s32 $0xFFFFF800  }
0xe8: {  	[spmem:s2] =	stream.indirect.scatter.add.f32 [tilespmem:s23], [sflag:$0x10], $0x10, s3, s15, $0xb8;
	[tilespmem:$0xE000] =	vst v63  }
0xe9: {  	_ =	swait.ge [sflag:s14], $0x800  }
0xea: {  	[sflag:s14] =	ssyncset.done $0x0  }
0xeb: {  	[sflag:s14] =	ssyncadd.s32 $0xFFFFF800  }
0xec: {  	_ =	swait.ge [sflag:s0], $0x800  }
0xed: {  	[sflag:s0] =	ssyncset.done $0x0  }
0xee: {  	[sflag:s0] =	ssyncadd.s32 $0xFFFFF800  }
0xef: {  	_ =	swait.ge [sflag:s1], $0x800  }
0xf0: {  	[sflag:s1] =	ssyncset.done $0x0  }
0xf1: {  	[sflag:s1] =	ssyncadd.s32 $0xFFFFF800  }
0xf2: {  	_ =	swait.ge [sflag:s10], $0x800  }
0xf3: {  	[sflag:s10] =	ssyncset.done $0x0  }
0xf4: {  	[sflag:s10] =	ssyncadd.s32 $0xFFFFF800  }
0xf5: {  	_ =	swait.ge [sflag:s5], $0x800  }
0xf6: {  	[sflag:s5] =	ssyncset.done $0x0  }
0xf7: {  	[sflag:s5] =	ssyncadd.s32 $0xFFFFF800  }
0xf8: {  	_ =	swait.ge [sflag:s6], $0x800  }
0xf9: {  	[sflag:s6] =	ssyncset.done $0x0  }
0xfa: {  	[sflag:s6] =	ssyncadd.s32 $0xFFFFF800  }
0xfb: {  	_ =	swait.ge [sflag:s8], $0x800  }
0xfc: {  	[sflag:s8] =	ssyncset.done $0x0  }
0xfd: {  	[sflag:s8] =	ssyncadd.s32 $0xFFFFF800  }
0xfe: {  	_ =	swait.ge [sflag:s9], $0x800  }
0xff: {  	[sflag:s9] =	ssyncset.done $0x0  }
0x100: {  	[sflag:s9] =	ssyncadd.s32 $0xFFFFF800  }
0x101: {  	[bflag:$0x0] =	sbarrier.arrive $0xFFFF  }
0x102: {  	s7 =	simm.s32 $0x11;
	s12 =	simm.s32 $0x9000;
	s11 =	rddreg [dreg:$0x5]  }
0x103: {  	[tilespmem:s12], [sflag:$0x11] =	stream.linear.gather [spmem:s11], $0x2800, $0x38;
	[tilespmem:$0xE000] =	vst v63  }
0x104: {  	_ =	swait.ge [sflag:s7], $0x2800  }
0x105: {  	[sflag:s7] =	ssyncset.done $0x0  }
0x106: {  	s11 =	simm.s32 $0x0;
	s3 =	rddreg [dreg:$0x6];
	[sflag:s7] =	ssyncadd.s32 $0xFFFFD800  }
0x107: {  	[hbm4b:s3+s11] =	stream.linear.scatter [tilespmem:s12], [sflag:$0x11], $0x2800, $0x38;
	[tilespmem:$0xE000] =	vst v63  }
0x108: {  	_ =	swait.ge [sflag:s7], $0x2800  }
0x109: {  	s3 =	rddreg [dreg:$0x8]  }
0x10a: {  	s12 =	sadd.s32 $0x1, s3;
	s3 =	rddreg [dreg:$0x7]  }
0x10b: {  	p0 =	sne.s32 s12, s3  }
.Ltmp2:
0x10c: {  	_ = 	snop;
	(pc) =	sbr.rel @p0 .LBB2_1-.Ltmp2, $3  }
0x10d: {  	_ =	sdelay $0x1  }
0x10e: {  	[sflag:s7] =	ssyncset.done $0x0  }
0x10f: {  	[sflag:s7] =	ssyncadd.s32 $0xFFFFD800;
	[dreg:$0x8] =	wrdreg s12  }
0x110: {  	_ =	sfence.sel $0x180000  }
0x111: {  	[bflag:$0x0] =	sbarrier.arrive $0xFFFF  }
0x112: {  	_ =	strace $0x9000004A  }
0x113: {  	s0 =	stileid.u32;
	[bflag:$0x2] =	sbarrier.arrive $0xFFFF  }
0x114: {  	p0 =	sne.s32 s0, $0x0;
	s0 =	rddreg [dreg:$0x2]  }
0x115: {  	s0 =	sadd.s32 @!p0 $0x100000, s0  }
0x116: {  	[sflag:s0] =	ssyncadd.tile.s32 @!p0 $0x1;
	_ =	shalt  }
.Lfunc_end2:
_tile_overlayer_lowered:
.L_overlay_start_2:
0x117: {  	(tag) =	ssettag $0x2  }
0x118: {  	s0 =	rddreg [dreg:$0x0];
	s2 =	stileid.u32  }
0x119: {  	s1 =	rddreg [dreg:$0x1];
	p0 =	sne.s32 s2, $0x0  }
0x11a: {  	s3 =	rddreg [dreg:$0x2];
	[bflag:$0x3] =	sbarrier.arrive $0xFFFF;
	s2 =	simm.s32 @!p0 $0x1C11  }
0x11b: {  	[timem:s3], [sflag:s2] =	dma.local @!p0 [hbm:s0], s1  }
0x11c: {  	s0 =	simm.s32 @!p0 $0x11  }
0x11d: {  	_ =	swait.ge @!p0 [sflag:s0], s1  }
0x11e: {  	s1 =	ssub.s32 @!p0 $0x0, s1;
	[sflag:s0] =	ssyncset.done @!p0 $0x0  }
0x11f: {  	[sflag:s0] =	ssyncadd.s32 @!p0 s1  }
0x120: {  	[bflag:$0x3] =	sbarrier.arrive $0xFFFF  }
0x121: {  	_ =	shalt  }

// kernel: kernel.15.cloned.1.call-start
scs
__scs_entry_jumppad:
0x0: {  	(pc) =	sbr.rel $0x88, $3  }
0x1: {  	(tag) =	ssettag $0x0;
	lr =	simm.s32 $0x1  }
0x2: {  	[smem:$0x3F98] =	sst lr;
	_ =	strace $0xD0000000  }
0x3: {  	_ = 	snop  }
0x4: {  	_ = 	snop  }
0x5: {  	_ = 	snop  }
0x6: {  	_ = 	snop  }
0x7: {  	_ = 	snop  }
__scs_overlays_trampoline_lowered:
0x8: {  	[smem:$0x3FA7] =	sst s0  }
0x9: {  	[smem:$0x3FA8] =	sst s1  }
0xa: {  	[smem:$0x3FA9] =	sst s2  }
0xb: {  	[smem:$0x3FAA] =	sst s3  }
0xc: {  	[smem:$0x3FAB] =	sst s4  }
0xd: {  	[smem:$0x3FAC] =	sst s5  }
0xe: {  	[smem:$0x3FAD] =	sst s6  }
0xf: {  	[smem:$0x3FAE] =	sst s7  }
0x10: {  	[smem:$0x3FAF] =	sst s8  }
0x11: {  	[smem:$0x3FB0] =	sst s9;
	s0 =	simm.s32 @!p0 $0x0  }
0x12: {  	s1 =	sld [smem:$0x3F96];
	s0 =	simm.s32 @p0 $0x1  }
0x13: {  	[smem:$0x3FB1] =	sst s0;
	s0 =	simm.s32 @!p1 $0x0  }
0x14: {  	s2 =	sld [smem:$0x3F95];
	s0 =	simm.s32 @p1 $0x1  }
0x15: {  	[smem:$0x3FB2] =	sst s0;
	s0 =	simm.s32 @!p2 $0x0  }
0x16: {  	s3 =	sld [smem:$0x3FDB];
	s0 =	simm.s32 @p2 $0x1  }
0x17: {  	s4 =	simm.s32 $0x1BF5;
	[smem:$0x3FB4] =	sst s0  }
0x18: {  	s0 =	sld [smem:$0x3F97];
	_ =	swait.ge [sflag:s4], $0x0  }
0x19: {  	s7 =	sld [smem:$0x3F98]  }
0x1a: {  	s8 =	sadd.s32 $0xFFFFE003, lr  }
0x1b: {  	s9 =	sadd.s32 $0xFFFFFEF7, lr;
	s5 =	simm.s32 $0xFFFFFFFF;
	p2 =	slt.u32 s8, $0xFFFFF086  }
0x1c: {  	p1 =	slt.u32 s9, $0xF7A;
	s5 =	simm.s32 @!p2 $0x0  }
0x1d: {  	s5 =	simm.s32 @p1 $0x1;
	p0 =	seq.s32 s7, s2  }
0x1e: {  	s7 =	smul.u32 @!p0 $0xF7A, s2;
	p2 =	seq.s32 @!p0 s5, $0x0  }
0x1f: {  	s9 =	smul.u32 $0xF7A, s1;
	s8 =	simm.s32 @!p0 $0x1BF5;
	p2 =	por !p2, p0  }
0x20: {  	[sflag:s8] =	ssyncset.s32 @!p0 $0xFFFFF086;
	s6 =	sadd.s32 @!p0 s3, s7;
	s7 =	simm.s32 @!p0 $0x108  }
0x21: {  	s3 =	sadd.s32 s3, s9;
	s6 =	sadd.s32 @!p0 $0x88, s6;
	s7 =	simm.s32 @p2 $0x1082  }
0x22: {  	[simem:s7], [sflag:s8] =	dma.local @!p0 [hbm:s6], $0xF7A  }
0x23: {  	s9 =	sor.u32 $0xD0000000, s2;
	s6 =	simm.s32 $0x108;
	_ =	swait.ge @!p0 [sflag:s8], $0x0  }
0x24: {  	s3 =	sadd.s32 $0x88, s3;
	s6 =	simm.s32 @!p1 $0x1082;
	[sflag:s4] =	ssyncset.s32 $0xFFFFF086  }
0x25: {  	[simem:s6], [sflag:s4] =	dma.local [hbm:s3], $0xF7A  }
0x26: {  	[smem:$0x3F98] =	sst s1;
	(tag) =	ssettag s2;
	_ =	strace s9  }
0x27: {  	s1 =	sld [smem:$0x3FA8]  }
0x28: {  	s2 =	sld [smem:$0x3FA9]  }
0x29: {  	s4 =	sld [smem:$0x3FAB]  }
0x2a: {  	p0 =	seq.s32 s5, $0x0;
	s5 =	sld [smem:$0x3FAC]  }
0x2b: {  	s6 =	sld [smem:$0x3FAD]  }
0x2c: {  	s7 =	sld [smem:$0x3FAE]  }
0x2d: {  	s3 =	simm.s32 $0x108;
	s8 =	sld [smem:$0x3FAF]  }
0x2e: {  	s3 =	simm.s32 @!p0 $0x1082;
	s9 =	sld [smem:$0x3FB0]  }
0x2f: {  	lr =	sadd.s32 s0, s3;
	s0 =	sld [smem:$0x3FA7]  }
0x30: {  	s3 =	sld [smem:$0x3FAA]  }
0x31: {  	[smem:$0x3FB3] =	sst s10  }
0x32: {  	s10 =	sld [smem:$0x3FB1];
	_ =	sdelay $0x3  }
0x33: {  	p0 =	seq.s32 s10, $0x1;
	s10 =	sld [smem:$0x3FB3];
	_ =	sdelay $0x3  }
0x34: {  	[smem:$0x3FB3] =	sst s10  }
0x35: {  	s10 =	sld [smem:$0x3FB2];
	_ =	sdelay $0x3  }
0x36: {  	p1 =	seq.s32 s10, $0x1;
	s10 =	sld [smem:$0x3FB3];
	_ =	sdelay $0x3  }
0x37: {  	[smem:$0x3FB3] =	sst s10  }
0x38: {  	s10 =	sld [smem:$0x3FB4]  }
0x39: {  	_ = 	snop;
	(pc) =	sbr.ind lr, $3  }
0x3a: {  	_ = 	snop  }
0x3b: {  	_ = 	snop  }
0x3c: {  	p2 =	seq.s32 s10, $0x1;
	s10 =	sld [smem:$0x3FB3]  }
0x3d: {  	_ =	shalt  }
0x3e: {  	_ =	shalt  }
0x3f: {  	_ =	shalt  }
0x40: {  	_ =	shalt  }
0x41: {  	_ =	shalt  }
0x42: {  	_ =	shalt  }
0x43: {  	_ =	shalt  }
0x44: {  	_ =	shalt  }
0x45: {  	_ =	shalt  }
0x46: {  	_ =	shalt  }
0x47: {  	_ =	shalt  }
0x48: {  	_ =	shalt  }
0x49: {  	_ =	shalt  }
0x4a: {  	_ =	shalt  }
0x4b: {  	_ =	shalt  }
0x4c: {  	_ =	shalt  }
0x4d: {  	_ =	shalt  }
0x4e: {  	_ =	shalt  }
0x4f: {  	_ =	shalt  }
0x50: {  	_ =	shalt  }
0x51: {  	_ =	shalt  }
0x52: {  	_ =	shalt  }
0x53: {  	_ =	shalt  }
0x54: {  	_ =	shalt  }
0x55: {  	_ =	shalt  }
0x56: {  	_ =	shalt  }
0x57: {  	_ =	shalt  }
0x58: {  	_ =	shalt  }
0x59: {  	_ =	shalt  }
0x5a: {  	_ =	shalt  }
0x5b: {  	_ =	shalt  }
0x5c: {  	_ =	shalt  }
0x5d: {  	_ =	shalt  }
0x5e: {  	_ =	shalt  }
0x5f: {  	_ =	shalt  }
0x60: {  	_ =	shalt  }
0x61: {  	_ =	shalt  }
0x62: {  	_ =	shalt  }
0x63: {  	_ =	shalt  }
0x64: {  	_ =	shalt  }
0x65: {  	_ =	shalt  }
0x66: {  	_ =	shalt  }
0x67: {  	_ =	shalt  }
0x68: {  	_ =	shalt  }
0x69: {  	_ =	shalt  }
0x6a: {  	_ =	shalt  }
0x6b: {  	_ =	shalt  }
0x6c: {  	_ =	shalt  }
0x6d: {  	_ =	shalt  }
0x6e: {  	_ =	shalt  }
0x6f: {  	_ =	shalt  }
0x70: {  	_ =	shalt  }
0x71: {  	_ =	shalt  }
0x72: {  	_ =	shalt  }
0x73: {  	_ =	shalt  }
0x74: {  	_ =	shalt  }
0x75: {  	_ =	shalt  }
0x76: {  	_ =	shalt  }
0x77: {  	_ =	shalt  }
0x78: {  	_ =	shalt  }
0x79: {  	_ =	shalt  }
0x7a: {  	_ =	shalt  }
0x7b: {  	_ =	shalt  }
0x7c: {  	_ =	shalt  }
0x7d: {  	_ =	shalt  }
0x7e: {  	_ =	shalt  }
0x7f: {  	_ =	shalt  }
0x80: {  	_ =	shalt  }
0x81: {  	_ =	shalt  }
0x82: {  	_ =	shalt  }
0x83: {  	_ =	shalt  }
0x84: {  	_ =	shalt  }
0x85: {  	_ =	shalt  }
0x86: {  	_ =	shalt  }
0x87: {  	_ =	shalt  }
.Lfunc_end0:
.L_simem_size_0:
called_computation.2_lowered:
.L_overlay_start_0:
0x88: {  	s2 =	sld [smem:$0x3FD9]  }
0x89: {  	s3 =	sld [smem:$0x3FFE];
	_ =	sdelay $0x1  }
0x8a: {  	s1 =	srdreg.scid  }
0x8b: {  	s0 =	sand.u32 $0x1, s1  }
0x8c: {  	s16 =	sshll.u32 s0, $0xA;
	s2 =	sadd.s32 s3, s2  }
0x8d: {  	s2 =	sadd.s32 s2, s16  }
0x8e: {  	[smem:$0x3FBF] =	sst s2  }
0x8f: {  	_ = 	snop  }
0x90: {  	(tm) =	ssettm $0x1  }
0x91: {  	s17 =	sld [smem:$0x3FFB];
	_ =	sdelay $0x3  }
0x92: {  	_ =	strace s17  }
0x93: {  	s2 =	sld [smem:$0x3FFC];
	_ =	sdelay $0x3  }
0x94: {  	_ =	strace s2  }
0x95: {  	s2 =	sld [smem:$0x3FFD];
	_ =	sdelay $0x3  }
0x96: {  	_ =	strace s2  }
0x97: {  	_ =	strace $0x8FFFFFFF  }
0x98: {  	s18 =	sld [smem:$0x3FDB];
	_ =	sdelay $0x1  }
0x99: {  	s19 =	simm.s32 $_scs_section_size  }
0x9a: {  	s4 =	simm.s32 $_size__tile_overlayer_lowered;
	s5 =	simm.s32 $_tile_overlayer_lowered  }
0x9b: {  	s22 =	simm.s32 $0x1BFF;
	s21 =	sshll.u32 s5, $0x1;
	s2 =	sadd.s32 s19, s18  }
0x9c: {  	s6 =	simm.s32 $0x0;
	s20 =	sshll.u32 s4, $0x1;
	s4 =	sadd.s32 s21, s2  }
0x9d: {  	[timem:s6], [sflag:s22] =	dma.local [hbm:s4], s20  }
0x9e: {  	_ =	swait.ge [sflag:s22], s20  }
0x9f: {  	s3 =	ssub.s32 $0x0, s20;
	[sflag:s22] =	ssyncset.done $0x0  }
0xa0: {  	[sflag:s22] =	ssyncadd.s32 s3;
	_ =	sdelay $0x1  }
0xa1: {  	s23 =	simm.s32 $0x1B8B  }
0xa2: {  	_ =	swait.ge [sflag:s23], $0x1  }
0xa3: {  	[sflag:s23] =	ssyncset.done $0x0  }
0xa4: {  	s25 =	simm.s32 $0x1B8E;
	s24 =	sld [smem:$0x3FFE];
	[sflag:s23] =	ssyncadd.s32 $0xFFFFFFFF  }
0xa5: {  	s26 =	simm.s32 $execute0_lowered;
	[smem:$0x3FD2] =	sst s25  }
0xa6: {  	s4 =	sshll.u32 s26, $0x1;
	_ =	strace $0x8000004C;
	[dreg:$0x1] =	wrdreg $0xFFFFFFFF  }
0xa7: {  	s28 =	simm.s32 $_size_execute0_lowered;
	s2 =	sadd.s32 s2, s4;
	[dreg:$0x0] =	wrdreg $0x0  }
0xa8: {  	s4 =	sshll.u32 s28, $0x1;
	[dreg:$0x2] =	wrdreg s2  }
0xa9: {  	[dreg:$0x3] =	wrdreg s4  }
0xaa: {  	[dreg:$0x4] =	wrdreg $0xC0  }
0xab: {  	_ =	task [dreg:s6], $0x5FFFF  }
0xac: {  	[dreg:$0x1] =	wrdreg $0xFFFFFFFF  }
0xad: {  	[dreg:$0x0] =	wrdreg $0x60  }
0xae: {  	[dreg:$0x2] =	wrdreg s24  }
0xaf: {  	[dreg:$0x3] =	wrdreg $0x120000  }
0xb0: {  	[dreg:$0x4] =	wrdreg $0x9  }
0xb1: {  	_ =	task.clear_ibuf [dreg:s6], $0x5FFFF;
	_ =	strace $0x9000004C  }
0xb2: {  	s29 =	simm.s32 $0x9;
	_ =	strace $0x8000004E  }
0xb3: {  	_ =	swait.ge [sflag:s29], $0x1  }
0xb4: {  	[sflag:s29] =	ssyncadd.s32 $0xFFFFFFFF  }
0xb5: {  	_ =	strace $0x9000004E  }
0xb6: {  	_ =	sfence  }
0xb7: {  	s30 =	sld [smem:$0x0];
	_ =	sdelay $0x2  }
0xb8: {  	s31 =	sshll.u32 s1, $0xD;
	s1 =	sshrl.u32 s1, $0x2  }
0xb9: {  	s3 =	sand.u32 $0x4000, s31;
	s1 =	sadd.s32 s1, s30  }
0xba: {  	s0 =	sor.u32 s3, s0;
	s1 =	sshll.u32 s1, $0x11  }
0xbb: {  	s0 =	sor.u32 s1, s0  }
0xbc: {  	s0 =	sadd.s32 $0x8F2B, s0  }
0xbd: {  	[sflag:s0] =	ssyncadd.remote.s32 $0x1  }
0xbe: {  	_ =	sfence.sel $0xFFFF  }
0xbf: {  	[dreg:$0x0] =	wrdreg $0xFFFFFFFF;
	(pc) =	sbr.abs _section_cstart, $3  }
0xc0: {  	[dreg:$0x1] =	wrdreg $0xFFFFFFFF  }
0xc1: {  	_ =	task.clear_ibuf [dreg:s6], $0x2FFFF;
	_ =	strace $0x9FFFFFFF  }
0xc2: {  	(tm) =	ssettm $0x7FFFFFFF  }
0xc3: {  	_ =	shalt  }
tec
execute0_lowered:
.L_overlay_start_1:
0x0: {  	(tag) =	ssettag $0x1  }
0x1: {  	s0 =	rddreg [dreg:$0x0]  }
0x2: {  	s2 =	rddreg [dreg:$0x1]  }
0x3: {  	s1 =	srdreg.scid;
	s4 =	stileid.u32  }
0x4: {  	s11 =	simm.s32 $0x0;
	s13 =	simm.s32 $0x1;
	s14 =	simm.s32 $0x9  }
0x5: {  	s15 =	simm.s32 $0x80;
	s16 =	simm.s32 $0x5000;
	s17 =	simm.s32 $0x6000  }
0x6: {  	s18 =	simm.s32 $0x7000;
	s19 =	simm.s32 $0x8000;
	s20 =	simm.s32 $0x9000  }
0x7: {  	s21 =	simm.s32 $0xA000;
	s22 =	simm.s32 $0xB000;
	s23 =	simm.s32 $0xC000  }
0x8: {  	s24 =	simm.s32 $0x2;
	s25 =	simm.s32 $0x3;
	s26 =	simm.s32 $0x4  }
0x9: {  	s28 =	simm.s32 $0x5;
	s29 =	simm.s32 $0x6;
	s30 =	simm.s32 $0x7  }
0xa: {  	s31 =	simm.s32 $0x8;
	s12 =	simm.s32 $0x0;
	s1 =	sand.u32 $0x1, s1  }
0xb: {  	s5 =	smul.u32 $0x5000, s4;
	[smem:$0x7FF] =	sst s11;
	s3 =	sshll.u32 s1, $0x4  }
0xc: {  	s6 =	smul.u32 $0x50000, s1;
	_ =	strace $0x8000004D;
	s1 =	ssub.s32 $0x2, s1  }
0xd: {  	[dreg:$0x8] =	wrdreg s12;
	s3 =	sor.u32 s4, s3;
	s4 =	sadd.s32 $0x17400, s0  }
0xe: {  	s7 =	sshrl.u32 s1, $0x1;
	s9 =	sadd.s32 s5, s2;
	s3 =	smul.u32 $0x500, s3  }
0xf: {  	s6 =	sadd.s32 s5, s6;
	s1 =	ssub.s32 s1, s7;
	[dreg:$0x5] =	wrdreg s9  }
0x10: {  	s5 =	simm.s32 $0xD;
	s9 =	simm.s32 $0x10;
	s6 =	sshrl.u32 s6, $0x3  }
0x11: {  	s10 =	smax.u32 s1, $0x1;
	s1 =	simm.s32 $0xB;
	s3 =	sadd.s32 s3, s0  }
0x12: {  	s0 =	sadd.s32 s6, s0;
	[dreg:$0x7] =	wrdreg s10;
	s8 =	sadd.s32 $0xD400, s3  }
0x13: {  	s10 =	simm.s32 $0xC;
	s3 =	sadd.s32 $0x3400, s3;
	[dreg:$0x3] =	wrdreg s8  }
0x14: {  	s6 =	simm.s32 $0xE;
	s0 =	sadd.s32 $0x21400, s0;
	[dreg:$0x4] =	wrdreg s3  }
0x15: {  	v0 =	vimm.f32 $0.0e+00;
	[dreg:$0x6] =	wrdreg s0;
	s0 =	simm.s32 $0xA;
	s8 =	simm.s32 $0xF  }
.LBB2_1:
0x16: {  	s3 =	rddreg [dreg:$0x3]  }
0x17: {  	[tilespmem:s11], [sflag:$0x1] =	stream.linear.gather [hbm4b:s3+s11], $0x2800, $0x38;
	[tilespmem:$0x17000] =	vst v63  }
0x18: {  	s12 =	rddreg [dreg:$0x4];
	s7 =	simm.s32 $0x2800  }
0x19: {  	[tilespmem:s7], [sflag:$0x9] =	stream.linear.gather [hbm4b:s12+s11], $0x2800, $0x38;
	[tilespmem:$0x17000] =	vst v63  }
0x1a: {  	s3 =	simm.s32 $0x0;
	s7 =	simm.s32 $0x80  }
.LBB2_2:
0x1b: {  	p0 =	sne.s32 s7, $0x13F80;
	[tilespmem:s3+$0xD000] =	vst v0;
	s11 =	smov.u32 s7;
	s7 =	sadd.s32 $0x80, s7  }
.Ltmp0:
0x1c: {  	[tilespmem:s3+$0xD010] =	vst v0;
	(pc) =	sbr.rel @p0 .LBB2_2-.Ltmp0, $2  }
0x1d: {  	_ =	sdelay $0x2  }
0x1e: {  	s3 =	sshra.s32 s11, $0x2  }
0x1f: {  	[tilespmem:s3+$0xD000] =	vst v0  }
0x20: {  	[tilespmem:s3+$0xD010] =	vst v0;
	s7 =	rddreg [dreg:$0x5];
	s12 =	simm.s32 $0xD000;
	s11 =	simm.s32 $0x11  }
0x21: {  	[spmem:s7] =	stream.linear.scatter [tilespmem:s12], [sflag:$0x11], $0x5000, $0x38;
	[tilespmem:$0x17000] =	vst v63  }
0x22: {  	_ =	swait.ge [sflag:s11], $0x5000  }
0x23: {  	[sflag:s11] =	ssyncset.done $0x0  }
0x24: {  	[sflag:s11] =	ssyncadd.s32 $0xFFFFB000  }
0x25: {  	[bflag:$0x0] =	sbarrier.arrive $0xFFFF  }
0x26: {  	_ =	swait.ge [sflag:s13], $0x2800  }
0x27: {  	[sflag:s13] =	ssyncset.done $0x0  }
0x28: {  	[sflag:s13] =	ssyncadd.s32 $0xFFFFD800  }
0x29: {  	_ =	swait.ge [sflag:s14], $0x2800  }
0x2a: {  	[sflag:s14] =	ssyncset.done $0x0  }
0x2b: {  	s12 =	simm.s32 $0x0;
	[sflag:s14] =	ssyncadd.s32 $0xFFFFD800  }
0x2c: {  	[tilespmem:s16], [sflag:$0x1] =	stream.indirect.gather [hbm4b:s4+s15], $0x20, s12, s15, $0xb8;
	[tilespmem:$0x17000] =	vst v63  }
0x2d: {  	s7 =	simm.s32 $0x80  }
0x2e: {  	[tilespmem:s17], [sflag:$0x2] =	stream.indirect.gather [hbm4b:s4+s15], $0x20, s7, s15, $0xb8;
	[tilespmem:$0x17000] =	vst v63  }
0x2f: {  	s11 =	simm.s32 $0x100  }
0x30: {  	[tilespmem:s18], [sflag:$0x3] =	stream.indirect.gather [hbm4b:s4+s15], $0x20, s11, s15, $0xb8;
	[tilespmem:$0x17000] =	vst v63  }
0x31: {  	s12 =	simm.s32 $0x180  }
0x32: {  	[tilespmem:s19], [sflag:$0x4] =	stream.indirect.gather [hbm4b:s4+s15], $0x20, s12, s15, $0xb8;
	[tilespmem:$0x17000] =	vst v63  }
0x33: {  	s7 =	simm.s32 $0x200  }
0x34: {  	[tilespmem:s20], [sflag:$0x5] =	stream.indirect.gather [hbm4b:s4+s15], $0x20, s7, s15, $0xb8;
	[tilespmem:$0x17000] =	vst v63  }
0x35: {  	s11 =	simm.s32 $0x280  }
0x36: {  	[tilespmem:s21], [sflag:$0x6] =	stream.indirect.gather [hbm4b:s4+s15], $0x20, s11, s15, $0xb8;
	[tilespmem:$0x17000] =	vst v63  }
0x37: {  	s12 =	simm.s32 $0x300  }
0x38: {  	[tilespmem:s22], [sflag:$0x7] =	stream.indirect.gather [hbm4b:s4+s15], $0x20, s12, s15, $0xb8;
	[tilespmem:$0x17000] =	vst v63  }
0x39: {  	s7 =	simm.s32 $0x380  }
0x3a: {  	[tilespmem:s23], [sflag:$0x8] =	stream.indirect.gather [hbm4b:s4+s15], $0x20, s7, s15, $0xb8;
	[tilespmem:$0x17000] =	vst v63  }
0x3b: {  	_ =	swait.ge [sflag:s13], $0x1000  }
0x3c: {  	[sflag:s13] =	ssyncset.done $0x0  }
0x3d: {  	s11 =	simm.s32 $0x2800;
	[sflag:s13] =	ssyncadd.s32 $0xFFFFF000  }
0x3e: {  	[spmem:s2] =	stream.indirect.scatter.add.f32 [tilespmem:s16], [sflag:$0x9], $0x20, s11, s15, $0xb8;
	[tilespmem:$0x17000] =	vst v63  }
0x3f: {  	_ =	swait.ge [sflag:s24], $0x1000  }
0x40: {  	[sflag:s24] =	ssyncset.done $0x0  }
0x41: {  	s12 =	simm.s32 $0x2880;
	[sflag:s24] =	ssyncadd.s32 $0xFFFFF000  }
0x42: {  	[spmem:s2] =	stream.indirect.scatter.add.f32 [tilespmem:s17], [sflag:$0xA], $0x20, s12, s15, $0xb8;
	[tilespmem:$0x17000] =	vst v63  }
0x43: {  	_ =	swait.ge [sflag:s25], $0x1000  }
0x44: {  	[sflag:s25] =	ssyncset.done $0x0  }
0x45: {  	s7 =	simm.s32 $0x2900;
	[sflag:s25] =	ssyncadd.s32 $0xFFFFF000  }
0x46: {  	[spmem:s2] =	stream.indirect.scatter.add.f32 [tilespmem:s18], [sflag:$0xB], $0x20, s7, s15, $0xb8;
	[tilespmem:$0x17000] =	vst v63  }
0x47: {  	_ =	swait.ge [sflag:s26], $0x1000  }
0x48: {  	[sflag:s26] =	ssyncset.done $0x0  }
0x49: {  	s11 =	simm.s32 $0x2980;
	[sflag:s26] =	ssyncadd.s32 $0xFFFFF000  }
0x4a: {  	[spmem:s2] =	stream.indirect.scatter.add.f32 [tilespmem:s19], [sflag:$0xC], $0x20, s11, s15, $0xb8;
	[tilespmem:$0x17000] =	vst v63  }
0x4b: {  	_ =	swait.ge [sflag:s28], $0x1000  }
0x4c: {  	[sflag:s28] =	ssyncset.done $0x0  }
0x4d: {  	s12 =	simm.s32 $0x2A00;
	[sflag:s28] =	ssyncadd.s32 $0xFFFFF000  }
0x4e: {  	[spmem:s2] =	stream.indirect.scatter.add.f32 [tilespmem:s20], [sflag:$0xD], $0x20, s12, s15, $0xb8;
	[tilespmem:$0x17000] =	vst v63  }
0x4f: {  	_ =	swait.ge [sflag:s29], $0x1000  }
0x50: {  	[sflag:s29] =	ssyncset.done $0x0  }
0x51: {  	s7 =	simm.s32 $0x2A80;
	[sflag:s29] =	ssyncadd.s32 $0xFFFFF000  }
0x52: {  	[spmem:s2] =	stream.indirect.scatter.add.f32 [tilespmem:s21], [sflag:$0xE], $0x20, s7, s15, $0xb8;
	[tilespmem:$0x17000] =	vst v63  }
0x53: {  	_ =	swait.ge [sflag:s30], $0x1000  }
0x54: {  	[sflag:s30] =	ssyncset.done $0x0  }
0x55: {  	s11 =	simm.s32 $0x2B00;
	[sflag:s30] =	ssyncadd.s32 $0xFFFFF000  }
0x56: {  	[spmem:s2] =	stream.indirect.scatter.add.f32 [tilespmem:s22], [sflag:$0xF], $0x20, s11, s15, $0xb8;
	[tilespmem:$0x17000] =	vst v63  }
0x57: {  	_ =	swait.ge [sflag:s31], $0x1000  }
0x58: {  	[sflag:s31] =	ssyncset.done $0x0  }
0x59: {  	s12 =	simm.s32 $0x2B80;
	[sflag:s31] =	ssyncadd.s32 $0xFFFFF000  }
0x5a: {  	[spmem:s2] =	stream.indirect.scatter.add.f32 [tilespmem:s23], [sflag:$0x10], $0x20, s12, s15, $0xb8;
	[tilespmem:$0x17000] =	vst v63  }
0x5b: {  	_ =	swait.ge [sflag:s14], $0x1000  }
0x5c: {  	[sflag:s14] =	ssyncset.done $0x0  }
0x5d: {  	[sflag:s14] =	ssyncadd.s32 $0xFFFFF000  }
0x5e: {  	_ =	swait.ge [sflag:s0], $0x1000  }
0x5f: {  	[sflag:s0] =	ssyncset.done $0x0  }
0x60: {  	[sflag:s0] =	ssyncadd.s32 $0xFFFFF000  }
0x61: {  	_ =	swait.ge [sflag:s1], $0x1000  }
0x62: {  	[sflag:s1] =	ssyncset.done $0x0  }
0x63: {  	[sflag:s1] =	ssyncadd.s32 $0xFFFFF000  }
0x64: {  	_ =	swait.ge [sflag:s10], $0x1000  }
0x65: {  	[sflag:s10] =	ssyncset.done $0x0  }
0x66: {  	[sflag:s10] =	ssyncadd.s32 $0xFFFFF000  }
0x67: {  	_ =	swait.ge [sflag:s5], $0x1000  }
0x68: {  	[sflag:s5] =	ssyncset.done $0x0  }
0x69: {  	[sflag:s5] =	ssyncadd.s32 $0xFFFFF000  }
0x6a: {  	_ =	swait.ge [sflag:s6], $0x1000  }
0x6b: {  	[sflag:s6] =	ssyncset.done $0x0  }
0x6c: {  	[sflag:s6] =	ssyncadd.s32 $0xFFFFF000  }
0x6d: {  	_ =	swait.ge [sflag:s8], $0x1000  }
0x6e: {  	[sflag:s8] =	ssyncset.done $0x0  }
0x6f: {  	[sflag:s8] =	ssyncadd.s32 $0xFFFFF000  }
0x70: {  	_ =	swait.ge [sflag:s9], $0x1000  }
0x71: {  	s7 =	simm.s32 $0x2000;
	s11 =	simm.s32 $0x1000;
	[sflag:s9] =	ssyncset.done $0x0  }
.LBB2_4:
0x72: {  	s12 =	sshra.s32 s11, $0x2  }
0x73: {  	[sflag:s9] =	ssyncadd.s32 $0xFFFFF000;
	s11 =	smov.u32 s7;
	s3 =	sadd.s32 $0x1000, s7  }
0x74: {  	[tilespmem:s16], [sflag:$0x1] =	stream.indirect.gather [hbm4b:s4+s15], $0x20, s12, s15, $0xb8;
	[tilespmem:$0x17000] =	vst v63  }
0x75: {  	p0 =	sne.s32 s7, $0x9000;
	s7 =	sadd.s32 $0x80, s12  }
0x76: {  	[tilespmem:s17], [sflag:$0x2] =	stream.indirect.gather [hbm4b:s4+s15], $0x20, s7, s15, $0xb8;
	[tilespmem:$0x17000] =	vst v63  }
0x77: {  	s7 =	sadd.s32 $0x100, s12  }
0x78: {  	[tilespmem:s18], [sflag:$0x3] =	stream.indirect.gather [hbm4b:s4+s15], $0x20, s7, s15, $0xb8;
	[tilespmem:$0x17000] =	vst v63  }
0x79: {  	s7 =	sadd.s32 $0x180, s12  }
0x7a: {  	[tilespmem:s19], [sflag:$0x4] =	stream.indirect.gather [hbm4b:s4+s15], $0x20, s7, s15, $0xb8;
	[tilespmem:$0x17000] =	vst v63  }
0x7b: {  	s7 =	sadd.s32 $0x200, s12  }
0x7c: {  	[tilespmem:s20], [sflag:$0x5] =	stream.indirect.gather [hbm4b:s4+s15], $0x20, s7, s15, $0xb8;
	[tilespmem:$0x17000] =	vst v63  }
0x7d: {  	s7 =	sadd.s32 $0x280, s12  }
0x7e: {  	[tilespmem:s21], [sflag:$0x6] =	stream.indirect.gather [hbm4b:s4+s15], $0x20, s7, s15, $0xb8;
	[tilespmem:$0x17000] =	vst v63  }
0x7f: {  	s7 =	sadd.s32 $0x300, s12  }
0x80: {  	[tilespmem:s22], [sflag:$0x7] =	stream.indirect.gather [hbm4b:s4+s15], $0x20, s7, s15, $0xb8;
	[tilespmem:$0x17000] =	vst v63  }
0x81: {  	s7 =	sadd.s32 $0x380, s12  }
0x82: {  	[tilespmem:s23], [sflag:$0x8] =	stream.indirect.gather [hbm4b:s4+s15], $0x20, s7, s15, $0xb8;
	[tilespmem:$0x17000] =	vst v63  }
0x83: {  	_ =	swait.ge [sflag:s13], $0x1000  }
0x84: {  	[sflag:s13] =	ssyncset.done $0x0  }
0x85: {  	s7 =	sadd.s32 $0x2800, s12;
	[sflag:s13] =	ssyncadd.s32 $0xFFFFF000  }
0x86: {  	[spmem:s2] =	stream.indirect.scatter.add.f32 [tilespmem:s16], [sflag:$0x9], $0x20, s7, s15, $0xb8;
	[tilespmem:$0x17000] =	vst v63  }
0x87: {  	_ =	swait.ge [sflag:s24], $0x1000  }
0x88: {  	[sflag:s24] =	ssyncset.done $0x0  }
0x89: {  	s7 =	sadd.s32 $0x2880, s12;
	[sflag:s24] =	ssyncadd.s32 $0xFFFFF000  }
0x8a: {  	[spmem:s2] =	stream.indirect.scatter.add.f32 [tilespmem:s17], [sflag:$0xA], $0x20, s7, s15, $0xb8;
	[tilespmem:$0x17000] =	vst v63  }
0x8b: {  	_ =	swait.ge [sflag:s25], $0x1000  }
0x8c: {  	[sflag:s25] =	ssyncset.done $0x0  }
0x8d: {  	s7 =	sadd.s32 $0x2900, s12;
	[sflag:s25] =	ssyncadd.s32 $0xFFFFF000  }
0x8e: {  	[spmem:s2] =	stream.indirect.scatter.add.f32 [tilespmem:s18], [sflag:$0xB], $0x20, s7, s15, $0xb8;
	[tilespmem:$0x17000] =	vst v63  }
0x8f: {  	_ =	swait.ge [sflag:s26], $0x1000  }
0x90: {  	[sflag:s26] =	ssyncset.done $0x0  }
0x91: {  	s7 =	sadd.s32 $0x2980, s12;
	[sflag:s26] =	ssyncadd.s32 $0xFFFFF000  }
0x92: {  	[spmem:s2] =	stream.indirect.scatter.add.f32 [tilespmem:s19], [sflag:$0xC], $0x20, s7, s15, $0xb8;
	[tilespmem:$0x17000] =	vst v63  }
0x93: {  	_ =	swait.ge [sflag:s28], $0x1000  }
0x94: {  	[sflag:s28] =	ssyncset.done $0x0  }
0x95: {  	s7 =	sadd.s32 $0x2A00, s12;
	[sflag:s28] =	ssyncadd.s32 $0xFFFFF000  }
0x96: {  	[spmem:s2] =	stream.indirect.scatter.add.f32 [tilespmem:s20], [sflag:$0xD], $0x20, s7, s15, $0xb8;
	[tilespmem:$0x17000] =	vst v63  }
0x97: {  	_ =	swait.ge [sflag:s29], $0x1000  }
0x98: {  	[sflag:s29] =	ssyncset.done $0x0  }
0x99: {  	s7 =	sadd.s32 $0x2A80, s12;
	[sflag:s29] =	ssyncadd.s32 $0xFFFFF000  }
0x9a: {  	[spmem:s2] =	stream.indirect.scatter.add.f32 [tilespmem:s21], [sflag:$0xE], $0x20, s7, s15, $0xb8;
	[tilespmem:$0x17000] =	vst v63  }
0x9b: {  	_ =	swait.ge [sflag:s30], $0x1000  }
0x9c: {  	[sflag:s30] =	ssyncset.done $0x0  }
0x9d: {  	s7 =	sadd.s32 $0x2B00, s12;
	[sflag:s30] =	ssyncadd.s32 $0xFFFFF000  }
0x9e: {  	[spmem:s2] =	stream.indirect.scatter.add.f32 [tilespmem:s22], [sflag:$0xF], $0x20, s7, s15, $0xb8;
	[tilespmem:$0x17000] =	vst v63  }
0x9f: {  	_ =	swait.ge [sflag:s31], $0x1000  }
0xa0: {  	[sflag:s31] =	ssyncset.done $0x0  }
0xa1: {  	s7 =	sadd.s32 $0x2B80, s12;
	[sflag:s31] =	ssyncadd.s32 $0xFFFFF000  }
0xa2: {  	[spmem:s2] =	stream.indirect.scatter.add.f32 [tilespmem:s23], [sflag:$0x10], $0x20, s7, s15, $0xb8;
	[tilespmem:$0x17000] =	vst v63  }
0xa3: {  	_ =	swait.ge [sflag:s14], $0x1000  }
0xa4: {  	[sflag:s14] =	ssyncset.done $0x0  }
0xa5: {  	[sflag:s14] =	ssyncadd.s32 $0xFFFFF000  }
0xa6: {  	_ =	swait.ge [sflag:s0], $0x1000  }
0xa7: {  	[sflag:s0] =	ssyncset.done $0x0  }
0xa8: {  	[sflag:s0] =	ssyncadd.s32 $0xFFFFF000  }
0xa9: {  	_ =	swait.ge [sflag:s1], $0x1000  }
0xaa: {  	[sflag:s1] =	ssyncset.done $0x0  }
0xab: {  	[sflag:s1] =	ssyncadd.s32 $0xFFFFF000  }
0xac: {  	_ =	swait.ge [sflag:s10], $0x1000  }
0xad: {  	[sflag:s10] =	ssyncset.done $0x0  }
0xae: {  	[sflag:s10] =	ssyncadd.s32 $0xFFFFF000  }
0xaf: {  	_ =	swait.ge [sflag:s5], $0x1000  }
0xb0: {  	[sflag:s5] =	ssyncset.done $0x0  }
0xb1: {  	[sflag:s5] =	ssyncadd.s32 $0xFFFFF000  }
0xb2: {  	_ =	swait.ge [sflag:s6], $0x1000  }
0xb3: {  	[sflag:s6] =	ssyncset.done $0x0  }
0xb4: {  	[sflag:s6] =	ssyncadd.s32 $0xFFFFF000  }
.Ltmp1:
0xb5: {  	_ =	swait.ge [sflag:s8], $0x1000;
	(pc) =	sbr.rel @p0 .LBB2_4-.Ltmp1, $4  }
0xb6: {  	[sflag:s8] =	ssyncset.done $0x0  }
0xb7: {  	[sflag:s8] =	ssyncadd.s32 $0xFFFFF000  }
0xb8: {  	_ =	swait.ge [sflag:s9], $0x1000  }
0xb9: {  	s7 =	smov.u32 s3;
	[sflag:s9] =	ssyncset.done $0x0  }
0xba: {  	s3 =	sshra.s32 s11, $0x2;
	[sflag:s9] =	ssyncadd.s32 $0xFFFFF000  }
0xbb: {  	[tilespmem:s16], [sflag:$0x1] =	stream.indirect.gather [hbm4b:s4+s15], $0x20, s3, s15, $0xb8;
	[tilespmem:$0x17000] =	vst v63  }
0xbc: {  	s7 =	sadd.s32 $0x80, s3  }
0xbd: {  	[tilespmem:s17], [sflag:$0x2] =	stream.indirect.gather [hbm4b:s4+s15], $0x20, s7, s15, $0xb8;
	[tilespmem:$0x17000] =	vst v63  }
0xbe: {  	s12 =	sadd.s32 $0x100, s3  }
0xbf: {  	[tilespmem:s18], [sflag:$0x3] =	stream.indirect.gather [hbm4b:s4+s15], $0x20, s12, s15, $0xb8;
	[tilespmem:$0x17000] =	vst v63  }
0xc0: {  	s11 =	sadd.s32 $0x180, s3  }
0xc1: {  	[tilespmem:s19], [sflag:$0x4] =	stream.indirect.gather [hbm4b:s4+s15], $0x20, s11, s15, $0xb8;
	[tilespmem:$0x17000] =	vst v63  }
0xc2: {  	s12 =	sadd.s32 $0x200, s3  }
0xc3: {  	[tilespmem:s20], [sflag:$0x5] =	stream.indirect.gather [hbm4b:s4+s15], $0x20, s12, s15, $0xb8;
	[tilespmem:$0x17000] =	vst v63  }
0xc4: {  	s11 =	sadd.s32 $0x280, s3  }
0xc5: {  	[tilespmem:s21], [sflag:$0x6] =	stream.indirect.gather [hbm4b:s4+s15], $0x20, s11, s15, $0xb8;
	[tilespmem:$0x17000] =	vst v63  }
0xc6: {  	s12 =	sadd.s32 $0x300, s3  }
0xc7: {  	[tilespmem:s22], [sflag:$0x7] =	stream.indirect.gather [hbm4b:s4+s15], $0x20, s12, s15, $0xb8;
	[tilespmem:$0x17000] =	vst v63  }
0xc8: {  	s11 =	sadd.s32 $0x380, s3  }
0xc9: {  	[tilespmem:s23], [sflag:$0x8] =	stream.indirect.gather [hbm4b:s4+s15], $0x20, s11, s15, $0xb8;
	[tilespmem:$0x17000] =	vst v63  }
0xca: {  	_ =	swait.ge [sflag:s13], $0x1000  }
0xcb: {  	[sflag:s13] =	ssyncset.done $0x0  }
0xcc: {  	s12 =	sadd.s32 $0x2800, s3;
	[sflag:s13] =	ssyncadd.s32 $0xFFFFF000  }
0xcd: {  	[spmem:s2] =	stream.indirect.scatter.add.f32 [tilespmem:s16], [sflag:$0x9], $0x20, s12, s15, $0xb8;
	[tilespmem:$0x17000] =	vst v63  }
0xce: {  	_ =	swait.ge [sflag:s24], $0x1000  }
0xcf: {  	[sflag:s24] =	ssyncset.done $0x0  }
0xd0: {  	s11 =	sadd.s32 $0x2880, s3;
	[sflag:s24] =	ssyncadd.s32 $0xFFFFF000  }
0xd1: {  	[spmem:s2] =	stream.indirect.scatter.add.f32 [tilespmem:s17], [sflag:$0xA], $0x20, s11, s15, $0xb8;
	[tilespmem:$0x17000] =	vst v63  }
0xd2: {  	_ =	swait.ge [sflag:s25], $0x1000  }
0xd3: {  	[sflag:s25] =	ssyncset.done $0x0  }
0xd4: {  	s12 =	sadd.s32 $0x2900, s3;
	[sflag:s25] =	ssyncadd.s32 $0xFFFFF000  }
0xd5: {  	[spmem:s2] =	stream.indirect.scatter.add.f32 [tilespmem:s18], [sflag:$0xB], $0x20, s12, s15, $0xb8;
	[tilespmem:$0x17000] =	vst v63  }
0xd6: {  	_ =	swait.ge [sflag:s26], $0x1000  }
0xd7: {  	[sflag:s26] =	ssyncset.done $0x0  }
0xd8: {  	s11 =	sadd.s32 $0x2980, s3;
	[sflag:s26] =	ssyncadd.s32 $0xFFFFF000  }
0xd9: {  	[spmem:s2] =	stream.indirect.scatter.add.f32 [tilespmem:s19], [sflag:$0xC], $0x20, s11, s15, $0xb8;
	[tilespmem:$0x17000] =	vst v63  }
0xda: {  	_ =	swait.ge [sflag:s28], $0x1000  }
0xdb: {  	[sflag:s28] =	ssyncset.done $0x0  }
0xdc: {  	s12 =	sadd.s32 $0x2A00, s3;
	[sflag:s28] =	ssyncadd.s32 $0xFFFFF000  }
0xdd: {  	[spmem:s2] =	stream.indirect.scatter.add.f32 [tilespmem:s20], [sflag:$0xD], $0x20, s12, s15, $0xb8;
	[tilespmem:$0x17000] =	vst v63  }
0xde: {  	_ =	swait.ge [sflag:s29], $0x1000  }
0xdf: {  	[sflag:s29] =	ssyncset.done $0x0  }
0xe0: {  	s11 =	sadd.s32 $0x2A80, s3;
	[sflag:s29] =	ssyncadd.s32 $0xFFFFF000  }
0xe1: {  	[spmem:s2] =	stream.indirect.scatter.add.f32 [tilespmem:s21], [sflag:$0xE], $0x20, s11, s15, $0xb8;
	[tilespmem:$0x17000] =	vst v63  }
0xe2: {  	_ =	swait.ge [sflag:s30], $0x1000  }
0xe3: {  	[sflag:s30] =	ssyncset.done $0x0  }
0xe4: {  	s12 =	sadd.s32 $0x2B00, s3;
	[sflag:s30] =	ssyncadd.s32 $0xFFFFF000  }
0xe5: {  	[spmem:s2] =	stream.indirect.scatter.add.f32 [tilespmem:s22], [sflag:$0xF], $0x20, s12, s15, $0xb8;
	[tilespmem:$0x17000] =	vst v63  }
0xe6: {  	_ =	swait.ge [sflag:s31], $0x1000  }
0xe7: {  	[sflag:s31] =	ssyncset.done $0x0  }
0xe8: {  	s3 =	sadd.s32 $0x2B80, s3;
	[sflag:s31] =	ssyncadd.s32 $0xFFFFF000  }
0xe9: {  	[spmem:s2] =	stream.indirect.scatter.add.f32 [tilespmem:s23], [sflag:$0x10], $0x20, s3, s15, $0xb8;
	[tilespmem:$0x17000] =	vst v63  }
0xea: {  	_ =	swait.ge [sflag:s14], $0x1000  }
0xeb: {  	[sflag:s14] =	ssyncset.done $0x0  }
0xec: {  	[sflag:s14] =	ssyncadd.s32 $0xFFFFF000  }
0xed: {  	_ =	swait.ge [sflag:s0], $0x1000  }
0xee: {  	[sflag:s0] =	ssyncset.done $0x0  }
0xef: {  	[sflag:s0] =	ssyncadd.s32 $0xFFFFF000  }
0xf0: {  	_ =	swait.ge [sflag:s1], $0x1000  }
0xf1: {  	[sflag:s1] =	ssyncset.done $0x0  }
0xf2: {  	[sflag:s1] =	ssyncadd.s32 $0xFFFFF000  }
0xf3: {  	_ =	swait.ge [sflag:s10], $0x1000  }
0xf4: {  	[sflag:s10] =	ssyncset.done $0x0  }
0xf5: {  	[sflag:s10] =	ssyncadd.s32 $0xFFFFF000  }
0xf6: {  	_ =	swait.ge [sflag:s5], $0x1000  }
0xf7: {  	[sflag:s5] =	ssyncset.done $0x0  }
0xf8: {  	[sflag:s5] =	ssyncadd.s32 $0xFFFFF000  }
0xf9: {  	_ =	swait.ge [sflag:s6], $0x1000  }
0xfa: {  	[sflag:s6] =	ssyncset.done $0x0  }
0xfb: {  	[sflag:s6] =	ssyncadd.s32 $0xFFFFF000  }
0xfc: {  	_ =	swait.ge [sflag:s8], $0x1000  }
0xfd: {  	[sflag:s8] =	ssyncset.done $0x0  }
0xfe: {  	[sflag:s8] =	ssyncadd.s32 $0xFFFFF000  }
0xff: {  	_ =	swait.ge [sflag:s9], $0x1000  }
0x100: {  	[sflag:s9] =	ssyncset.done $0x0  }
0x101: {  	[sflag:s9] =	ssyncadd.s32 $0xFFFFF000  }
0x102: {  	[bflag:$0x0] =	sbarrier.arrive $0xFFFF  }
0x103: {  	s7 =	simm.s32 $0x11;
	s12 =	simm.s32 $0xD000;
	s11 =	rddreg [dreg:$0x5]  }
0x104: {  	[tilespmem:s12], [sflag:$0x11] =	stream.linear.gather [spmem:s11], $0x5000, $0x38;
	[tilespmem:$0x17000] =	vst v63  }
0x105: {  	_ =	swait.ge [sflag:s7], $0x5000  }
0x106: {  	[sflag:s7] =	ssyncset.done $0x0  }
0x107: {  	s11 =	simm.s32 $0x0;
	s3 =	rddreg [dreg:$0x6];
	[sflag:s7] =	ssyncadd.s32 $0xFFFFB000  }
0x108: {  	[hbm4b:s3+s11] =	stream.linear.scatter [tilespmem:s12], [sflag:$0x11], $0x5000, $0x38;
	[tilespmem:$0x17000] =	vst v63  }
0x109: {  	_ =	swait.ge [sflag:s7], $0x5000  }
0x10a: {  	s3 =	rddreg [dreg:$0x8]  }
0x10b: {  	s12 =	sadd.s32 $0x1, s3;
	s3 =	rddreg [dreg:$0x7]  }
0x10c: {  	p0 =	sne.s32 s12, s3  }
.Ltmp2:
0x10d: {  	_ = 	snop;
	(pc) =	sbr.rel @p0 .LBB2_1-.Ltmp2, $3  }
0x10e: {  	_ =	sdelay $0x1  }
0x10f: {  	[sflag:s7] =	ssyncset.done $0x0  }
0x110: {  	[sflag:s7] =	ssyncadd.s32 $0xFFFFB000;
	[dreg:$0x8] =	wrdreg s12  }
0x111: {  	_ =	sfence.sel $0x180000  }
0x112: {  	[bflag:$0x0] =	sbarrier.arrive $0xFFFF  }
0x113: {  	_ =	strace $0x9000004D  }
0x114: {  	s0 =	stileid.u32;
	[bflag:$0x2] =	sbarrier.arrive $0xFFFF  }
0x115: {  	p0 =	sne.s32 s0, $0x0;
	s0 =	rddreg [dreg:$0x2]  }
0x116: {  	s0 =	sadd.s32 @!p0 $0x100000, s0  }
0x117: {  	[sflag:s0] =	ssyncadd.tile.s32 @!p0 $0x1;
	_ =	shalt  }
.Lfunc_end2:
_tile_overlayer_lowered:
.L_overlay_start_2:
0x118: {  	(tag) =	ssettag $0x2  }
0x119: {  	s0 =	rddreg [dreg:$0x0];
	s2 =	stileid.u32  }
0x11a: {  	s1 =	rddreg [dreg:$0x1];
	p0 =	sne.s32 s2, $0x0  }
0x11b: {  	s3 =	rddreg [dreg:$0x2];
	[bflag:$0x3] =	sbarrier.arrive $0xFFFF;
	s2 =	simm.s32 @!p0 $0x1C11  }
0x11c: {  	[timem:s3], [sflag:s2] =	dma.local @!p0 [hbm:s0], s1  }
0x11d: {  	s0 =	simm.s32 @!p0 $0x11  }
0x11e: {  	_ =	swait.ge @!p0 [sflag:s0], s1  }
0x11f: {  	s1 =	ssub.s32 @!p0 $0x0, s1;
	[sflag:s0] =	ssyncset.done @!p0 $0x0  }
0x120: {  	[sflag:s0] =	ssyncadd.s32 @!p0 s1  }
0x121: {  	[bflag:$0x3] =	sbarrier.arrive $0xFFFF  }
0x122: {  	_ =	shalt  }

// kernel: kernel.9.cloned.1.call-start
scs
__scs_entry_jumppad:
0x0: {  	(pc) =	sbr.rel $0x88, $3  }
0x1: {  	(tag) =	ssettag $0x0;
	lr =	simm.s32 $0x1  }
0x2: {  	[smem:$0x3F98] =	sst lr;
	_ =	strace $0xD0000000  }
0x3: {  	_ = 	snop  }
0x4: {  	_ = 	snop  }
0x5: {  	_ = 	snop  }
0x6: {  	_ = 	snop  }
0x7: {  	_ = 	snop  }
__scs_overlays_trampoline_lowered:
0x8: {  	[smem:$0x3FA7] =	sst s0  }
0x9: {  	[smem:$0x3FA8] =	sst s1  }
0xa: {  	[smem:$0x3FA9] =	sst s2  }
0xb: {  	[smem:$0x3FAA] =	sst s3  }
0xc: {  	[smem:$0x3FAB] =	sst s4  }
0xd: {  	[smem:$0x3FAC] =	sst s5  }
0xe: {  	[smem:$0x3FAD] =	sst s6  }
0xf: {  	[smem:$0x3FAE] =	sst s7  }
0x10: {  	[smem:$0x3FAF] =	sst s8  }
0x11: {  	[smem:$0x3FB0] =	sst s9;
	s0 =	simm.s32 @!p0 $0x0  }
0x12: {  	s1 =	sld [smem:$0x3F96];
	s0 =	simm.s32 @p0 $0x1  }
0x13: {  	[smem:$0x3FB1] =	sst s0;
	s0 =	simm.s32 @!p1 $0x0  }
0x14: {  	s2 =	sld [smem:$0x3F95];
	s0 =	simm.s32 @p1 $0x1  }
0x15: {  	[smem:$0x3FB2] =	sst s0;
	s0 =	simm.s32 @!p2 $0x0  }
0x16: {  	s3 =	sld [smem:$0x3FDB];
	s0 =	simm.s32 @p2 $0x1  }
0x17: {  	s4 =	simm.s32 $0x1BF5;
	[smem:$0x3FB4] =	sst s0  }
0x18: {  	s0 =	sld [smem:$0x3F97];
	_ =	swait.ge [sflag:s4], $0x0  }
0x19: {  	s7 =	sld [smem:$0x3F98]  }
0x1a: {  	s8 =	sadd.s32 $0xFFFFE003, lr  }
0x1b: {  	s9 =	sadd.s32 $0xFFFFFEF7, lr;
	s5 =	simm.s32 $0xFFFFFFFF;
	p2 =	slt.u32 s8, $0xFFFFF086  }
0x1c: {  	p1 =	slt.u32 s9, $0xF7A;
	s5 =	simm.s32 @!p2 $0x0  }
0x1d: {  	s5 =	simm.s32 @p1 $0x1;
	p0 =	seq.s32 s7, s2  }
0x1e: {  	s7 =	smul.u32 @!p0 $0xF7A, s2;
	p2 =	seq.s32 @!p0 s5, $0x0  }
0x1f: {  	s9 =	smul.u32 $0xF7A, s1;
	s8 =	simm.s32 @!p0 $0x1BF5;
	p2 =	por !p2, p0  }
0x20: {  	[sflag:s8] =	ssyncset.s32 @!p0 $0xFFFFF086;
	s6 =	sadd.s32 @!p0 s3, s7;
	s7 =	simm.s32 @!p0 $0x108  }
0x21: {  	s3 =	sadd.s32 s3, s9;
	s6 =	sadd.s32 @!p0 $0x88, s6;
	s7 =	simm.s32 @p2 $0x1082  }
0x22: {  	[simem:s7], [sflag:s8] =	dma.local @!p0 [hbm:s6], $0xF7A  }
0x23: {  	s9 =	sor.u32 $0xD0000000, s2;
	s6 =	simm.s32 $0x108;
	_ =	swait.ge @!p0 [sflag:s8], $0x0  }
0x24: {  	s3 =	sadd.s32 $0x88, s3;
	s6 =	simm.s32 @!p1 $0x1082;
	[sflag:s4] =	ssyncset.s32 $0xFFFFF086  }
0x25: {  	[simem:s6], [sflag:s4] =	dma.local [hbm:s3], $0xF7A  }
0x26: {  	[smem:$0x3F98] =	sst s1;
	(tag) =	ssettag s2;
	_ =	strace s9  }
0x27: {  	s1 =	sld [smem:$0x3FA8]  }
0x28: {  	s2 =	sld [smem:$0x3FA9]  }
0x29: {  	s4 =	sld [smem:$0x3FAB]  }
0x2a: {  	p0 =	seq.s32 s5, $0x0;
	s5 =	sld [smem:$0x3FAC]  }
0x2b: {  	s6 =	sld [smem:$0x3FAD]  }
0x2c: {  	s7 =	sld [smem:$0x3FAE]  }
0x2d: {  	s3 =	simm.s32 $0x108;
	s8 =	sld [smem:$0x3FAF]  }
0x2e: {  	s3 =	simm.s32 @!p0 $0x1082;
	s9 =	sld [smem:$0x3FB0]  }
0x2f: {  	lr =	sadd.s32 s0, s3;
	s0 =	sld [smem:$0x3FA7]  }
0x30: {  	s3 =	sld [smem:$0x3FAA]  }
0x31: {  	[smem:$0x3FB3] =	sst s10  }
0x32: {  	s10 =	sld [smem:$0x3FB1];
	_ =	sdelay $0x3  }
0x33: {  	p0 =	seq.s32 s10, $0x1;
	s10 =	sld [smem:$0x3FB3];
	_ =	sdelay $0x3  }
0x34: {  	[smem:$0x3FB3] =	sst s10  }
0x35: {  	s10 =	sld [smem:$0x3FB2];
	_ =	sdelay $0x3  }
0x36: {  	p1 =	seq.s32 s10, $0x1;
	s10 =	sld [smem:$0x3FB3];
	_ =	sdelay $0x3  }
0x37: {  	[smem:$0x3FB3] =	sst s10  }
0x38: {  	s10 =	sld [smem:$0x3FB4]  }
0x39: {  	_ = 	snop;
	(pc) =	sbr.ind lr, $3  }
0x3a: {  	_ = 	snop  }
0x3b: {  	_ = 	snop  }
0x3c: {  	p2 =	seq.s32 s10, $0x1;
	s10 =	sld [smem:$0x3FB3]  }
0x3d: {  	_ =	shalt  }
0x3e: {  	_ =	shalt  }
0x3f: {  	_ =	shalt  }
0x40: {  	_ =	shalt  }
0x41: {  	_ =	shalt  }
0x42: {  	_ =	shalt  }
0x43: {  	_ =	shalt  }
0x44: {  	_ =	shalt  }
0x45: {  	_ =	shalt  }
0x46: {  	_ =	shalt  }
0x47: {  	_ =	shalt  }
0x48: {  	_ =	shalt  }
0x49: {  	_ =	shalt  }
0x4a: {  	_ =	shalt  }
0x4b: {  	_ =	shalt  }
0x4c: {  	_ =	shalt  }
0x4d: {  	_ =	shalt  }
0x4e: {  	_ =	shalt  }
0x4f: {  	_ =	shalt  }
0x50: {  	_ =	shalt  }
0x51: {  	_ =	shalt  }
0x52: {  	_ =	shalt  }
0x53: {  	_ =	shalt  }
0x54: {  	_ =	shalt  }
0x55: {  	_ =	shalt  }
0x56: {  	_ =	shalt  }
0x57: {  	_ =	shalt  }
0x58: {  	_ =	shalt  }
0x59: {  	_ =	shalt  }
0x5a: {  	_ =	shalt  }
0x5b: {  	_ =	shalt  }
0x5c: {  	_ =	shalt  }
0x5d: {  	_ =	shalt  }
0x5e: {  	_ =	shalt  }
0x5f: {  	_ =	shalt  }
0x60: {  	_ =	shalt  }
0x61: {  	_ =	shalt  }
0x62: {  	_ =	shalt  }
0x63: {  	_ =	shalt  }
0x64: {  	_ =	shalt  }
0x65: {  	_ =	shalt  }
0x66: {  	_ =	shalt  }
0x67: {  	_ =	shalt  }
0x68: {  	_ =	shalt  }
0x69: {  	_ =	shalt  }
0x6a: {  	_ =	shalt  }
0x6b: {  	_ =	shalt  }
0x6c: {  	_ =	shalt  }
0x6d: {  	_ =	shalt  }
0x6e: {  	_ =	shalt  }
0x6f: {  	_ =	shalt  }
0x70: {  	_ =	shalt  }
0x71: {  	_ =	shalt  }
0x72: {  	_ =	shalt  }
0x73: {  	_ =	shalt  }
0x74: {  	_ =	shalt  }
0x75: {  	_ =	shalt  }
0x76: {  	_ =	shalt  }
0x77: {  	_ =	shalt  }
0x78: {  	_ =	shalt  }
0x79: {  	_ =	shalt  }
0x7a: {  	_ =	shalt  }
0x7b: {  	_ =	shalt  }
0x7c: {  	_ =	shalt  }
0x7d: {  	_ =	shalt  }
0x7e: {  	_ =	shalt  }
0x7f: {  	_ =	shalt  }
0x80: {  	_ =	shalt  }
0x81: {  	_ =	shalt  }
0x82: {  	_ =	shalt  }
0x83: {  	_ =	shalt  }
0x84: {  	_ =	shalt  }
0x85: {  	_ =	shalt  }
0x86: {  	_ =	shalt  }
0x87: {  	_ =	shalt  }
.Lfunc_end0:
.L_simem_size_0:
called_computation_lowered:
.L_overlay_start_0:
0x88: {  	s2 =	sld [smem:$0x3FD9]  }
0x89: {  	s3 =	sld [smem:$0x3FFE];
	_ =	sdelay $0x1  }
0x8a: {  	s1 =	srdreg.scid  }
0x8b: {  	s0 =	sand.u32 $0x1, s1  }
0x8c: {  	s16 =	sshll.u32 s0, $0xA;
	s2 =	sadd.s32 s3, s2  }
0x8d: {  	s2 =	sadd.s32 s2, s16  }
0x8e: {  	[smem:$0x3FBF] =	sst s2  }
0x8f: {  	_ = 	snop  }
0x90: {  	(tm) =	ssettm $0x1  }
0x91: {  	s17 =	sld [smem:$0x3FFB];
	_ =	sdelay $0x3  }
0x92: {  	_ =	strace s17  }
0x93: {  	s2 =	sld [smem:$0x3FFC];
	_ =	sdelay $0x3  }
0x94: {  	_ =	strace s2  }
0x95: {  	s2 =	sld [smem:$0x3FFD];
	_ =	sdelay $0x3  }
0x96: {  	_ =	strace s2  }
0x97: {  	_ =	strace $0x8FFFFFFF  }
0x98: {  	s18 =	sld [smem:$0x3FDB];
	_ =	sdelay $0x1  }
0x99: {  	s19 =	simm.s32 $_scs_section_size  }
0x9a: {  	s4 =	simm.s32 $_size__tile_overlayer_lowered;
	s5 =	simm.s32 $_tile_overlayer_lowered  }
0x9b: {  	s22 =	simm.s32 $0x1BFF;
	s21 =	sshll.u32 s5, $0x1;
	s2 =	sadd.s32 s19, s18  }
0x9c: {  	s6 =	simm.s32 $0x0;
	s20 =	sshll.u32 s4, $0x1;
	s4 =	sadd.s32 s21, s2  }
0x9d: {  	[timem:s6], [sflag:s22] =	dma.local [hbm:s4], s20  }
0x9e: {  	_ =	swait.ge [sflag:s22], s20  }
0x9f: {  	s3 =	ssub.s32 $0x0, s20;
	[sflag:s22] =	ssyncset.done $0x0  }
0xa0: {  	[sflag:s22] =	ssyncadd.s32 s3;
	_ =	sdelay $0x1  }
0xa1: {  	s23 =	simm.s32 $0x1B8B  }
0xa2: {  	_ =	swait.ge [sflag:s23], $0x1  }
0xa3: {  	[sflag:s23] =	ssyncset.done $0x0  }
0xa4: {  	s25 =	simm.s32 $0x1B8E;
	s24 =	sld [smem:$0x3FFE];
	[sflag:s23] =	ssyncadd.s32 $0xFFFFFFFF  }
0xa5: {  	s26 =	simm.s32 $execute0_lowered;
	[smem:$0x3FD2] =	sst s25  }
0xa6: {  	s4 =	sshll.u32 s26, $0x1;
	_ =	strace $0x80000046;
	[dreg:$0x1] =	wrdreg $0xFFFFFFFF  }
0xa7: {  	s28 =	simm.s32 $_size_execute0_lowered;
	s2 =	sadd.s32 s2, s4;
	[dreg:$0x0] =	wrdreg $0x0  }
0xa8: {  	s4 =	sshll.u32 s28, $0x1;
	[dreg:$0x2] =	wrdreg s2  }
0xa9: {  	[dreg:$0x3] =	wrdreg s4  }
0xaa: {  	[dreg:$0x4] =	wrdreg $0xC0  }
0xab: {  	_ =	task [dreg:s6], $0x5FFFF  }
0xac: {  	[dreg:$0x1] =	wrdreg $0xFFFFFFFF  }
0xad: {  	[dreg:$0x0] =	wrdreg $0x60  }
0xae: {  	[dreg:$0x2] =	wrdreg s24  }
0xaf: {  	[dreg:$0x3] =	wrdreg $0x2B000  }
0xb0: {  	[dreg:$0x4] =	wrdreg $0x9  }
0xb1: {  	_ =	task.clear_ibuf [dreg:s6], $0x5FFFF;
	_ =	strace $0x90000046  }
0xb2: {  	s29 =	simm.s32 $0x9;
	_ =	strace $0x80000048  }
0xb3: {  	_ =	swait.ge [sflag:s29], $0x1  }
0xb4: {  	[sflag:s29] =	ssyncadd.s32 $0xFFFFFFFF  }
0xb5: {  	_ =	strace $0x90000048  }
0xb6: {  	_ =	sfence  }
0xb7: {  	s30 =	sld [smem:$0x0];
	_ =	sdelay $0x2  }
0xb8: {  	s31 =	sshll.u32 s1, $0xD;
	s1 =	sshrl.u32 s1, $0x2  }
0xb9: {  	s3 =	sand.u32 $0x4000, s31;
	s1 =	sadd.s32 s1, s30  }
0xba: {  	s0 =	sor.u32 s3, s0;
	s1 =	sshll.u32 s1, $0x11  }
0xbb: {  	s0 =	sor.u32 s1, s0  }
0xbc: {  	s0 =	sadd.s32 $0x8F2B, s0  }
0xbd: {  	[sflag:s0] =	ssyncadd.remote.s32 $0x1  }
0xbe: {  	_ =	sfence.sel $0xFFFF  }
0xbf: {  	[dreg:$0x0] =	wrdreg $0xFFFFFFFF;
	(pc) =	sbr.abs _section_cstart, $3  }
0xc0: {  	[dreg:$0x1] =	wrdreg $0xFFFFFFFF  }
0xc1: {  	_ =	task.clear_ibuf [dreg:s6], $0x2FFFF;
	_ =	strace $0x9FFFFFFF  }
0xc2: {  	(tm) =	ssettm $0x7FFFFFFF  }
0xc3: {  	_ =	shalt  }
tec
execute0_lowered:
.L_overlay_start_1:
0x0: {  	(tag) =	ssettag $0x1  }
0x1: {  	s4 =	rddreg [dreg:$0x0];
	s0 =	srdreg.scid  }
0x2: {  	s2 =	rddreg [dreg:$0x1];
	s1 =	stileid.u32  }
0x3: {  	s3 =	simm.s32 $0x0;
	s10 =	simm.s32 $0x1;
	s11 =	simm.s32 $0x80  }
0x4: {  	s12 =	simm.s32 $0x2800;
	s5 =	sand.u32 $0x1, s0;
	s0 =	rddreg [dreg:$0x2]  }
0x5: {  	s13 =	simm.s32 $0x0;
	s7 =	smul.u32 $0x280, s1;
	[smem:$0x7FF] =	sst s3  }
0x6: {  	s6 =	sshll.u32 s5, $0x4;
	s8 =	smul.u32 $0x2800, s5;
	s5 =	ssub.s32 $0x2, s5  }
0x7: {  	_ =	strace $0x80000047;
	s6 =	sor.u32 s1, s6;
	s9 =	sshrl.u32 s5, $0x1  }
0x8: {  	s6 =	smul.u32 $0x500, s6;
	s8 =	sadd.s32 s7, s8;
	s9 =	ssub.s32 s5, s9  }
0x9: {  	s5 =	sadd.s32 s7, s2;
	s8 =	sshrl.u32 s8, $0x3;
	s7 =	smax.u32 s9, $0x1  }
0xa: {  	s9 =	simm.s32 $0x2;
	s6 =	sadd.s32 s6, s4;
	s8 =	sadd.s32 s8, s4  }
0xb: {  	v0 =	vimm.f32 $1.000000000e+00;
	v1 =	vimm.f32 $0.0e+00;
	s4 =	sadd.s32 $0x3400, s6;
	s6 =	sadd.s32 $0x17400, s8;
	s8 =	simm.s32 $0x2880  }
.LBB2_1:
0xc: {  	[tilespmem:s3], [sflag:$0x1] =	stream.linear.gather [hbm4b:s4+s3], $0x2800, $0x38;
	[tilespmem:$0x2D80] =	vst v63  }
0xd: {  	[tilespmem:$0x2800] =	vst v0  }
0xe: {  	[tilespmem:$0x2810] =	vst v0  }
0xf: {  	[tilespmem:$0x2820] =	vst v0  }
0x10: {  	[tilespmem:$0x2830] =	vst v0  }
0x11: {  	[tilespmem:$0x2840] =	vst v0  }
0x12: {  	[tilespmem:$0x2850] =	vst v0  }
0x13: {  	[tilespmem:$0x2860] =	vst v0  }
0x14: {  	[tilespmem:$0x2870] =	vst v0  }
0x15: {  	[tilespmem:$0x2880] =	vst v1  }
0x16: {  	[tilespmem:$0x2890] =	vst v1  }
0x17: {  	[tilespmem:$0x28A0] =	vst v1  }
0x18: {  	[tilespmem:$0x28B0] =	vst v1  }
0x19: {  	[tilespmem:$0x28C0] =	vst v1  }
0x1a: {  	[tilespmem:$0x28D0] =	vst v1  }
0x1b: {  	[tilespmem:$0x28E0] =	vst v1  }
0x1c: {  	[tilespmem:$0x28F0] =	vst v1  }
0x1d: {  	[tilespmem:$0x2900] =	vst v1  }
0x1e: {  	[tilespmem:$0x2910] =	vst v1  }
0x1f: {  	[tilespmem:$0x2920] =	vst v1  }
0x20: {  	[tilespmem:$0x2930] =	vst v1  }
0x21: {  	[tilespmem:$0x2940] =	vst v1  }
0x22: {  	[tilespmem:$0x2950] =	vst v1  }
0x23: {  	[tilespmem:$0x2960] =	vst v1  }
0x24: {  	[tilespmem:$0x2970] =	vst v1  }
0x25: {  	[tilespmem:$0x2980] =	vst v1  }
0x26: {  	[tilespmem:$0x2990] =	vst v1  }
0x27: {  	[tilespmem:$0x29A0] =	vst v1  }
0x28: {  	[tilespmem:$0x29B0] =	vst v1  }
0x29: {  	[tilespmem:$0x29C0] =	vst v1  }
0x2a: {  	[tilespmem:$0x29D0] =	vst v1  }
0x2b: {  	[tilespmem:$0x29E0] =	vst v1  }
0x2c: {  	[tilespmem:$0x29F0] =	vst v1  }
0x2d: {  	[tilespmem:$0x2A00] =	vst v1  }
0x2e: {  	[tilespmem:$0x2A10] =	vst v1  }
0x2f: {  	[tilespmem:$0x2A20] =	vst v1  }
0x30: {  	[tilespmem:$0x2A30] =	vst v1  }
0x31: {  	[tilespmem:$0x2A40] =	vst v1  }
0x32: {  	[tilespmem:$0x2A50] =	vst v1  }
0x33: {  	[tilespmem:$0x2A60] =	vst v1  }
0x34: {  	[tilespmem:$0x2A70] =	vst v1  }
0x35: {  	[tilespmem:$0x2A80] =	vst v1  }
0x36: {  	[tilespmem:$0x2A90] =	vst v1  }
0x37: {  	[tilespmem:$0x2AA0] =	vst v1  }
0x38: {  	[tilespmem:$0x2AB0] =	vst v1  }
0x39: {  	[tilespmem:$0x2AC0] =	vst v1  }
0x3a: {  	[tilespmem:$0x2AD0] =	vst v1  }
0x3b: {  	[tilespmem:$0x2AE0] =	vst v1  }
0x3c: {  	[tilespmem:$0x2AF0] =	vst v1  }
0x3d: {  	[spmem:s5] =	stream.linear.scatter [tilespmem:s8], [sflag:$0x2], $0x280, $0x38;
	[tilespmem:$0x2D80] =	vst v63  }
0x3e: {  	_ =	swait.ge [sflag:s9], $0x280  }
0x3f: {  	[sflag:s9] =	ssyncset.done $0x0  }
0x40: {  	[sflag:s9] =	ssyncadd.s32 $0xFFFFFD80  }
0x41: {  	[bflag:$0x0] =	sbarrier.arrive $0xFFFF  }
0x42: {  	_ =	swait.ge [sflag:s10], $0x2800  }
0x43: {  	[sflag:s10] =	ssyncset.done $0x0  }
0x44: {  	s14 =	simm.s32 $0x0;
	[sflag:s10] =	ssyncadd.s32 $0xFFFFD800  }
0x45: {  	[spmem:s2] =	stream.indirect.scatter.add.f32 [tilespmem:s12], [sflag:$0x1], $0x1, s14, s11, $0xb8;
	[tilespmem:$0x2D80] =	vst v63  }
0x46: {  	s24 =	simm.s32 $0x80  }
0x47: {  	[spmem:s2] =	stream.indirect.scatter.add.f32 [tilespmem:s12], [sflag:$0x1], $0x1, s24, s11, $0xb8;
	[tilespmem:$0x2D80] =	vst v63  }
0x48: {  	s25 =	simm.s32 $0x100  }
0x49: {  	[spmem:s2] =	stream.indirect.scatter.add.f32 [tilespmem:s12], [sflag:$0x1], $0x1, s25, s11, $0xb8;
	[tilespmem:$0x2D80] =	vst v63  }
0x4a: {  	s26 =	simm.s32 $0x180  }
0x4b: {  	[spmem:s2] =	stream.indirect.scatter.add.f32 [tilespmem:s12], [sflag:$0x1], $0x1, s26, s11, $0xb8;
	[tilespmem:$0x2D80] =	vst v63  }
0x4c: {  	s28 =	simm.s32 $0x200  }
0x4d: {  	[spmem:s2] =	stream.indirect.scatter.add.f32 [tilespmem:s12], [sflag:$0x1], $0x1, s28, s11, $0xb8;
	[tilespmem:$0x2D80] =	vst v63  }
0x4e: {  	s29 =	simm.s32 $0x280  }
0x4f: {  	[spmem:s2] =	stream.indirect.scatter.add.f32 [tilespmem:s12], [sflag:$0x1], $0x1, s29, s11, $0xb8;
	[tilespmem:$0x2D80] =	vst v63  }
0x50: {  	s30 =	simm.s32 $0x300  }
0x51: {  	[spmem:s2] =	stream.indirect.scatter.add.f32 [tilespmem:s12], [sflag:$0x1], $0x1, s30, s11, $0xb8;
	[tilespmem:$0x2D80] =	vst v63  }
0x52: {  	s31 =	simm.s32 $0x380  }
0x53: {  	[spmem:s2] =	stream.indirect.scatter.add.f32 [tilespmem:s12], [sflag:$0x1], $0x1, s31, s11, $0xb8;
	[tilespmem:$0x2D80] =	vst v63  }
0x54: {  	_ =	swait.ge [sflag:s10], $0x80  }
0x55: {  	[sflag:s10] =	ssyncset.done $0x0  }
0x56: {  	[sflag:s10] =	ssyncadd.s32 $0xFFFFFF80  }
0x57: {  	_ =	swait.ge [sflag:s10], $0x80  }
0x58: {  	[sflag:s10] =	ssyncset.done $0x0  }
0x59: {  	[sflag:s10] =	ssyncadd.s32 $0xFFFFFF80  }
0x5a: {  	_ =	swait.ge [sflag:s10], $0x80  }
0x5b: {  	[sflag:s10] =	ssyncset.done $0x0  }
0x5c: {  	[sflag:s10] =	ssyncadd.s32 $0xFFFFFF80  }
0x5d: {  	_ =	swait.ge [sflag:s10], $0x80  }
0x5e: {  	[sflag:s10] =	ssyncset.done $0x0  }
0x5f: {  	[sflag:s10] =	ssyncadd.s32 $0xFFFFFF80  }
0x60: {  	_ =	swait.ge [sflag:s10], $0x80  }
0x61: {  	[sflag:s10] =	ssyncset.done $0x0  }
0x62: {  	[sflag:s10] =	ssyncadd.s32 $0xFFFFFF80  }
0x63: {  	_ =	swait.ge [sflag:s10], $0x80  }
0x64: {  	[sflag:s10] =	ssyncset.done $0x0  }
0x65: {  	[sflag:s10] =	ssyncadd.s32 $0xFFFFFF80  }
0x66: {  	_ =	swait.ge [sflag:s10], $0x80  }
0x67: {  	[sflag:s10] =	ssyncset.done $0x0  }
0x68: {  	[sflag:s10] =	ssyncadd.s32 $0xFFFFFF80  }
0x69: {  	_ =	swait.ge [sflag:s10], $0x80  }
0x6a: {  	s16 =	simm.s32 $0x2000;
	s14 =	simm.s32 $0x1000;
	[sflag:s10] =	ssyncset.done $0x0  }
.LBB2_2:
0x6b: {  	s17 =	sshra.s32 s14, $0x2  }
0x6c: {  	[sflag:s10] =	ssyncadd.s32 $0xFFFFFF80;
	s14 =	smov.u32 s16;
	s15 =	sadd.s32 $0x1000, s16  }
0x6d: {  	[spmem:s2] =	stream.indirect.scatter.add.f32 [tilespmem:s12], [sflag:$0x1], $0x1, s17, s11, $0xb8;
	[tilespmem:$0x2D80] =	vst v63  }
0x6e: {  	p0 =	sne.s32 s16, $0x9000;
	s16 =	sadd.s32 $0x80, s17  }
0x6f: {  	[spmem:s2] =	stream.indirect.scatter.add.f32 [tilespmem:s12], [sflag:$0x1], $0x1, s16, s11, $0xb8;
	[tilespmem:$0x2D80] =	vst v63  }
0x70: {  	s16 =	sadd.s32 $0x100, s17  }
0x71: {  	[spmem:s2] =	stream.indirect.scatter.add.f32 [tilespmem:s12], [sflag:$0x1], $0x1, s16, s11, $0xb8;
	[tilespmem:$0x2D80] =	vst v63  }
0x72: {  	s16 =	sadd.s32 $0x180, s17  }
0x73: {  	[spmem:s2] =	stream.indirect.scatter.add.f32 [tilespmem:s12], [sflag:$0x1], $0x1, s16, s11, $0xb8;
	[tilespmem:$0x2D80] =	vst v63  }
0x74: {  	s16 =	sadd.s32 $0x200, s17  }
0x75: {  	[spmem:s2] =	stream.indirect.scatter.add.f32 [tilespmem:s12], [sflag:$0x1], $0x1, s16, s11, $0xb8;
	[tilespmem:$0x2D80] =	vst v63  }
0x76: {  	s16 =	sadd.s32 $0x280, s17  }
0x77: {  	[spmem:s2] =	stream.indirect.scatter.add.f32 [tilespmem:s12], [sflag:$0x1], $0x1, s16, s11, $0xb8;
	[tilespmem:$0x2D80] =	vst v63  }
0x78: {  	s16 =	sadd.s32 $0x300, s17  }
0x79: {  	[spmem:s2] =	stream.indirect.scatter.add.f32 [tilespmem:s12], [sflag:$0x1], $0x1, s16, s11, $0xb8;
	[tilespmem:$0x2D80] =	vst v63  }
0x7a: {  	s16 =	sadd.s32 $0x380, s17  }
0x7b: {  	[spmem:s2] =	stream.indirect.scatter.add.f32 [tilespmem:s12], [sflag:$0x1], $0x1, s16, s11, $0xb8;
	[tilespmem:$0x2D80] =	vst v63  }
0x7c: {  	_ =	swait.ge [sflag:s10], $0x80  }
0x7d: {  	[sflag:s10] =	ssyncset.done $0x0  }
0x7e: {  	[sflag:s10] =	ssyncadd.s32 $0xFFFFFF80  }
0x7f: {  	_ =	swait.ge [sflag:s10], $0x80  }
0x80: {  	[sflag:s10] =	ssyncset.done $0x0  }
0x81: {  	[sflag:s10] =	ssyncadd.s32 $0xFFFFFF80  }
0x82: {  	_ =	swait.ge [sflag:s10], $0x80  }
0x83: {  	[sflag:s10] =	ssyncset.done $0x0  }
0x84: {  	[sflag:s10] =	ssyncadd.s32 $0xFFFFFF80  }
0x85: {  	_ =	swait.ge [sflag:s10], $0x80  }
0x86: {  	[sflag:s10] =	ssyncset.done $0x0  }
0x87: {  	[sflag:s10] =	ssyncadd.s32 $0xFFFFFF80  }
0x88: {  	_ =	swait.ge [sflag:s10], $0x80  }
0x89: {  	[sflag:s10] =	ssyncset.done $0x0  }
0x8a: {  	[sflag:s10] =	ssyncadd.s32 $0xFFFFFF80  }
0x8b: {  	_ =	swait.ge [sflag:s10], $0x80  }
0x8c: {  	[sflag:s10] =	ssyncset.done $0x0  }
0x8d: {  	[sflag:s10] =	ssyncadd.s32 $0xFFFFFF80  }
.Ltmp0:
0x8e: {  	_ =	swait.ge [sflag:s10], $0x80;
	(pc) =	sbr.rel @p0 .LBB2_2-.Ltmp0, $4  }
0x8f: {  	[sflag:s10] =	ssyncset.done $0x0  }
0x90: {  	[sflag:s10] =	ssyncadd.s32 $0xFFFFFF80  }
0x91: {  	_ =	swait.ge [sflag:s10], $0x80  }
0x92: {  	s16 =	smov.u32 s15;
	[sflag:s10] =	ssyncset.done $0x0  }
0x93: {  	s14 =	sshra.s32 s14, $0x2;
	[sflag:s10] =	ssyncadd.s32 $0xFFFFFF80  }
0x94: {  	[spmem:s2] =	stream.indirect.scatter.add.f32 [tilespmem:s12], [sflag:$0x1], $0x1, s14, s11, $0xb8;
	[tilespmem:$0x2D80] =	vst v63  }
0x95: {  	s15 =	sadd.s32 $0x80, s14  }
0x96: {  	[spmem:s2] =	stream.indirect.scatter.add.f32 [tilespmem:s12], [sflag:$0x1], $0x1, s15, s11, $0xb8;
	[tilespmem:$0x2D80] =	vst v63  }
0x97: {  	s26 =	sadd.s32 $0x100, s14  }
0x98: {  	[spmem:s2] =	stream.indirect.scatter.add.f32 [tilespmem:s12], [sflag:$0x1], $0x1, s26, s11, $0xb8;
	[tilespmem:$0x2D80] =	vst v63  }
0x99: {  	s28 =	sadd.s32 $0x180, s14  }
0x9a: {  	[spmem:s2] =	stream.indirect.scatter.add.f32 [tilespmem:s12], [sflag:$0x1], $0x1, s28, s11, $0xb8;
	[tilespmem:$0x2D80] =	vst v63  }
0x9b: {  	s29 =	sadd.s32 $0x200, s14  }
0x9c: {  	[spmem:s2] =	stream.indirect.scatter.add.f32 [tilespmem:s12], [sflag:$0x1], $0x1, s29, s11, $0xb8;
	[tilespmem:$0x2D80] =	vst v63  }
0x9d: {  	s30 =	sadd.s32 $0x280, s14  }
0x9e: {  	[spmem:s2] =	stream.indirect.scatter.add.f32 [tilespmem:s12], [sflag:$0x1], $0x1, s30, s11, $0xb8;
	[tilespmem:$0x2D80] =	vst v63  }
0x9f: {  	s31 =	sadd.s32 $0x300, s14  }
0xa0: {  	[spmem:s2] =	stream.indirect.scatter.add.f32 [tilespmem:s12], [sflag:$0x1], $0x1, s31, s11, $0xb8;
	[tilespmem:$0x2D80] =	vst v63  }
0xa1: {  	s14 =	sadd.s32 $0x380, s14  }
0xa2: {  	[spmem:s2] =	stream.indirect.scatter.add.f32 [tilespmem:s12], [sflag:$0x1], $0x1, s14, s11, $0xb8;
	[tilespmem:$0x2D80] =	vst v63  }
0xa3: {  	_ =	swait.ge [sflag:s10], $0x80  }
0xa4: {  	[sflag:s10] =	ssyncset.done $0x0  }
0xa5: {  	[sflag:s10] =	ssyncadd.s32 $0xFFFFFF80  }
0xa6: {  	_ =	swait.ge [sflag:s10], $0x80  }
0xa7: {  	[sflag:s10] =	ssyncset.done $0x0  }
0xa8: {  	[sflag:s10] =	ssyncadd.s32 $0xFFFFFF80  }
0xa9: {  	_ =	swait.ge [sflag:s10], $0x80  }
0xaa: {  	[sflag:s10] =	ssyncset.done $0x0  }
0xab: {  	[sflag:s10] =	ssyncadd.s32 $0xFFFFFF80  }
0xac: {  	_ =	swait.ge [sflag:s10], $0x80  }
0xad: {  	[sflag:s10] =	ssyncset.done $0x0  }
0xae: {  	[sflag:s10] =	ssyncadd.s32 $0xFFFFFF80  }
0xaf: {  	_ =	swait.ge [sflag:s10], $0x80  }
0xb0: {  	[sflag:s10] =	ssyncset.done $0x0  }
0xb1: {  	[sflag:s10] =	ssyncadd.s32 $0xFFFFFF80  }
0xb2: {  	_ =	swait.ge [sflag:s10], $0x80  }
0xb3: {  	[sflag:s10] =	ssyncset.done $0x0  }
0xb4: {  	[sflag:s10] =	ssyncadd.s32 $0xFFFFFF80  }
0xb5: {  	_ =	swait.ge [sflag:s10], $0x80  }
0xb6: {  	[sflag:s10] =	ssyncset.done $0x0  }
0xb7: {  	[sflag:s10] =	ssyncadd.s32 $0xFFFFFF80  }
0xb8: {  	_ =	swait.ge [sflag:s10], $0x80  }
0xb9: {  	[sflag:s10] =	ssyncset.done $0x0  }
0xba: {  	[sflag:s10] =	ssyncadd.s32 $0xFFFFFF80  }
0xbb: {  	[bflag:$0x0] =	sbarrier.arrive $0xFFFF  }
0xbc: {  	[tilespmem:s8], [sflag:$0x2] =	stream.linear.gather [spmem:s5], $0x280, $0x38;
	[tilespmem:$0x2D80] =	vst v63  }
0xbd: {  	s13 =	sadd.s32 $0x1, s13;
	_ =	swait.ge [sflag:s9], $0x280  }
0xbe: {  	p0 =	sne.s32 s13, s7;
	[sflag:s9] =	ssyncset.done $0x0  }
.Ltmp1:
0xbf: {  	[sflag:s9] =	ssyncadd.s32 $0xFFFFFD80;
	(pc) =	sbr.rel @p0 .LBB2_1-.Ltmp1, $4  }
0xc0: {  	[hbm4b:s6+s3] =	stream.linear.scatter [tilespmem:s8], [sflag:$0x2], $0x280, $0x38;
	[tilespmem:$0x2D80] =	vst v63  }
0xc1: {  	_ =	swait.ge [sflag:s9], $0x280  }
0xc2: {  	[sflag:s9] =	ssyncset.done $0x0  }
0xc3: {  	[sflag:s9] =	ssyncadd.s32 $0xFFFFFD80  }
0xc4: {  	_ =	sfence.sel $0x180000  }
0xc5: {  	[bflag:$0x0] =	sbarrier.arrive $0xFFFF  }
0xc6: {  	p0 =	sne.s32 s1, $0x0;
	_ =	strace $0x90000047  }
0xc7: {  	s0 =	sadd.s32 @!p0 $0x100000, s0;
	[bflag:$0x2] =	sbarrier.arrive $0xFFFF  }
0xc8: {  	[sflag:s0] =	ssyncadd.tile.s32 @!p0 $0x1;
	_ =	shalt  }
.Lfunc_end2:
_tile_overlayer_lowered:
.L_overlay_start_2:
0xc9: {  	(tag) =	ssettag $0x2  }
0xca: {  	s0 =	rddreg [dreg:$0x0];
	s2 =	stileid.u32  }
0xcb: {  	s1 =	rddreg [dreg:$0x1];
	p0 =	sne.s32 s2, $0x0  }
0xcc: {  	s3 =	rddreg [dreg:$0x2];
	[bflag:$0x3] =	sbarrier.arrive $0xFFFF;
	s2 =	simm.s32 @!p0 $0x1C02  }
0xcd: {  	[timem:s3], [sflag:s2] =	dma.local @!p0 [hbm:s0], s1  }
0xce: {  	s0 =	simm.s32 @!p0 $0x2  }
0xcf: {  	_ =	swait.ge @!p0 [sflag:s0], s1  }
0xd0: {  	s1 =	ssub.s32 @!p0 $0x0, s1;
	[sflag:s0] =	ssyncset.done @!p0 $0x0  }
0xd1: {  	[sflag:s0] =	ssyncadd.s32 @!p0 s1  }
0xd2: {  	[bflag:$0x3] =	sbarrier.arrive $0xFFFF  }
0xd3: {  	_ =	shalt  }

</sc_bundles>
